<compile_context>
chip_gen: v7x
topology: tpu7x:2x2x1
jax: 0.10.2.dev20260603
libtpu: 0.0.44.dev20260713+nightly
codegen_flags: <defaults>
</compile_context>

<pallas_src>
import functools

import jax
import jax.numpy as jnp
from jax import lax
from jax.experimental import pallas as pl
from jax.experimental.pallas import tpu as pltpu, tpu_sc as plsc

B, L, D, H, DFF, N = 16, 512, 1024, 8, 4096, 4096
DH = D // H

NC, NS = 2, 16
NW = NC * NS


def _sc_gather(table, idx, n_rows, chunk):
  per_w = n_rows // NW
  n_chunks = per_w // chunk
  mesh = plsc.VectorSubcoreMesh(core_axis_name="c", subcore_axis_name="s")

  @functools.partial(
      pl.kernel,
      mesh=mesh,
      out_type=jax.ShapeDtypeStruct((n_rows, D), jnp.float32),
      scratch_types=[
          pltpu.VMEM((n_chunks, chunk), jnp.int32),
          pltpu.VMEM((chunk, D), jnp.float32),
          pltpu.SemaphoreType.DMA,
      ],
  )
  def gather_kernel(idx_hbm, table_hbm, out_hbm, idx_v, rows_v, sem):
    wid = lax.axis_index("s") * NC + lax.axis_index("c")
    base = wid * per_w
    pltpu.sync_copy(idx_hbm.at[wid], idx_v)
    for c in range(n_chunks):
      pltpu.async_copy(table_hbm.at[idx_v.at[c]], rows_v, sem).wait()
      pltpu.sync_copy(rows_v, out_hbm.at[pl.ds(base + c * chunk, chunk)])

  return gather_kernel(idx.reshape(NW, n_chunks, chunk), table)


def _ln_rows(y, g, b):
  m = jnp.mean(y, axis=1, keepdims=True)
  d = y - m
  v = jnp.mean(d * d, axis=1, keepdims=True)
  return d * lax.rsqrt(v + 1e-5) * g + b


def _attn_body(len_ref, x_ref, wq_ref, wk_ref, wv_ref, wo_ref,
               bq_ref, bk_ref, bv_ref, bo_ref,
               g1_ref, t1_ref, out_ref, ctx_ref):
  bidx = pl.program_id(0)
  seqlen = len_ref[bidx, 0]
  cols = lax.broadcasted_iota(jnp.int32, (1, L), 1)
  addmask = jnp.where(cols < seqlen, 0.0, -1e9)
  x = x_ref[0]
  q = jnp.dot(x, wq_ref[...], preferred_element_type=jnp.float32) + bq_ref[...]
  k = jnp.dot(x, wk_ref[...], preferred_element_type=jnp.float32) + bk_ref[...]
  v = jnp.dot(x, wv_ref[...], preferred_element_type=jnp.float32) + bv_ref[...]
  scale = 1.0 / (DH ** 0.5)
  for h in range(H):
    sl = slice(h * DH, (h + 1) * DH)
    qh, kh, vh = q[:, sl], k[:, sl], v[:, sl]
    s = lax.dot_general(qh, kh, (((1,), (1,)), ((), ())),
                        preferred_element_type=jnp.float32)
    s = s * scale + addmask
    m = jnp.max(s, axis=1, keepdims=True)
    e = jnp.exp(s - m)
    p = e / jnp.sum(e, axis=1, keepdims=True)
    ctx_ref[:, sl] = jnp.dot(p, vh, preferred_element_type=jnp.float32)
  att = jnp.dot(ctx_ref[...], wo_ref[...],
                preferred_element_type=jnp.float32) + bo_ref[...]
  out_ref[0] = _ln_rows(x + att, g1_ref[...], t1_ref[...])


def _attention(x, lengths, Wq, Wk, Wv, Wo, bq, bk, bv, bo, ln1_g, ln1_b):
  full = lambda shape: pl.BlockSpec(shape, lambda b: (0,) * len(shape))
  nb = x.shape[0]
  return pl.pallas_call(
      _attn_body,
      grid=(nb,),
      in_specs=[
          pl.BlockSpec(memory_space=pltpu.SMEM),
          pl.BlockSpec((1, L, D), lambda b: (b, 0, 0)),
          full((D, D)), full((D, D)), full((D, D)), full((D, D)),
          full((1, D)), full((1, D)), full((1, D)), full((1, D)),
          full((1, D)), full((1, D)),
      ],
      out_specs=pl.BlockSpec((1, L, D), lambda b: (b, 0, 0)),
      out_shape=jax.ShapeDtypeStruct((nb, L, D), jnp.float32),
      scratch_shapes=[pltpu.VMEM((L, D), jnp.float32)],
  )(lengths, x, Wq, Wk, Wv, Wo, bq, bk, bv, bo, ln1_g, ln1_b)


_FR = 128
_FSTEPS = (B * L) // _FR
_WNB = N // _FSTEPS
_WPC = 1024


def _ffn_body(len_ref, h_ref, w1_ref, w2_ref, b1_ref, b2_ref, g2_ref, t2_ref,
              out_ref):
  i = pl.program_id(0)
  nsub = L // _FR
  e = i // nsub
  j = i % nsub

  @pl.when(j * _FR < len_ref[e, 0])
  def _():
    h1 = h_ref[...]
    mid = jnp.maximum(
        jnp.dot(h1, w1_ref[...], preferred_element_type=jnp.float32)
        + b1_ref[...], 0.0)
    ff = (jnp.dot(mid, w2_ref[...], preferred_element_type=jnp.float32)
          + b2_ref[...])
    out_ref[...] = _ln_rows(h1 + ff, g2_ref[...], t2_ref[...])


def _ffn(h1, lengths, W1, W2, b1, b2, ln2_g, ln2_b):
  full = lambda shape: pl.BlockSpec(shape, lambda i: (0,) * len(shape))
  rows = B * L
  return pl.pallas_call(
      _ffn_body,
      grid=(rows // _FR,),
      in_specs=[
          pl.BlockSpec(memory_space=pltpu.SMEM),
          pl.BlockSpec((_FR, D), lambda i: (i, 0)),
          full((D, DFF)), full((DFF, D)),
          full((1, DFF)), full((1, D)), full((1, D)), full((1, D)),
      ],
      out_specs=pl.BlockSpec((_FR, D), lambda i: (i, 0)),
      out_shape=jax.ShapeDtypeStruct((rows, D), jnp.float32),
  )(lengths, h1, W1, W2, b1, b2, ln2_g, ln2_b)


_NB = 8
_NBS = N // _NB
_PBS = 1024


def _winner_body(idx_ref, widx_ref, valid_ref):
  for nb in range(_NB):
    nids = nb * _NBS + lax.broadcasted_iota(jnp.int32, (1, _NBS), 1)
    best = jnp.full((1, _NBS), -1, jnp.int32)
    for pb in range(B * L // _PBS):
      c = idx_ref[pl.ds(pb * _PBS, _PBS), :]
      pos = pb * _PBS + lax.broadcasted_iota(jnp.int32, (_PBS, _NBS), 0)
      cand = jnp.where(c == nids, pos, -1)
      best = jnp.maximum(best, jnp.max(cand, axis=0, keepdims=True))
    widx_ref[pl.ds(nb, 1), :] = jnp.maximum(best, 0)
    valid_ref[pl.ds(nb, 1), :] = (best >= 0).astype(jnp.float32)


def _winner(idx_flat):
  return pl.pallas_call(
      _winner_body,
      in_specs=[pl.BlockSpec((B * L, 1), lambda: (0, 0))],
      out_specs=[pl.BlockSpec((_NB, _NBS), lambda: (0, 0)),
                 pl.BlockSpec((_NB, _NBS), lambda: (0, 0))],
      out_shape=[jax.ShapeDtypeStruct((_NB, _NBS), jnp.int32),
                 jax.ShapeDtypeStruct((_NB, _NBS), jnp.float32)],
  )(idx_flat.reshape(B * L, 1))


def _final_ln_body(y_ref, valid_ref, g_ref, b_ref, out_ref):
  y = y_ref[...] * valid_ref[...]
  out_ref[...] = _ln_rows(y, g_ref[...], b_ref[...])


def _final_ln(rows, valid, norm_g, norm_b):
  blk = 512
  return pl.pallas_call(
      _final_ln_body,
      grid=(N // blk,),
      in_specs=[
          pl.BlockSpec((blk, D), lambda i: (i, 0)),
          pl.BlockSpec((blk, 1), lambda i: (i, 0)),
          pl.BlockSpec((1, D), lambda i: (0, 0)),
          pl.BlockSpec((1, D), lambda i: (0, 0)),
      ],
      out_specs=pl.BlockSpec((blk, D), lambda i: (i, 0)),
      out_shape=jax.ShapeDtypeStruct((N, D), jnp.float32),
  )(rows, valid, norm_g, norm_b)


def kernel(cfg_nodes_encodings, permutations, lengths, Wq, bq, Wk, bk, Wv, bv,
           Wo, bo, W1, b1, W2, b2, ln1_g, ln1_b, ln2_g, ln2_b, norm_g, norm_b):
  perm_flat = permutations.reshape(B * L)
  x_flat = _sc_gather(cfg_nodes_encodings, perm_flat, B * L, 64)

  mask = jnp.arange(L, dtype=jnp.int32)[None, :] < lengths[:, None]
  idx_flat = jnp.where(mask, permutations, N).reshape(B * L)
  widx, valid = _winner(idx_flat)

  lens2 = lengths.reshape(B, 1)
  h1 = _attention(x_flat.reshape(B, L, D), lens2, Wq, Wk, Wv, Wo,
                  bq.reshape(1, D), bk.reshape(1, D), bv.reshape(1, D),
                  bo.reshape(1, D), ln1_g.reshape(1, D), ln1_b.reshape(1, D))

  h = _ffn(h1.reshape(B * L, D), lens2, W1, W2,
           b1.reshape(1, DFF), b2.reshape(1, D),
           ln2_g.reshape(1, D), ln2_b.reshape(1, D))

  rows = _sc_gather(h, widx.reshape(N), N, 64)
  return _final_ln(rows, valid.reshape(N, 1),
                   norm_g.reshape(1, D), norm_b.reshape(1, D))

# --- scband reference (transcript-rebuilt; emitter-appended) ---
"""Pipeline reference for scband-single-flat-cfgnodes-seq-macro-encoder-11398843204174 (READ-ONLY COPY).

The authoritative reference and input builder live on the scoring server;
editing this copy changes nothing except your own understanding.
"""

import jax, jax.numpy as jnp
import numpy as np

B, L, D, H, DFF, N = 16, 512, 1024, 8, 4096, 4096
DH = D // H

def _ln(y, g, b):
    m = y.mean(-1, keepdims=True)
    v = y.var(-1, keepdims=True)
    return (y - m) / jnp.sqrt(v + 1e-5) * g + b

def setup_inputs(seed: int = 0):
    key = jax.random.key(seed)
    ks = jax.random.split(key, 12)
    s = 0.02
    return {
        "cfg_nodes_encodings": jax.random.normal(ks[0], (N, D), dtype=jnp.float32),
        "permutations": jax.random.randint(ks[1], (B, L), 0, N, dtype=jnp.int32),
        "lengths": jax.random.randint(ks[2], (B,), 1, L + 1, dtype=jnp.int32),
        "Wq": jax.random.normal(ks[3], (D, D), jnp.float32) * s,
        "bq": jnp.zeros((D,), jnp.float32),
        "Wk": jax.random.normal(ks[4], (D, D), jnp.float32) * s,
        "bk": jnp.zeros((D,), jnp.float32),
        "Wv": jax.random.normal(ks[5], (D, D), jnp.float32) * s,
        "bv": jnp.zeros((D,), jnp.float32),
        "Wo": jax.random.normal(ks[6], (D, D), jnp.float32) * s,
        "bo": jnp.zeros((D,), jnp.float32),
        "W1": jax.random.normal(ks[7], (D, DFF), jnp.float32) * s,
        "b1": jnp.zeros((DFF,), jnp.float32),
        "W2": jax.random.normal(ks[8], (DFF, D), jnp.float32) * s,
        "b2": jnp.zeros((D,), jnp.float32),
        "ln1_g": jnp.ones((D,), jnp.float32),
        "ln1_b": jnp.zeros((D,), jnp.float32),
        "ln2_g": jnp.ones((D,), jnp.float32),
        "ln2_b": jnp.zeros((D,), jnp.float32),
        "norm_g": jnp.ones((D,), jnp.float32),
        "norm_b": jnp.zeros((D,), jnp.float32),
    }

def reference(cfg_nodes_encodings, permutations, lengths, Wq, bq, Wk, bk, Wv, bv, Wo, bo, W1, b1, W2, b2, ln1_g, ln1_b, ln2_g, ln2_b, norm_g, norm_b):
    mask = jnp.arange(L)[None, :] < lengths[:, None]
    # unflatten: gather flat node encodings by per-example random permutation indices
    x = cfg_nodes_encodings[permutations]
    x = jnp.where(mask[:, :, None], x, 0.0)
    # sequence encoder: one transformer encoder layer with padding mask
    q = (x @ Wq + bq).reshape(B, L, H, DH).transpose(0, 2, 1, 3)
    k = (x @ Wk + bk).reshape(B, L, H, DH).transpose(0, 2, 1, 3)
    v = (x @ Wv + bv).reshape(B, L, H, DH).transpose(0, 2, 1, 3)
    scores = (q @ k.transpose(0, 1, 3, 2)) / jnp.sqrt(jnp.float32(DH))
    scores = jnp.where(mask[:, None, None, :], scores, -1e9)
    att = jax.nn.softmax(scores, axis=-1)
    ctx = (att @ v).transpose(0, 2, 1, 3).reshape(B, L, D)
    h = _ln(x + ctx @ Wo + bo, ln1_g, ln1_b)
    ff = jax.nn.relu(h @ W1 + b1) @ W2 + b2
    h = _ln(h + ff, ln2_g, ln2_b)
    path_encodings = jnp.where(mask[:, :, None], h, 0.0)
    # reflatten: scatter-overwrite back to flat node table, sentinel row N for padding
    idx = jnp.where(mask, permutations, N).reshape(B * L)
    flat = path_encodings.reshape(B * L, D)
    new_enc = jnp.zeros((N + 1, D), dtype=cfg_nodes_encodings.dtype).at[idx].set(flat)
    out = _ln(new_enc[:-1], norm_g, norm_b)
    return out

if __name__ == "__main__":
    import jax
    _d = setup_inputs()
    print(jax.jit(kernel)(*tuple(_d.values())))

</pallas_src>

<mosaic_0001>
#map = affine_map<(d0, d1) -> (0, 0, 0)>
#map1 = affine_map<(d0, d1) -> (0, 0)>
module attributes {stable_mosaic.version = 14 : i64} {
  func.func @gather_kernel(%arg0: i32, %arg1: i32, %arg2: memref<32x2x64xi32, #tpu.memory_space<hbm>>, %arg3: memref<8192x1024xf32, #tpu.memory_space<hbm>>, %arg4: memref<4096x1024xf32, #tpu.memory_space<hbm>>, %arg5: memref<2x64xi32, #tpu.memory_space<vmem>>, %arg6: memref<64x1024xf32, #tpu.memory_space<vmem>>, %arg7: memref<!tpu.dma_semaphore, #tpu.memory_space<semaphore_mem>>) attributes {dimension_semantics = [#tpu.dimension_semantics<core_parallel>, #tpu.dimension_semantics<subcore_parallel>], iteration_bounds = array<i64: 2, 16>, scalar_prefetch = 0 : i64, scratch_operands = 3 : i64, tpu.core_type = #tpu.core_type<sc_vector_subcore>, window_params = [{transform_indices = #map}, {transform_indices = #map1}, {transform_indices = #map1}]} {
    %mul3A = arith.constant 2 : i32
    %mul3A_0 = arith.muli %arg1, %mul3A : i32
    %add3A = arith.addi %mul3A_0, %arg0 : i32
    %mul3A_1 = arith.constant 128 : i32
    %mul3A_2 = arith.muli %add3A, %mul3A_1 : i32
    "tpu.region"() ({
      %run_scoped3A = tpu.sem_alloc : memref<!tpu.dma_semaphore, #tpu.memory_space<semaphore_mem>>
      %dma_start3A_33 = arith.constant 0 : i32
      %dma_start3A_34 = arith.constant 0 : i32
      %dma_start3A_35 = tpu.memref_slice %arg2[%add3A, %dma_start3A_33, %dma_start3A_34] : memref<32x2x64xi32, #tpu.memory_space<hbm>> -> memref<1x2x64xi32, #tpu.memory_space<hbm>>
      %dma_start3A_36 = tpu.memref_squeeze %dma_start3A_35 : memref<1x2x64xi32, #tpu.memory_space<hbm>> -> memref<2x64xi32, #tpu.memory_space<hbm>>
      %dma_start3A_37 = arith.constant 0 : i32
      %dma_start3A_38 = arith.constant 0 : i32
      %dma_start3A_39 = tpu.memref_slice %arg2[%add3A, %dma_start3A_37, %dma_start3A_38] : memref<32x2x64xi32, #tpu.memory_space<hbm>> -> memref<1x2x64xi32, #tpu.memory_space<hbm>>
      %dma_start3A_40 = tpu.memref_squeeze %dma_start3A_39 : memref<1x2x64xi32, #tpu.memory_space<hbm>> -> memref<2x64xi32, #tpu.memory_space<hbm>>
      tpu.enqueue_dma source(%dma_start3A_40 : memref<2x64xi32, #tpu.memory_space<hbm>>) target(%arg5 : memref<2x64xi32, #tpu.memory_space<vmem>>) target_semaphore(%run_scoped3A : memref<!tpu.dma_semaphore, #tpu.memory_space<semaphore_mem>>)
      %dma_wait3A_41 = arith.constant 0 : i32
      %dma_wait3A_42 = arith.constant 0 : i32
      %dma_wait3A_43 = tpu.memref_slice %arg2[%add3A, %dma_wait3A_41, %dma_wait3A_42] : memref<32x2x64xi32, #tpu.memory_space<hbm>> -> memref<1x2x64xi32, #tpu.memory_space<hbm>>
      %dma_wait3A_44 = tpu.memref_squeeze %dma_wait3A_43 : memref<1x2x64xi32, #tpu.memory_space<hbm>> -> memref<2x64xi32, #tpu.memory_space<hbm>>
      %dma_wait3A_45 = arith.constant 0 : i32
      %dma_wait3A_46 = arith.constant 0 : i32
      %dma_wait3A_47 = tpu.memref_slice %arg2[%add3A, %dma_wait3A_45, %dma_wait3A_46] : memref<32x2x64xi32, #tpu.memory_space<hbm>> -> memref<1x2x64xi32, #tpu.memory_space<hbm>>
      %dma_wait3A_48 = tpu.memref_squeeze %dma_wait3A_47 : memref<1x2x64xi32, #tpu.memory_space<hbm>> -> memref<2x64xi32, #tpu.memory_space<hbm>>
      tpu.wait_dma2 semaphore(%run_scoped3A : memref<!tpu.dma_semaphore, #tpu.memory_space<semaphore_mem>>) src(%dma_wait3A_48 : memref<2x64xi32, #tpu.memory_space<hbm>>) dst(%arg5 : memref<2x64xi32, #tpu.memory_space<vmem>>)
      tpu.yield
    }) : () -> ()
    %dma_start3A = arith.constant 0 : i32
    %dma_start3A_3 = arith.constant 0 : i32
    %dma_start3A_4 = tpu.memref_slice %arg5[%dma_start3A, %dma_start3A_3] : memref<2x64xi32, #tpu.memory_space<vmem>> -> memref<1x64xi32, #tpu.memory_space<vmem>>
    %dma_start3A_5 = tpu.memref_squeeze %dma_start3A_4 : memref<1x64xi32, #tpu.memory_space<vmem>> -> memref<64xi32, #tpu.memory_space<vmem>>
    %dma_start3A_6 = arith.constant 0 : i32
    %dma_start3A_7 = arith.constant 0 : i32
    %dma_start3A_8 = tpu.memref_slice %arg3[%dma_start3A_6, %dma_start3A_7] : memref<8192x1024xf32, #tpu.memory_space<hbm>> -> memref<8192x1024xf32, #tpu.memory_space<hbm>>
    tpu.enqueue_indirect_dma source(%dma_start3A_8 : memref<8192x1024xf32, #tpu.memory_space<hbm>>) target(%arg6 : memref<64x1024xf32, #tpu.memory_space<vmem>>) offsets(%dma_start3A_5 : memref<64xi32, #tpu.memory_space<vmem>>) semaphore(%arg7 : memref<!tpu.dma_semaphore, #tpu.memory_space<semaphore_mem>>)
    %dma_wait3A = arith.constant 0 : i32
    %dma_wait3A_9 = arith.constant 0 : i32
    %dma_wait3A_10 = tpu.memref_slice %arg5[%dma_wait3A, %dma_wait3A_9] : memref<2x64xi32, #tpu.memory_space<vmem>> -> memref<1x64xi32, #tpu.memory_space<vmem>>
    %dma_wait3A_11 = tpu.memref_squeeze %dma_wait3A_10 : memref<1x64xi32, #tpu.memory_space<vmem>> -> memref<64xi32, #tpu.memory_space<vmem>>
    %dma_wait3A_12 = arith.constant 0 : i32
    %dma_wait3A_13 = arith.constant 0 : i32
    %dma_wait3A_14 = tpu.memref_slice %arg3[%dma_wait3A_12, %dma_wait3A_13] : memref<8192x1024xf32, #tpu.memory_space<hbm>> -> memref<8192x1024xf32, #tpu.memory_space<hbm>>
    tpu.wait_indirect_dma semaphore(%arg7 : memref<!tpu.dma_semaphore, #tpu.memory_space<semaphore_mem>>) src(%dma_wait3A_14 : memref<8192x1024xf32, #tpu.memory_space<hbm>>) dst(%arg6 : memref<64x1024xf32, #tpu.memory_space<vmem>>)
    %add3A_15 = arith.constant 0 : i32
    %add3A_16 = arith.addi %mul3A_2, %add3A_15 : i32
    "tpu.region"() ({
      %run_scoped3A = tpu.sem_alloc : memref<!tpu.dma_semaphore, #tpu.memory_space<semaphore_mem>>
      %dma_start3A_33 = arith.constant 0 : i32
      %dma_start3A_34 = tpu.memref_slice %arg4[%add3A_16, %dma_start3A_33] : memref<4096x1024xf32, #tpu.memory_space<hbm>> -> memref<64x1024xf32, #tpu.memory_space<hbm>>
      %dma_start3A_35 = arith.constant 0 : i32
      %dma_start3A_36 = tpu.memref_slice %arg4[%add3A_16, %dma_start3A_35] : memref<4096x1024xf32, #tpu.memory_space<hbm>> -> memref<64x1024xf32, #tpu.memory_space<hbm>>
      tpu.enqueue_dma source(%arg6 : memref<64x1024xf32, #tpu.memory_space<vmem>>) target(%dma_start3A_36 : memref<64x1024xf32, #tpu.memory_space<hbm>>) target_semaphore(%run_scoped3A : memref<!tpu.dma_semaphore, #tpu.memory_space<semaphore_mem>>)
      %dma_wait3A_37 = arith.constant 0 : i32
      %dma_wait3A_38 = tpu.memref_slice %arg4[%add3A_16, %dma_wait3A_37] : memref<4096x1024xf32, #tpu.memory_space<hbm>> -> memref<64x1024xf32, #tpu.memory_space<hbm>>
      %dma_wait3A_39 = arith.constant 0 : i32
      %dma_wait3A_40 = tpu.memref_slice %arg4[%add3A_16, %dma_wait3A_39] : memref<4096x1024xf32, #tpu.memory_space<hbm>> -> memref<64x1024xf32, #tpu.memory_space<hbm>>
      tpu.wait_dma2 semaphore(%run_scoped3A : memref<!tpu.dma_semaphore, #tpu.memory_space<semaphore_mem>>) src(%arg6 : memref<64x1024xf32, #tpu.memory_space<vmem>>) dst(%dma_wait3A_40 : memref<64x1024xf32, #tpu.memory_space<hbm>>)
      tpu.yield
    }) : () -> ()
    %dma_start3A_17 = arith.constant 1 : i32
    %dma_start3A_18 = arith.constant 0 : i32
    %dma_start3A_19 = tpu.memref_slice %arg5[%dma_start3A_17, %dma_start3A_18] : memref<2x64xi32, #tpu.memory_space<vmem>> -> memref<1x64xi32, #tpu.memory_space<vmem>>
    %dma_start3A_20 = tpu.memref_squeeze %dma_start3A_19 : memref<1x64xi32, #tpu.memory_space<vmem>> -> memref<64xi32, #tpu.memory_space<vmem>>
    %dma_start3A_21 = arith.constant 0 : i32
    %dma_start3A_22 = arith.constant 0 : i32
    %dma_start3A_23 = tpu.memref_slice %arg3[%dma_start3A_21, %dma_start3A_22] : memref<8192x1024xf32, #tpu.memory_space<hbm>> -> memref<8192x1024xf32, #tpu.memory_space<hbm>>
    tpu.enqueue_indirect_dma source(%dma_start3A_23 : memref<8192x1024xf32, #tpu.memory_space<hbm>>) target(%arg6 : memref<64x1024xf32, #tpu.memory_space<vmem>>) offsets(%dma_start3A_20 : memref<64xi32, #tpu.memory_space<vmem>>) semaphore(%arg7 : memref<!tpu.dma_semaphore, #tpu.memory_space<semaphore_mem>>)
    %dma_wait3A_24 = arith.constant 1 : i32
    %dma_wait3A_25 = arith.constant 0 : i32
    %dma_wait3A_26 = tpu.memref_slice %arg5[%dma_wait3A_24, %dma_wait3A_25] : memref<2x64xi32, #tpu.memory_space<vmem>> -> memref<1x64xi32, #tpu.memory_space<vmem>>
    %dma_wait3A_27 = tpu.memref_squeeze %dma_wait3A_26 : memref<1x64xi32, #tpu.memory_space<vmem>> -> memref<64xi32, #tpu.memory_space<vmem>>
    %dma_wait3A_28 = arith.constant 0 : i32
    %dma_wait3A_29 = arith.constant 0 : i32
    %dma_wait3A_30 = tpu.memref_slice %arg3[%dma_wait3A_28, %dma_wait3A_29] : memref<8192x1024xf32, #tpu.memory_space<hbm>> -> memref<8192x1024xf32, #tpu.memory_space<hbm>>
    tpu.wait_indirect_dma semaphore(%arg7 : memref<!tpu.dma_semaphore, #tpu.memory_space<semaphore_mem>>) src(%dma_wait3A_30 : memref<8192x1024xf32, #tpu.memory_space<hbm>>) dst(%arg6 : memref<64x1024xf32, #tpu.memory_space<vmem>>)
    %add3A_31 = arith.constant 64 : i32
    %add3A_32 = arith.addi %mul3A_2, %add3A_31 : i32
    "tpu.region"() ({
      %run_scoped3A = tpu.sem_alloc : memref<!tpu.dma_semaphore, #tpu.memory_space<semaphore_mem>>
      %dma_start3A_33 = arith.constant 0 : i32
      %dma_start3A_34 = tpu.memref_slice %arg4[%add3A_32, %dma_start3A_33] : memref<4096x1024xf32, #tpu.memory_space<hbm>> -> memref<64x1024xf32, #tpu.memory_space<hbm>>
      %dma_start3A_35 = arith.constant 0 : i32
      %dma_start3A_36 = tpu.memref_slice %arg4[%add3A_32, %dma_start3A_35] : memref<4096x1024xf32, #tpu.memory_space<hbm>> -> memref<64x1024xf32, #tpu.memory_space<hbm>>
      tpu.enqueue_dma source(%arg6 : memref<64x1024xf32, #tpu.memory_space<vmem>>) target(%dma_start3A_36 : memref<64x1024xf32, #tpu.memory_space<hbm>>) target_semaphore(%run_scoped3A : memref<!tpu.dma_semaphore, #tpu.memory_space<semaphore_mem>>)
      %dma_wait3A_37 = arith.constant 0 : i32
      %dma_wait3A_38 = tpu.memref_slice %arg4[%add3A_32, %dma_wait3A_37] : memref<4096x1024xf32, #tpu.memory_space<hbm>> -> memref<64x1024xf32, #tpu.memory_space<hbm>>
      %dma_wait3A_39 = arith.constant 0 : i32
      %dma_wait3A_40 = tpu.memref_slice %arg4[%add3A_32, %dma_wait3A_39] : memref<4096x1024xf32, #tpu.memory_space<hbm>> -> memref<64x1024xf32, #tpu.memory_space<hbm>>
      tpu.wait_dma2 semaphore(%run_scoped3A : memref<!tpu.dma_semaphore, #tpu.memory_space<semaphore_mem>>) src(%arg6 : memref<64x1024xf32, #tpu.memory_space<vmem>>) dst(%dma_wait3A_40 : memref<64x1024xf32, #tpu.memory_space<hbm>>)
      tpu.yield
    }) : () -> ()
    return
  }
}

#map = affine_map<(d0, d1) -> (0, 0, 0)>
#map1 = affine_map<(d0, d1) -> (0, 0)>
module attributes {stable_mosaic.version = 14 : i64} {
  func.func @gather_kernel(%arg0: i32, %arg1: i32, %arg2: memref<32x4x64xi32, #tpu.memory_space<hbm>>, %arg3: memref<4096x1024xf32, #tpu.memory_space<hbm>>, %arg4: memref<8192x1024xf32, #tpu.memory_space<hbm>>, %arg5: memref<4x64xi32, #tpu.memory_space<vmem>>, %arg6: memref<64x1024xf32, #tpu.memory_space<vmem>>, %arg7: memref<!tpu.dma_semaphore, #tpu.memory_space<semaphore_mem>>) attributes {dimension_semantics = [#tpu.dimension_semantics<core_parallel>, #tpu.dimension_semantics<subcore_parallel>], iteration_bounds = array<i64: 2, 16>, scalar_prefetch = 0 : i64, scratch_operands = 3 : i64, tpu.core_type = #tpu.core_type<sc_vector_subcore>, window_params = [{transform_indices = #map}, {transform_indices = #map1}, {transform_indices = #map1}]} {
    %mul3A = arith.constant 2 : i32
    %mul3A_0 = arith.muli %arg1, %mul3A : i32
    %add3A = arith.addi %mul3A_0, %arg0 : i32
    %mul3A_1 = arith.constant 256 : i32
    %mul3A_2 = arith.muli %add3A, %mul3A_1 : i32
    "tpu.region"() ({
      %run_scoped3A = tpu.sem_alloc : memref<!tpu.dma_semaphore, #tpu.memory_space<semaphore_mem>>
      %dma_start3A_65 = arith.constant 0 : i32
      %dma_start3A_66 = arith.constant 0 : i32
      %dma_start3A_67 = tpu.memref_slice %arg2[%add3A, %dma_start3A_65, %dma_start3A_66] : memref<32x4x64xi32, #tpu.memory_space<hbm>> -> memref<1x4x64xi32, #tpu.memory_space<hbm>>
      %dma_start3A_68 = tpu.memref_squeeze %dma_start3A_67 : memref<1x4x64xi32, #tpu.memory_space<hbm>> -> memref<4x64xi32, #tpu.memory_space<hbm>>
      %dma_start3A_69 = arith.constant 0 : i32
      %dma_start3A_70 = arith.constant 0 : i32
      %dma_start3A_71 = tpu.memref_slice %arg2[%add3A, %dma_start3A_69, %dma_start3A_70] : memref<32x4x64xi32, #tpu.memory_space<hbm>> -> memref<1x4x64xi32, #tpu.memory_space<hbm>>
      %dma_start3A_72 = tpu.memref_squeeze %dma_start3A_71 : memref<1x4x64xi32, #tpu.memory_space<hbm>> -> memref<4x64xi32, #tpu.memory_space<hbm>>
      tpu.enqueue_dma source(%dma_start3A_72 : memref<4x64xi32, #tpu.memory_space<hbm>>) target(%arg5 : memref<4x64xi32, #tpu.memory_space<vmem>>) target_semaphore(%run_scoped3A : memref<!tpu.dma_semaphore, #tpu.memory_space<semaphore_mem>>)
      %dma_wait3A_73 = arith.constant 0 : i32
      %dma_wait3A_74 = arith.constant 0 : i32
      %dma_wait3A_75 = tpu.memref_slice %arg2[%add3A, %dma_wait3A_73, %dma_wait3A_74] : memref<32x4x64xi32, #tpu.memory_space<hbm>> -> memref<1x4x64xi32, #tpu.memory_space<hbm>>
      %dma_wait3A_76 = tpu.memref_squeeze %dma_wait3A_75 : memref<1x4x64xi32, #tpu.memory_space<hbm>> -> memref<4x64xi32, #tpu.memory_space<hbm>>
      %dma_wait3A_77 = arith.constant 0 : i32
      %dma_wait3A_78 = arith.constant 0 : i32
      %dma_wait3A_79 = tpu.memref_slice %arg2[%add3A, %dma_wait3A_77, %dma_wait3A_78] : memref<32x4x64xi32, #tpu.memory_space<hbm>> -> memref<1x4x64xi32, #tpu.memory_space<hbm>>
      %dma_wait3A_80 = tpu.memref_squeeze %dma_wait3A_79 : memref<1x4x64xi32, #tpu.memory_space<hbm>> -> memref<4x64xi32, #tpu.memory_space<hbm>>
      tpu.wait_dma2 semaphore(%run_scoped3A : memref<!tpu.dma_semaphore, #tpu.memory_space<semaphore_mem>>) src(%dma_wait3A_80 : memref<4x64xi32, #tpu.memory_space<hbm>>) dst(%arg5 : memref<4x64xi32, #tpu.memory_space<vmem>>)
      tpu.yield
    }) : () -> ()
    %dma_start3A = arith.constant 0 : i32
    %dma_start3A_3 = arith.constant 0 : i32
    %dma_start3A_4 = tpu.memref_slice %arg5[%dma_start3A, %dma_start3A_3] : memref<4x64xi32, #tpu.memory_space<vmem>> -> memref<1x64xi32, #tpu.memory_space<vmem>>
    %dma_start3A_5 = tpu.memref_squeeze %dma_start3A_4 : memref<1x64xi32, #tpu.memory_space<vmem>> -> memref<64xi32, #tpu.memory_space<vmem>>
    %dma_start3A_6 = arith.constant 0 : i32
    %dma_start3A_7 = arith.constant 0 : i32
    %dma_start3A_8 = tpu.memref_slice %arg3[%dma_start3A_6, %dma_start3A_7] : memref<4096x1024xf32, #tpu.memory_space<hbm>> -> memref<4096x1024xf32, #tpu.memory_space<hbm>>
    tpu.enqueue_indirect_dma source(%dma_start3A_8 : memref<4096x1024xf32, #tpu.memory_space<hbm>>) target(%arg6 : memref<64x1024xf32, #tpu.memory_space<vmem>>) offsets(%dma_start3A_5 : memref<64xi32, #tpu.memory_space<vmem>>) semaphore(%arg7 : memref<!tpu.dma_semaphore, #tpu.memory_space<semaphore_mem>>)
    %dma_wait3A = arith.constant 0 : i32
    %dma_wait3A_9 = arith.constant 0 : i32
    %dma_wait3A_10 = tpu.memref_slice %arg5[%dma_wait3A, %dma_wait3A_9] : memref<4x64xi32, #tpu.memory_space<vmem>> -> memref<1x64xi32, #tpu.memory_space<vmem>>
    %dma_wait3A_11 = tpu.memref_squeeze %dma_wait3A_10 : memref<1x64xi32, #tpu.memory_space<vmem>> -> memref<64xi32, #tpu.memory_space<vmem>>
    %dma_wait3A_12 = arith.constant 0 : i32
    %dma_wait3A_13 = arith.constant 0 : i32
    %dma_wait3A_14 = tpu.memref_slice %arg3[%dma_wait3A_12, %dma_wait3A_13] : memref<4096x1024xf32, #tpu.memory_space<hbm>> -> memref<4096x1024xf32, #tpu.memory_space<hbm>>
    tpu.wait_indirect_dma semaphore(%arg7 : memref<!tpu.dma_semaphore, #tpu.memory_space<semaphore_mem>>) src(%dma_wait3A_14 : memref<4096x1024xf32, #tpu.memory_space<hbm>>) dst(%arg6 : memref<64x1024xf32, #tpu.memory_space<vmem>>)
    %add3A_15 = arith.constant 0 : i32
    %add3A_16 = arith.addi %mul3A_2, %add3A_15 : i32
    "tpu.region"() ({
      %run_scoped3A = tpu.sem_alloc : memref<!tpu.dma_semaphore, #tpu.memory_space<semaphore_mem>>
      %dma_start3A_65 = arith.constant 0 : i32
      %dma_start3A_66 = tpu.memref_slice %arg4[%add3A_16, %dma_start3A_65] : memref<8192x1024xf32, #tpu.memory_space<hbm>> -> memref<64x1024xf32, #tpu.memory_space<hbm>>
      %dma_start3A_67 = arith.constant 0 : i32
      %dma_start3A_68 = tpu.memref_slice %arg4[%add3A_16, %dma_start3A_67] : memref<8192x1024xf32, #tpu.memory_space<hbm>> -> memref<64x1024xf32, #tpu.memory_space<hbm>>
      tpu.enqueue_dma source(%arg6 : memref<64x1024xf32, #tpu.memory_space<vmem>>) target(%dma_start3A_68 : memref<64x1024xf32, #tpu.memory_space<hbm>>) target_semaphore(%run_scoped3A : memref<!tpu.dma_semaphore, #tpu.memory_space<semaphore_mem>>)
      %dma_wait3A_69 = arith.constant 0 : i32
      %dma_wait3A_70 = tpu.memref_slice %arg4[%add3A_16, %dma_wait3A_69] : memref<8192x1024xf32, #tpu.memory_space<hbm>> -> memref<64x1024xf32, #tpu.memory_space<hbm>>
      %dma_wait3A_71 = arith.constant 0 : i32
      %dma_wait3A_72 = tpu.memref_slice %arg4[%add3A_16, %dma_wait3A_71] : memref<8192x1024xf32, #tpu.memory_space<hbm>> -> memref<64x1024xf32, #tpu.memory_space<hbm>>
      tpu.wait_dma2 semaphore(%run_scoped3A : memref<!tpu.dma_semaphore, #tpu.memory_space<semaphore_mem>>) src(%arg6 : memref<64x1024xf32, #tpu.memory_space<vmem>>) dst(%dma_wait3A_72 : memref<64x1024xf32, #tpu.memory_space<hbm>>)
      tpu.yield
    }) : () -> ()
    %dma_start3A_17 = arith.constant 1 : i32
    %dma_start3A_18 = arith.constant 0 : i32
    %dma_start3A_19 = tpu.memref_slice %arg5[%dma_start3A_17, %dma_start3A_18] : memref<4x64xi32, #tpu.memory_space<vmem>> -> memref<1x64xi32, #tpu.memory_space<vmem>>
    %dma_start3A_20 = tpu.memref_squeeze %dma_start3A_19 : memref<1x64xi32, #tpu.memory_space<vmem>> -> memref<64xi32, #tpu.memory_space<vmem>>
    %dma_start3A_21 = arith.constant 0 : i32
    %dma_start3A_22 = arith.constant 0 : i32
    %dma_start3A_23 = tpu.memref_slice %arg3[%dma_start3A_21, %dma_start3A_22] : memref<4096x1024xf32, #tpu.memory_space<hbm>> -> memref<4096x1024xf32, #tpu.memory_space<hbm>>
    tpu.enqueue_indirect_dma source(%dma_start3A_23 : memref<4096x1024xf32, #tpu.memory_space<hbm>>) target(%arg6 : memref<64x1024xf32, #tpu.memory_space<vmem>>) offsets(%dma_start3A_20 : memref<64xi32, #tpu.memory_space<vmem>>) semaphore(%arg7 : memref<!tpu.dma_semaphore, #tpu.memory_space<semaphore_mem>>)
    %dma_wait3A_24 = arith.constant 1 : i32
    %dma_wait3A_25 = arith.constant 0 : i32
    %dma_wait3A_26 = tpu.memref_slice %arg5[%dma_wait3A_24, %dma_wait3A_25] : memref<4x64xi32, #tpu.memory_space<vmem>> -> memref<1x64xi32, #tpu.memory_space<vmem>>
    %dma_wait3A_27 = tpu.memref_squeeze %dma_wait3A_26 : memref<1x64xi32, #tpu.memory_space<vmem>> -> memref<64xi32, #tpu.memory_space<vmem>>
    %dma_wait3A_28 = arith.constant 0 : i32
    %dma_wait3A_29 = arith.constant 0 : i32
    %dma_wait3A_30 = tpu.memref_slice %arg3[%dma_wait3A_28, %dma_wait3A_29] : memref<4096x1024xf32, #tpu.memory_space<hbm>> -> memref<4096x1024xf32, #tpu.memory_space<hbm>>
    tpu.wait_indirect_dma semaphore(%arg7 : memref<!tpu.dma_semaphore, #tpu.memory_space<semaphore_mem>>) src(%dma_wait3A_30 : memref<4096x1024xf32, #tpu.memory_space<hbm>>) dst(%arg6 : memref<64x1024xf32, #tpu.memory_space<vmem>>)
    %add3A_31 = arith.constant 64 : i32
    %add3A_32 = arith.addi %mul3A_2, %add3A_31 : i32
    "tpu.region"() ({
      %run_scoped3A = tpu.sem_alloc : memref<!tpu.dma_semaphore, #tpu.memory_space<semaphore_mem>>
      %dma_start3A_65 = arith.constant 0 : i32
      %dma_start3A_66 = tpu.memref_slice %arg4[%add3A_32, %dma_start3A_65] : memref<8192x1024xf32, #tpu.memory_space<hbm>> -> memref<64x1024xf32, #tpu.memory_space<hbm>>
      %dma_start3A_67 = arith.constant 0 : i32
      %dma_start3A_68 = tpu.memref_slice %arg4[%add3A_32, %dma_start3A_67] : memref<8192x1024xf32, #tpu.memory_space<hbm>> -> memref<64x1024xf32, #tpu.memory_space<hbm>>
      tpu.enqueue_dma source(%arg6 : memref<64x1024xf32, #tpu.memory_space<vmem>>) target(%dma_start3A_68 : memref<64x1024xf32, #tpu.memory_space<hbm>>) target_semaphore(%run_scoped3A : memref<!tpu.dma_semaphore, #tpu.memory_space<semaphore_mem>>)
      %dma_wait3A_69 = arith.constant 0 : i32
      %dma_wait3A_70 = tpu.memref_slice %arg4[%add3A_32, %dma_wait3A_69] : memref<8192x1024xf32, #tpu.memory_space<hbm>> -> memref<64x1024xf32, #tpu.memory_space<hbm>>
      %dma_wait3A_71 = arith.constant 0 : i32
      %dma_wait3A_72 = tpu.memref_slice %arg4[%add3A_32, %dma_wait3A_71] : memref<8192x1024xf32, #tpu.memory_space<hbm>> -> memref<64x1024xf32, #tpu.memory_space<hbm>>
      tpu.wait_dma2 semaphore(%run_scoped3A : memref<!tpu.dma_semaphore, #tpu.memory_space<semaphore_mem>>) src(%arg6 : memref<64x1024xf32, #tpu.memory_space<vmem>>) dst(%dma_wait3A_72 : memref<64x1024xf32, #tpu.memory_space<hbm>>)
      tpu.yield
    }) : () -> ()
    %dma_start3A_33 = arith.constant 2 : i32
    %dma_start3A_34 = arith.constant 0 : i32
    %dma_start3A_35 = tpu.memref_slice %arg5[%dma_start3A_33, %dma_start3A_34] : memref<4x64xi32, #tpu.memory_space<vmem>> -> memref<1x64xi32, #tpu.memory_space<vmem>>
    %dma_start3A_36 = tpu.memref_squeeze %dma_start3A_35 : memref<1x64xi32, #tpu.memory_space<vmem>> -> memref<64xi32, #tpu.memory_space<vmem>>
    %dma_start3A_37 = arith.constant 0 : i32
    %dma_start3A_38 = arith.constant 0 : i32
    %dma_start3A_39 = tpu.memref_slice %arg3[%dma_start3A_37, %dma_start3A_38] : memref<4096x1024xf32, #tpu.memory_space<hbm>> -> memref<4096x1024xf32, #tpu.memory_space<hbm>>
    tpu.enqueue_indirect_dma source(%dma_start3A_39 : memref<4096x1024xf32, #tpu.memory_space<hbm>>) target(%arg6 : memref<64x1024xf32, #tpu.memory_space<vmem>>) offsets(%dma_start3A_36 : memref<64xi32, #tpu.memory_space<vmem>>) semaphore(%arg7 : memref<!tpu.dma_semaphore, #tpu.memory_space<semaphore_mem>>)
    %dma_wait3A_40 = arith.constant 2 : i32
    %dma_wait3A_41 = arith.constant 0 : i32
    %dma_wait3A_42 = tpu.memref_slice %arg5[%dma_wait3A_40, %dma_wait3A_41] : memref<4x64xi32, #tpu.memory_space<vmem>> -> memref<1x64xi32, #tpu.memory_space<vmem>>
    %dma_wait3A_43 = tpu.memref_squeeze %dma_wait3A_42 : memref<1x64xi32, #tpu.memory_space<vmem>> -> memref<64xi32, #tpu.memory_space<vmem>>
    %dma_wait3A_44 = arith.constant 0 : i32
    %dma_wait3A_45 = arith.constant 0 : i32
    %dma_wait3A_46 = tpu.memref_slice %arg3[%dma_wait3A_44, %dma_wait3A_45] : memref<4096x1024xf32, #tpu.memory_space<hbm>> -> memref<4096x1024xf32, #tpu.memory_space<hbm>>
    tpu.wait_indirect_dma semaphore(%arg7 : memref<!tpu.dma_semaphore, #tpu.memory_space<semaphore_mem>>) src(%dma_wait3A_46 : memref<4096x1024xf32, #tpu.memory_space<hbm>>) dst(%arg6 : memref<64x1024xf32, #tpu.memory_space<vmem>>)
    %add3A_47 = arith.constant 128 : i32
    %add3A_48 = arith.addi %mul3A_2, %add3A_47 : i32
    "tpu.region"() ({
      %run_scoped3A = tpu.sem_alloc : memref<!tpu.dma_semaphore, #tpu.memory_space<semaphore_mem>>
      %dma_start3A_65 = arith.constant 0 : i32
      %dma_start3A_66 = tpu.memref_slice %arg4[%add3A_48, %dma_start3A_65] : memref<8192x1024xf32, #tpu.memory_space<hbm>> -> memref<64x1024xf32, #tpu.memory_space<hbm>>
      %dma_start3A_67 = arith.constant 0 : i32
      %dma_start3A_68 = tpu.memref_slice %arg4[%add3A_48, %dma_start3A_67] : memref<8192x1024xf32, #tpu.memory_space<hbm>> -> memref<64x1024xf32, #tpu.memory_space<hbm>>
      tpu.enqueue_dma source(%arg6 : memref<64x1024xf32, #tpu.memory_space<vmem>>) target(%dma_start3A_68 : memref<64x1024xf32, #tpu.memory_space<hbm>>) target_semaphore(%run_scoped3A : memref<!tpu.dma_semaphore, #tpu.memory_space<semaphore_mem>>)
      %dma_wait3A_69 = arith.constant 0 : i32
      %dma_wait3A_70 = tpu.memref_slice %arg4[%add3A_48, %dma_wait3A_69] : memref<8192x1024xf32, #tpu.memory_space<hbm>> -> memref<64x1024xf32, #tpu.memory_space<hbm>>
      %dma_wait3A_71 = arith.constant 0 : i32
      %dma_wait3A_72 = tpu.memref_slice %arg4[%add3A_48, %dma_wait3A_71] : memref<8192x1024xf32, #tpu.memory_space<hbm>> -> memref<64x1024xf32, #tpu.memory_space<hbm>>
      tpu.wait_dma2 semaphore(%run_scoped3A : memref<!tpu.dma_semaphore, #tpu.memory_space<semaphore_mem>>) src(%arg6 : memref<64x1024xf32, #tpu.memory_space<vmem>>) dst(%dma_wait3A_72 : memref<64x1024xf32, #tpu.memory_space<hbm>>)
      tpu.yield
    }) : () -> ()
    %dma_start3A_49 = arith.constant 3 : i32
    %dma_start3A_50 = arith.constant 0 : i32
    %dma_start3A_51 = tpu.memref_slice %arg5[%dma_start3A_49, %dma_start3A_50] : memref<4x64xi32, #tpu.memory_space<vmem>> -> memref<1x64xi32, #tpu.memory_space<vmem>>
    %dma_start3A_52 = tpu.memref_squeeze %dma_start3A_51 : memref<1x64xi32, #tpu.memory_space<vmem>> -> memref<64xi32, #tpu.memory_space<vmem>>
    %dma_start3A_53 = arith.constant 0 : i32
    %dma_start3A_54 = arith.constant 0 : i32
    %dma_start3A_55 = tpu.memref_slice %arg3[%dma_start3A_53, %dma_start3A_54] : memref<4096x1024xf32, #tpu.memory_space<hbm>> -> memref<4096x1024xf32, #tpu.memory_space<hbm>>
    tpu.enqueue_indirect_dma source(%dma_start3A_55 : memref<4096x1024xf32, #tpu.memory_space<hbm>>) target(%arg6 : memref<64x1024xf32, #tpu.memory_space<vmem>>) offsets(%dma_start3A_52 : memref<64xi32, #tpu.memory_space<vmem>>) semaphore(%arg7 : memref<!tpu.dma_semaphore, #tpu.memory_space<semaphore_mem>>)
    %dma_wait3A_56 = arith.constant 3 : i32
    %dma_wait3A_57 = arith.constant 0 : i32
    %dma_wait3A_58 = tpu.memref_slice %arg5[%dma_wait3A_56, %dma_wait3A_57] : memref<4x64xi32, #tpu.memory_space<vmem>> -> memref<1x64xi32, #tpu.memory_space<vmem>>
    %dma_wait3A_59 = tpu.memref_squeeze %dma_wait3A_58 : memref<1x64xi32, #tpu.memory_space<vmem>> -> memref<64xi32, #tpu.memory_space<vmem>>
    %dma_wait3A_60 = arith.constant 0 : i32
    %dma_wait3A_61 = arith.constant 0 : i32
    %dma_wait3A_62 = tpu.memref_slice %arg3[%dma_wait3A_60, %dma_wait3A_61] : memref<4096x1024xf32, #tpu.memory_space<hbm>> -> memref<4096x1024xf32, #tpu.memory_space<hbm>>
    tpu.wait_indirect_dma semaphore(%arg7 : memref<!tpu.dma_semaphore, #tpu.memory_space<semaphore_mem>>) src(%dma_wait3A_62 : memref<4096x1024xf32, #tpu.memory_space<hbm>>) dst(%arg6 : memref<64x1024xf32, #tpu.memory_space<vmem>>)
    %add3A_63 = arith.constant 192 : i32
    %add3A_64 = arith.addi %mul3A_2, %add3A_63 : i32
    "tpu.region"() ({
      %run_scoped3A = tpu.sem_alloc : memref<!tpu.dma_semaphore, #tpu.memory_space<semaphore_mem>>
      %dma_start3A_65 = arith.constant 0 : i32
      %dma_start3A_66 = tpu.memref_slice %arg4[%add3A_64, %dma_start3A_65] : memref<8192x1024xf32, #tpu.memory_space<hbm>> -> memref<64x1024xf32, #tpu.memory_space<hbm>>
      %dma_start3A_67 = arith.constant 0 : i32
      %dma_start3A_68 = tpu.memref_slice %arg4[%add3A_64, %dma_start3A_67] : memref<8192x1024xf32, #tpu.memory_space<hbm>> -> memref<64x1024xf32, #tpu.memory_space<hbm>>
      tpu.enqueue_dma source(%arg6 : memref<64x1024xf32, #tpu.memory_space<vmem>>) target(%dma_start3A_68 : memref<64x1024xf32, #tpu.memory_space<hbm>>) target_semaphore(%run_scoped3A : memref<!tpu.dma_semaphore, #tpu.memory_space<semaphore_mem>>)
      %dma_wait3A_69 = arith.constant 0 : i32
      %dma_wait3A_70 = tpu.memref_slice %arg4[%add3A_64, %dma_wait3A_69] : memref<8192x1024xf32, #tpu.memory_space<hbm>> -> memref<64x1024xf32, #tpu.memory_space<hbm>>
      %dma_wait3A_71 = arith.constant 0 : i32
      %dma_wait3A_72 = tpu.memref_slice %arg4[%add3A_64, %dma_wait3A_71] : memref<8192x1024xf32, #tpu.memory_space<hbm>> -> memref<64x1024xf32, #tpu.memory_space<hbm>>
      tpu.wait_dma2 semaphore(%run_scoped3A : memref<!tpu.dma_semaphore, #tpu.memory_space<semaphore_mem>>) src(%arg6 : memref<64x1024xf32, #tpu.memory_space<vmem>>) dst(%dma_wait3A_72 : memref<64x1024xf32, #tpu.memory_space<hbm>>)
      tpu.yield
    }) : () -> ()
    return
  }
}

module attributes {stable_mosaic.version = 14 : i64} {
  func.func @_attn_body(%arg0: i32, %arg1: memref<16x1xi32, #tpu.memory_space<smem>>, %arg2: memref<1x512x1024xf32, #tpu.memory_space<vmem>>, %arg3: memref<1024x1024xf32, #tpu.memory_space<vmem>>, %arg4: memref<1024x1024xf32, #tpu.memory_space<vmem>>, %arg5: memref<1024x1024xf32, #tpu.memory_space<vmem>>, %arg6: memref<1024x1024xf32, #tpu.memory_space<vmem>>, %arg7: memref<1x1024xf32, #tpu.memory_space<vmem>>, %arg8: memref<1x1024xf32, #tpu.memory_space<vmem>>, %arg9: memref<1x1024xf32, #tpu.memory_space<vmem>>, %arg10: memref<1x1024xf32, #tpu.memory_space<vmem>>, %arg11: memref<1x1024xf32, #tpu.memory_space<vmem>>, %arg12: memref<1x1024xf32, #tpu.memory_space<vmem>>, %arg13: memref<1x512x1024xf32, #tpu.memory_space<vmem>>, %arg14: memref<512x1024xf32, #tpu.memory_space<vmem>>) attributes {dimension_semantics = [#tpu.dimension_semantics<arbitrary>], iteration_bounds = array<i64: 16>, scalar_prefetch = 0 : i64, scratch_operands = 1 : i64, tpu.core_type = #tpu.core_type<tc>, window_params = [{transform_indices = @transform_0, window_bounds = array<i64: 16, 1>}, {transform_indices = @transform_1, window_bounds = array<i64: 1, 512, 1024>}, {pipeline_mode = #tpu.pipeline_mode<synchronous>, transform_indices = @transform_2, window_bounds = array<i64: 1024, 1024>}, {pipeline_mode = #tpu.pipeline_mode<synchronous>, transform_indices = @transform_3, window_bounds = array<i64: 1024, 1024>}, {pipeline_mode = #tpu.pipeline_mode<synchronous>, transform_indices = @transform_4, window_bounds = array<i64: 1024, 1024>}, {pipeline_mode = #tpu.pipeline_mode<synchronous>, transform_indices = @transform_5, window_bounds = array<i64: 1024, 1024>}, {pipeline_mode = #tpu.pipeline_mode<synchronous>, transform_indices = @transform_6, window_bounds = array<i64: 1, 1024>}, {pipeline_mode = #tpu.pipeline_mode<synchronous>, transform_indices = @transform_7, window_bounds = array<i64: 1, 1024>}, {pipeline_mode = #tpu.pipeline_mode<synchronous>, transform_indices = @transform_8, window_bounds = array<i64: 1, 1024>}, {pipeline_mode = #tpu.pipeline_mode<synchronous>, transform_indices = @transform_9, window_bounds = array<i64: 1, 1024>}, {pipeline_mode = #tpu.pipeline_mode<synchronous>, transform_indices = @transform_10, window_bounds = array<i64: 1, 1024>}, {pipeline_mode = #tpu.pipeline_mode<synchronous>, transform_indices = @transform_11, window_bounds = array<i64: 1, 1024>}, {transform_indices = @transform_12, window_bounds = array<i64: 1, 512, 1024>}]} {
    %get3A = arith.index_cast %arg0 : i32 to index
    %get3A_0 = arith.constant 0 : index
    %get3A_1 = memref.load %arg1[%get3A, %get3A_0] : memref<16x1xi32, #tpu.memory_space<smem>>
    %iota3A = tpu.iota {dimensions = array<i32: 1>} : vector<1x512xi32>
    %lt3A = vector.broadcast %get3A_1 : i32 to vector<1x512xi32>
    %lt3A_2 = arith.cmpi slt, %iota3A, %lt3A : vector<1x512xi32>
    %jit3A = arith.constant 0.000000e+00 : f32
    %jit3A_3 = arith.constant -1.000000e+09 : f32
    %broadcast_in_dim3A = vector.broadcast %jit3A : f32 to vector<1x512xf32>
    %broadcast_in_dim3A_4 = vector.broadcast %jit3A_3 : f32 to vector<1x512xf32>
    %select_n3A = arith.select %lt3A_2, %broadcast_in_dim3A, %broadcast_in_dim3A_4 : vector<1x512xi1>, vector<1x512xf32>
    %get3A_5 = arith.constant 0 : index
    %get3A_6 = arith.constant 0 : index
    %get3A_7 = arith.constant 0 : index
    %get3A_8 = vector.load %arg2[%get3A_5, %get3A_6, %get3A_7] : memref<1x512x1024xf32, #tpu.memory_space<vmem>>, vector<1x512x1024xf32>
    %get3A_9 = vector.shape_cast %get3A_8 : vector<1x512x1024xf32> to vector<512x1024xf32>
    %get3A_10 = arith.constant 0 : index
    %get3A_11 = arith.constant 0 : index
    %get3A_12 = vector.load %arg3[%get3A_10, %get3A_11] : memref<1024x1024xf32, #tpu.memory_space<vmem>>, vector<1024x1024xf32>
    %dot_general3A = arith.constant dense<0.000000e+00> : vector<512x1024xf32>
    %dot_general3A_13 = tpu.matmul %get3A_9, %get3A_12, %dot_general3A {dimension_numbers = #tpu.dot_dimension_numbers<[1], [0], [0], [1], [0, 0, 1, 1], [], []>, transpose_lhs_hint = false} : vector<512x1024xf32>, vector<1024x1024xf32>, vector<512x1024xf32> -> vector<512x1024xf32>
    %get3A_14 = arith.constant 0 : index
    %get3A_15 = arith.constant 0 : index
    %get3A_16 = vector.load %arg7[%get3A_14, %get3A_15] : memref<1x1024xf32, #tpu.memory_space<vmem>>, vector<1x1024xf32>
    %add3A = vector.broadcast %get3A_16 : vector<1x1024xf32> to vector<512x1024xf32>
    %add3A_17 = arith.addf %dot_general3A_13, %add3A : vector<512x1024xf32>
    %get3A_18 = arith.constant 0 : index
    %get3A_19 = arith.constant 0 : index
    %get3A_20 = vector.load %arg4[%get3A_18, %get3A_19] : memref<1024x1024xf32, #tpu.memory_space<vmem>>, vector<1024x1024xf32>
    %dot_general3A_21 = arith.constant dense<0.000000e+00> : vector<512x1024xf32>
    %dot_general3A_22 = tpu.matmul %get3A_9, %get3A_20, %dot_general3A_21 {dimension_numbers = #tpu.dot_dimension_numbers<[1], [0], [0], [1], [0, 0, 1, 1], [], []>, transpose_lhs_hint = false} : vector<512x1024xf32>, vector<1024x1024xf32>, vector<512x1024xf32> -> vector<512x1024xf32>
    %get3A_23 = arith.constant 0 : index
    %get3A_24 = arith.constant 0 : index
    %get3A_25 = vector.load %arg8[%get3A_23, %get3A_24] : memref<1x1024xf32, #tpu.memory_space<vmem>>, vector<1x1024xf32>
    %add3A_26 = vector.broadcast %get3A_25 : vector<1x1024xf32> to vector<512x1024xf32>
    %add3A_27 = arith.addf %dot_general3A_22, %add3A_26 : vector<512x1024xf32>
    %get3A_28 = arith.constant 0 : index
    %get3A_29 = arith.constant 0 : index
    %get3A_30 = vector.load %arg5[%get3A_28, %get3A_29] : memref<1024x1024xf32, #tpu.memory_space<vmem>>, vector<1024x1024xf32>
    %dot_general3A_31 = arith.constant dense<0.000000e+00> : vector<512x1024xf32>
    %dot_general3A_32 = tpu.matmul %get3A_9, %get3A_30, %dot_general3A_31 {dimension_numbers = #tpu.dot_dimension_numbers<[1], [0], [0], [1], [0, 0, 1, 1], [], []>, transpose_lhs_hint = false} : vector<512x1024xf32>, vector<1024x1024xf32>, vector<512x1024xf32> -> vector<512x1024xf32>
    %get3A_33 = arith.constant 0 : index
    %get3A_34 = arith.constant 0 : index
    %get3A_35 = vector.load %arg9[%get3A_33, %get3A_34] : memref<1x1024xf32, #tpu.memory_space<vmem>>, vector<1x1024xf32>
    %add3A_36 = vector.broadcast %get3A_35 : vector<1x1024xf32> to vector<512x1024xf32>
    %add3A_37 = arith.addf %dot_general3A_32, %add3A_36 : vector<512x1024xf32>
    %slice3A = vector.extract_strided_slice %add3A_17 {offsets = [0, 0], sizes = [512, 128], strides = [1, 1]} : vector<512x1024xf32> to vector<512x128xf32>
    %slice3A_38 = vector.extract_strided_slice %add3A_27 {offsets = [0, 0], sizes = [512, 128], strides = [1, 1]} : vector<512x1024xf32> to vector<512x128xf32>
    %slice3A_39 = vector.extract_strided_slice %add3A_37 {offsets = [0, 0], sizes = [512, 128], strides = [1, 1]} : vector<512x1024xf32> to vector<512x128xf32>
    %dot_general3A_40 = arith.constant dense<0.000000e+00> : vector<512x512xf32>
    %dot_general3A_41 = tpu.matmul %slice3A, %slice3A_38, %dot_general3A_40 {dimension_numbers = #tpu.dot_dimension_numbers<[1], [1], [0], [0], [0, 0, 1, 0], [], []>, transpose_lhs_hint = false} : vector<512x128xf32>, vector<512x128xf32>, vector<512x512xf32> -> vector<512x512xf32>
    %mul3A = arith.constant 0.0883883461 : f32
    %mul3A_42 = vector.broadcast %mul3A : f32 to vector<512x512xf32>
    %mul3A_43 = arith.mulf %dot_general3A_41, %mul3A_42 : vector<512x512xf32>
    %add3A_44 = vector.broadcast %select_n3A : vector<1x512xf32> to vector<512x512xf32>
    %add3A_45 = arith.addf %mul3A_43, %add3A_44 : vector<512x512xf32>
    %reduce_max3A = arith.constant dense<0xFF800000> : vector<512xf32>
    %reduce_max3A_46 = vector.multi_reduction <maximumf>, %add3A_45, %reduce_max3A [1] : vector<512x512xf32> to vector<512xf32>
    %broadcast_in_dim3A_47 = vector.shape_cast %reduce_max3A_46 : vector<512xf32> to vector<512x1xf32>
    %sub3A = vector.broadcast %broadcast_in_dim3A_47 : vector<512x1xf32> to vector<512x512xf32>
    %sub3A_48 = arith.subf %add3A_45, %sub3A : vector<512x512xf32>
    %exp3A = math.exp %sub3A_48 : vector<512x512xf32>
    %reduce_sum3A = arith.constant dense<0.000000e+00> : vector<512xf32>
    %reduce_sum3A_49 = vector.multi_reduction <add>, %exp3A, %reduce_sum3A [1] : vector<512x512xf32> to vector<512xf32>
    %broadcast_in_dim3A_50 = vector.shape_cast %reduce_sum3A_49 : vector<512xf32> to vector<512x1xf32>
    %div3A = vector.broadcast %broadcast_in_dim3A_50 : vector<512x1xf32> to vector<512x512xf32>
    %div3A_51 = arith.divf %exp3A, %div3A : vector<512x512xf32>
    %dot_general3A_52 = arith.constant dense<0.000000e+00> : vector<512x128xf32>
    %dot_general3A_53 = tpu.matmul %div3A_51, %slice3A_39, %dot_general3A_52 {dimension_numbers = #tpu.dot_dimension_numbers<[1], [0], [0], [1], [0, 0, 1, 1], [], []>, transpose_lhs_hint = false} : vector<512x512xf32>, vector<512x128xf32>, vector<512x128xf32> -> vector<512x128xf32>
    %swap3A = arith.constant 0 : index
    %swap3A_54 = arith.constant 0 : index
    %swap3A_55 = vector.load %arg14[%swap3A, %swap3A_54] : memref<512x1024xf32, #tpu.memory_space<vmem>>, vector<512x128xf32>
    tpu.vector_store %arg14[%swap3A, %swap3A_54], %dot_general3A_53 {strides = array<i32>} : memref<512x1024xf32, #tpu.memory_space<vmem>>, vector<512x128xf32>,
    %slice3A_56 = vector.extract_strided_slice %add3A_17 {offsets = [0, 128], sizes = [512, 128], strides = [1, 1]} : vector<512x1024xf32> to vector<512x128xf32>
    %slice3A_57 = vector.extract_strided_slice %add3A_27 {offsets = [0, 128], sizes = [512, 128], strides = [1, 1]} : vector<512x1024xf32> to vector<512x128xf32>
    %slice3A_58 = vector.extract_strided_slice %add3A_37 {offsets = [0, 128], sizes = [512, 128], strides = [1, 1]} : vector<512x1024xf32> to vector<512x128xf32>
    %dot_general3A_59 = arith.constant dense<0.000000e+00> : vector<512x512xf32>
    %dot_general3A_60 = tpu.matmul %slice3A_56, %slice3A_57, %dot_general3A_59 {dimension_numbers = #tpu.dot_dimension_numbers<[1], [1], [0], [0], [0, 0, 1, 0], [], []>, transpose_lhs_hint = false} : vector<512x128xf32>, vector<512x128xf32>, vector<512x512xf32> -> vector<512x512xf32>
    %mul3A_61 = arith.constant 0.0883883461 : f32
    %mul3A_62 = vector.broadcast %mul3A_61 : f32 to vector<512x512xf32>
    %mul3A_63 = arith.mulf %dot_general3A_60, %mul3A_62 : vector<512x512xf32>
    %add3A_64 = vector.broadcast %select_n3A : vector<1x512xf32> to vector<512x512xf32>
    %add3A_65 = arith.addf %mul3A_63, %add3A_64 : vector<512x512xf32>
    %reduce_max3A_66 = arith.constant dense<0xFF800000> : vector<512xf32>
    %reduce_max3A_67 = vector.multi_reduction <maximumf>, %add3A_65, %reduce_max3A_66 [1] : vector<512x512xf32> to vector<512xf32>
    %broadcast_in_dim3A_68 = vector.shape_cast %reduce_max3A_67 : vector<512xf32> to vector<512x1xf32>
    %sub3A_69 = vector.broadcast %broadcast_in_dim3A_68 : vector<512x1xf32> to vector<512x512xf32>
    %sub3A_70 = arith.subf %add3A_65, %sub3A_69 : vector<512x512xf32>
    %exp3A_71 = math.exp %sub3A_70 : vector<512x512xf32>
    %reduce_sum3A_72 = arith.constant dense<0.000000e+00> : vector<512xf32>
    %reduce_sum3A_73 = vector.multi_reduction <add>, %exp3A_71, %reduce_sum3A_72 [1] : vector<512x512xf32> to vector<512xf32>
    %broadcast_in_dim3A_74 = vector.shape_cast %reduce_sum3A_73 : vector<512xf32> to vector<512x1xf32>
    %div3A_75 = vector.broadcast %broadcast_in_dim3A_74 : vector<512x1xf32> to vector<512x512xf32>
    %div3A_76 = arith.divf %exp3A_71, %div3A_75 : vector<512x512xf32>
    %dot_general3A_77 = arith.constant dense<0.000000e+00> : vector<512x128xf32>
    %dot_general3A_78 = tpu.matmul %div3A_76, %slice3A_58, %dot_general3A_77 {dimension_numbers = #tpu.dot_dimension_numbers<[1], [0], [0], [1], [0, 0, 1, 1], [], []>, transpose_lhs_hint = false} : vector<512x512xf32>, vector<512x128xf32>, vector<512x128xf32> -> vector<512x128xf32>
    %swap3A_79 = arith.constant 0 : index
    %swap3A_80 = arith.constant 128 : index
    %swap3A_81 = vector.load %arg14[%swap3A_79, %swap3A_80] : memref<512x1024xf32, #tpu.memory_space<vmem>>, vector<512x128xf32>
    tpu.vector_store %arg14[%swap3A_79, %swap3A_80], %dot_general3A_78 {strides = array<i32>} : memref<512x1024xf32, #tpu.memory_space<vmem>>, vector<512x128xf32>,
    %slice3A_82 = vector.extract_strided_slice %add3A_17 {offsets = [0, 256], sizes = [512, 128], strides = [1, 1]} : vector<512x1024xf32> to vector<512x128xf32>
    %slice3A_83 = vector.extract_strided_slice %add3A_27 {offsets = [0, 256], sizes = [512, 128], strides = [1, 1]} : vector<512x1024xf32> to vector<512x128xf32>
    %slice3A_84 = vector.extract_strided_slice %add3A_37 {offsets = [0, 256], sizes = [512, 128], strides = [1, 1]} : vector<512x1024xf32> to vector<512x128xf32>
    %dot_general3A_85 = arith.constant dense<0.000000e+00> : vector<512x512xf32>
    %dot_general3A_86 = tpu.matmul %slice3A_82, %slice3A_83, %dot_general3A_85 {dimension_numbers = #tpu.dot_dimension_numbers<[1], [1], [0], [0], [0, 0, 1, 0], [], []>, transpose_lhs_hint = false} : vector<512x128xf32>, vector<512x128xf32>, vector<512x512xf32> -> vector<512x512xf32>
    %mul3A_87 = arith.constant 0.0883883461 : f32
    %mul3A_88 = vector.broadcast %mul3A_87 : f32 to vector<512x512xf32>
    %mul3A_89 = arith.mulf %dot_general3A_86, %mul3A_88 : vector<512x512xf32>
    %add3A_90 = vector.broadcast %select_n3A : vector<1x512xf32> to vector<512x512xf32>
    %add3A_91 = arith.addf %mul3A_89, %add3A_90 : vector<512x512xf32>
    %reduce_max3A_92 = arith.constant dense<0xFF800000> : vector<512xf32>
    %reduce_max3A_93 = vector.multi_reduction <maximumf>, %add3A_91, %reduce_max3A_92 [1] : vector<512x512xf32> to vector<512xf32>
    %broadcast_in_dim3A_94 = vector.shape_cast %reduce_max3A_93 : vector<512xf32> to vector<512x1xf32>
    %sub3A_95 = vector.broadcast %broadcast_in_dim3A_94 : vector<512x1xf32> to vector<512x512xf32>
    %sub3A_96 = arith.subf %add3A_91, %sub3A_95 : vector<512x512xf32>
    %exp3A_97 = math.exp %sub3A_96 : vector<512x512xf32>
    %reduce_sum3A_98 = arith.constant dense<0.000000e+00> : vector<512xf32>
    %reduce_sum3A_99 = vector.multi_reduction <add>, %exp3A_97, %reduce_sum3A_98 [1] : vector<512x512xf32> to vector<512xf32>
    %broadcast_in_dim3A_100 = vector.shape_cast %reduce_sum3A_99 : vector<512xf32> to vector<512x1xf32>
    %div3A_101 = vector.broadcast %broadcast_in_dim3A_100 : vector<512x1xf32> to vector<512x512xf32>
    %div3A_102 = arith.divf %exp3A_97, %div3A_101 : vector<512x512xf32>
    %dot_general3A_103 = arith.constant dense<0.000000e+00> : vector<512x128xf32>
    %dot_general3A_104 = tpu.matmul %div3A_102, %slice3A_84, %dot_general3A_103 {dimension_numbers = #tpu.dot_dimension_numbers<[1], [0], [0], [1], [0, 0, 1, 1], [], []>, transpose_lhs_hint = false} : vector<512x512xf32>, vector<512x128xf32>, vector<512x128xf32> -> vector<512x128xf32>
    %swap3A_105 = arith.constant 0 : index
    %swap3A_106 = arith.constant 256 : index
    %swap3A_107 = vector.load %arg14[%swap3A_105, %swap3A_106] : memref<512x1024xf32, #tpu.memory_space<vmem>>, vector<512x128xf32>
    tpu.vector_store %arg14[%swap3A_105, %swap3A_106], %dot_general3A_104 {strides = array<i32>} : memref<512x1024xf32, #tpu.memory_space<vmem>>, vector<512x128xf32>,
    %slice3A_108 = vector.extract_strided_slice %add3A_17 {offsets = [0, 384], sizes = [512, 128], strides = [1, 1]} : vector<512x1024xf32> to vector<512x128xf32>
    %slice3A_109 = vector.extract_strided_slice %add3A_27 {offsets = [0, 384], sizes = [512, 128], strides = [1, 1]} : vector<512x1024xf32> to vector<512x128xf32>
    %slice3A_110 = vector.extract_strided_slice %add3A_37 {offsets = [0, 384], sizes = [512, 128], strides = [1, 1]} : vector<512x1024xf32> to vector<512x128xf32>
    %dot_general3A_111 = arith.constant dense<0.000000e+00> : vector<512x512xf32>
    %dot_general3A_112 = tpu.matmul %slice3A_108, %slice3A_109, %dot_general3A_111 {dimension_numbers = #tpu.dot_dimension_numbers<[1], [1], [0], [0], [0, 0, 1, 0], [], []>, transpose_lhs_hint = false} : vector<512x128xf32>, vector<512x128xf32>, vector<512x512xf32> -> vector<512x512xf32>
    %mul3A_113 = arith.constant 0.0883883461 : f32
    %mul3A_114 = vector.broadcast %mul3A_113 : f32 to vector<512x512xf32>
    %mul3A_115 = arith.mulf %dot_general3A_112, %mul3A_114 : vector<512x512xf32>
    %add3A_116 = vector.broadcast %select_n3A : vector<1x512xf32> to vector<512x512xf32>
    %add3A_117 = arith.addf %mul3A_115, %add3A_116 : vector<512x512xf32>
    %reduce_max3A_118 = arith.constant dense<0xFF800000> : vector<512xf32>
    %reduce_max3A_119 = vector.multi_reduction <maximumf>, %add3A_117, %reduce_max3A_118 [1] : vector<512x512xf32> to vector<512xf32>
    %broadcast_in_dim3A_120 = vector.shape_cast %reduce_max3A_119 : vector<512xf32> to vector<512x1xf32>
    %sub3A_121 = vector.broadcast %broadcast_in_dim3A_120 : vector<512x1xf32> to vector<512x512xf32>
    %sub3A_122 = arith.subf %add3A_117, %sub3A_121 : vector<512x512xf32>
    %exp3A_123 = math.exp %sub3A_122 : vector<512x512xf32>
    %reduce_sum3A_124 = arith.constant dense<0.000000e+00> : vector<512xf32>
    %reduce_sum3A_125 = vector.multi_reduction <add>, %exp3A_123, %reduce_sum3A_124 [1] : vector<512x512xf32> to vector<512xf32>
    %broadcast_in_dim3A_126 = vector.shape_cast %reduce_sum3A_125 : vector<512xf32> to vector<512x1xf32>
    %div3A_127 = vector.broadcast %broadcast_in_dim3A_126 : vector<512x1xf32> to vector<512x512xf32>
    %div3A_128 = arith.divf %exp3A_123, %div3A_127 : vector<512x512xf32>
    %dot_general3A_129 = arith.constant dense<0.000000e+00> : vector<512x128xf32>
    %dot_general3A_130 = tpu.matmul %div3A_128, %slice3A_110, %dot_general3A_129 {dimension_numbers = #tpu.dot_dimension_numbers<[1], [0], [0], [1], [0, 0, 1, 1], [], []>, transpose_lhs_hint = false} : vector<512x512xf32>, vector<512x128xf32>, vector<512x128xf32> -> vector<512x128xf32>
    %swap3A_131 = arith.constant 0 : index
    %swap3A_132 = arith.constant 384 : index
    %swap3A_133 = vector.load %arg14[%swap3A_131, %swap3A_132] : memref<512x1024xf32, #tpu.memory_space<vmem>>, vector<512x128xf32>
    tpu.vector_store %arg14[%swap3A_131, %swap3A_132], %dot_general3A_130 {strides = array<i32>} : memref<512x1024xf32, #tpu.memory_space<vmem>>, vector<512x128xf32>,
    %slice3A_134 = vector.extract_strided_slice %add3A_17 {offsets = [0, 512], sizes = [512, 128], strides = [1, 1]} : vector<512x1024xf32> to vector<512x128xf32>
    %slice3A_135 = vector.extract_strided_slice %add3A_27 {offsets = [0, 512], sizes = [512, 128], strides = [1, 1]} : vector<512x1024xf32> to vector<512x128xf32>
    %slice3A_136 = vector.extract_strided_slice %add3A_37 {offsets = [0, 512], sizes = [512, 128], strides = [1, 1]} : vector<512x1024xf32> to vector<512x128xf32>
    %dot_general3A_137 = arith.constant dense<0.000000e+00> : vector<512x512xf32>
    %dot_general3A_138 = tpu.matmul %slice3A_134, %slice3A_135, %dot_general3A_137 {dimension_numbers = #tpu.dot_dimension_numbers<[1], [1], [0], [0], [0, 0, 1, 0], [], []>, transpose_lhs_hint = false} : vector<512x128xf32>, vector<512x128xf32>, vector<512x512xf32> -> vector<512x512xf32>
    %mul3A_139 = arith.constant 0.0883883461 : f32
    %mul3A_140 = vector.broadcast %mul3A_139 : f32 to vector<512x512xf32>
    %mul3A_141 = arith.mulf %dot_general3A_138, %mul3A_140 : vector<512x512xf32>
    %add3A_142 = vector.broadcast %select_n3A : vector<1x512xf32> to vector<512x512xf32>
    %add3A_143 = arith.addf %mul3A_141, %add3A_142 : vector<512x512xf32>
    %reduce_max3A_144 = arith.constant dense<0xFF800000> : vector<512xf32>
    %reduce_max3A_145 = vector.multi_reduction <maximumf>, %add3A_143, %reduce_max3A_144 [1] : vector<512x512xf32> to vector<512xf32>
    %broadcast_in_dim3A_146 = vector.shape_cast %reduce_max3A_145 : vector<512xf32> to vector<512x1xf32>
    %sub3A_147 = vector.broadcast %broadcast_in_dim3A_146 : vector<512x1xf32> to vector<512x512xf32>
    %sub3A_148 = arith.subf %add3A_143, %sub3A_147 : vector<512x512xf32>
    %exp3A_149 = math.exp %sub3A_148 : vector<512x512xf32>
    %reduce_sum3A_150 = arith.constant dense<0.000000e+00> : vector<512xf32>
    %reduce_sum3A_151 = vector.multi_reduction <add>, %exp3A_149, %reduce_sum3A_150 [1] : vector<512x512xf32> to vector<512xf32>
    %broadcast_in_dim3A_152 = vector.shape_cast %reduce_sum3A_151 : vector<512xf32> to vector<512x1xf32>
    %div3A_153 = vector.broadcast %broadcast_in_dim3A_152 : vector<512x1xf32> to vector<512x512xf32>
    %div3A_154 = arith.divf %exp3A_149, %div3A_153 : vector<512x512xf32>
    %dot_general3A_155 = arith.constant dense<0.000000e+00> : vector<512x128xf32>
    %dot_general3A_156 = tpu.matmul %div3A_154, %slice3A_136, %dot_general3A_155 {dimension_numbers = #tpu.dot_dimension_numbers<[1], [0], [0], [1], [0, 0, 1, 1], [], []>, transpose_lhs_hint = false} : vector<512x512xf32>, vector<512x128xf32>, vector<512x128xf32> -> vector<512x128xf32>
    %swap3A_157 = arith.constant 0 : index
    %swap3A_158 = arith.constant 512 : index
    %swap3A_159 = vector.load %arg14[%swap3A_157, %swap3A_158] : memref<512x1024xf32, #tpu.memory_space<vmem>>, vector<512x128xf32>
    tpu.vector_store %arg14[%swap3A_157, %swap3A_158], %dot_general3A_156 {strides = array<i32>} : memref<512x1024xf32, #tpu.memory_space<vmem>>, vector<512x128xf32>,
    %slice3A_160 = vector.extract_strided_slice %add3A_17 {offsets = [0, 640], sizes = [512, 128], strides = [1, 1]} : vector<512x1024xf32> to vector<512x128xf32>
    %slice3A_161 = vector.extract_strided_slice %add3A_27 {offsets = [0, 640], sizes = [512, 128], strides = [1, 1]} : vector<512x1024xf32> to vector<512x128xf32>
    %slice3A_162 = vector.extract_strided_slice %add3A_37 {offsets = [0, 640], sizes = [512, 128], strides = [1, 1]} : vector<512x1024xf32> to vector<512x128xf32>
    %dot_general3A_163 = arith.constant dense<0.000000e+00> : vector<512x512xf32>
    %dot_general3A_164 = tpu.matmul %slice3A_160, %slice3A_161, %dot_general3A_163 {dimension_numbers = #tpu.dot_dimension_numbers<[1], [1], [0], [0], [0, 0, 1, 0], [], []>, transpose_lhs_hint = false} : vector<512x128xf32>, vector<512x128xf32>, vector<512x512xf32> -> vector<512x512xf32>
    %mul3A_165 = arith.constant 0.0883883461 : f32
    %mul3A_166 = vector.broadcast %mul3A_165 : f32 to vector<512x512xf32>
    %mul3A_167 = arith.mulf %dot_general3A_164, %mul3A_166 : vector<512x512xf32>
    %add3A_168 = vector.broadcast %select_n3A : vector<1x512xf32> to vector<512x512xf32>
    %add3A_169 = arith.addf %mul3A_167, %add3A_168 : vector<512x512xf32>
    %reduce_max3A_170 = arith.constant dense<0xFF800000> : vector<512xf32>
    %reduce_max3A_171 = vector.multi_reduction <maximumf>, %add3A_169, %reduce_max3A_170 [1] : vector<512x512xf32> to vector<512xf32>
    %broadcast_in_dim3A_172 = vector.shape_cast %reduce_max3A_171 : vector<512xf32> to vector<512x1xf32>
    %sub3A_173 = vector.broadcast %broadcast_in_dim3A_172 : vector<512x1xf32> to vector<512x512xf32>
    %sub3A_174 = arith.subf %add3A_169, %sub3A_173 : vector<512x512xf32>
    %exp3A_175 = math.exp %sub3A_174 : vector<512x512xf32>
    %reduce_sum3A_176 = arith.constant dense<0.000000e+00> : vector<512xf32>
    %reduce_sum3A_177 = vector.multi_reduction <add>, %exp3A_175, %reduce_sum3A_176 [1] : vector<512x512xf32> to vector<512xf32>
    %broadcast_in_dim3A_178 = vector.shape_cast %reduce_sum3A_177 : vector<512xf32> to vector<512x1xf32>
    %div3A_179 = vector.broadcast %broadcast_in_dim3A_178 : vector<512x1xf32> to vector<512x512xf32>
    %div3A_180 = arith.divf %exp3A_175, %div3A_179 : vector<512x512xf32>
    %dot_general3A_181 = arith.constant dense<0.000000e+00> : vector<512x128xf32>
    %dot_general3A_182 = tpu.matmul %div3A_180, %slice3A_162, %dot_general3A_181 {dimension_numbers = #tpu.dot_dimension_numbers<[1], [0], [0], [1], [0, 0, 1, 1], [], []>, transpose_lhs_hint = false} : vector<512x512xf32>, vector<512x128xf32>, vector<512x128xf32> -> vector<512x128xf32>
    %swap3A_183 = arith.constant 0 : index
    %swap3A_184 = arith.constant 640 : index
    %swap3A_185 = vector.load %arg14[%swap3A_183, %swap3A_184] : memref<512x1024xf32, #tpu.memory_space<vmem>>, vector<512x128xf32>
    tpu.vector_store %arg14[%swap3A_183, %swap3A_184], %dot_general3A_182 {strides = array<i32>} : memref<512x1024xf32, #tpu.memory_space<vmem>>, vector<512x128xf32>,
    %slice3A_186 = vector.extract_strided_slice %add3A_17 {offsets = [0, 768], sizes = [512, 128], strides = [1, 1]} : vector<512x1024xf32> to vector<512x128xf32>
    %slice3A_187 = vector.extract_strided_slice %add3A_27 {offsets = [0, 768], sizes = [512, 128], strides = [1, 1]} : vector<512x1024xf32> to vector<512x128xf32>
    %slice3A_188 = vector.extract_strided_slice %add3A_37 {offsets = [0, 768], sizes = [512, 128], strides = [1, 1]} : vector<512x1024xf32> to vector<512x128xf32>
    %dot_general3A_189 = arith.constant dense<0.000000e+00> : vector<512x512xf32>
    %dot_general3A_190 = tpu.matmul %slice3A_186, %slice3A_187, %dot_general3A_189 {dimension_numbers = #tpu.dot_dimension_numbers<[1], [1], [0], [0], [0, 0, 1, 0], [], []>, transpose_lhs_hint = false} : vector<512x128xf32>, vector<512x128xf32>, vector<512x512xf32> -> vector<512x512xf32>
    %mul3A_191 = arith.constant 0.0883883461 : f32
    %mul3A_192 = vector.broadcast %mul3A_191 : f32 to vector<512x512xf32>
    %mul3A_193 = arith.mulf %dot_general3A_190, %mul3A_192 : vector<512x512xf32>
    %add3A_194 = vector.broadcast %select_n3A : vector<1x512xf32> to vector<512x512xf32>
    %add3A_195 = arith.addf %mul3A_193, %add3A_194 : vector<512x512xf32>
    %reduce_max3A_196 = arith.constant dense<0xFF800000> : vector<512xf32>
    %reduce_max3A_197 = vector.multi_reduction <maximumf>, %add3A_195, %reduce_max3A_196 [1] : vector<512x512xf32> to vector<512xf32>
    %broadcast_in_dim3A_198 = vector.shape_cast %reduce_max3A_197 : vector<512xf32> to vector<512x1xf32>
    %sub3A_199 = vector.broadcast %broadcast_in_dim3A_198 : vector<512x1xf32> to vector<512x512xf32>
    %sub3A_200 = arith.subf %add3A_195, %sub3A_199 : vector<512x512xf32>
    %exp3A_201 = math.exp %sub3A_200 : vector<512x512xf32>
    %reduce_sum3A_202 = arith.constant dense<0.000000e+00> : vector<512xf32>
    %reduce_sum3A_203 = vector.multi_reduction <add>, %exp3A_201, %reduce_sum3A_202 [1] : vector<512x512xf32> to vector<512xf32>
    %broadcast_in_dim3A_204 = vector.shape_cast %reduce_sum3A_203 : vector<512xf32> to vector<512x1xf32>
    %div3A_205 = vector.broadcast %broadcast_in_dim3A_204 : vector<512x1xf32> to vector<512x512xf32>
    %div3A_206 = arith.divf %exp3A_201, %div3A_205 : vector<512x512xf32>
    %dot_general3A_207 = arith.constant dense<0.000000e+00> : vector<512x128xf32>
    %dot_general3A_208 = tpu.matmul %div3A_206, %slice3A_188, %dot_general3A_207 {dimension_numbers = #tpu.dot_dimension_numbers<[1], [0], [0], [1], [0, 0, 1, 1], [], []>, transpose_lhs_hint = false} : vector<512x512xf32>, vector<512x128xf32>, vector<512x128xf32> -> vector<512x128xf32>
    %swap3A_209 = arith.constant 0 : index
    %swap3A_210 = arith.constant 768 : index
    %swap3A_211 = vector.load %arg14[%swap3A_209, %swap3A_210] : memref<512x1024xf32, #tpu.memory_space<vmem>>, vector<512x128xf32>
    tpu.vector_store %arg14[%swap3A_209, %swap3A_210], %dot_general3A_208 {strides = array<i32>} : memref<512x1024xf32, #tpu.memory_space<vmem>>, vector<512x128xf32>,
    %slice3A_212 = vector.extract_strided_slice %add3A_17 {offsets = [0, 896], sizes = [512, 128], strides = [1, 1]} : vector<512x1024xf32> to vector<512x128xf32>
    %slice3A_213 = vector.extract_strided_slice %add3A_27 {offsets = [0, 896], sizes = [512, 128], strides = [1, 1]} : vector<512x1024xf32> to vector<512x128xf32>
    %slice3A_214 = vector.extract_strided_slice %add3A_37 {offsets = [0, 896], sizes = [512, 128], strides = [1, 1]} : vector<512x1024xf32> to vector<512x128xf32>
    %dot_general3A_215 = arith.constant dense<0.000000e+00> : vector<512x512xf32>
    %dot_general3A_216 = tpu.matmul %slice3A_212, %slice3A_213, %dot_general3A_215 {dimension_numbers = #tpu.dot_dimension_numbers<[1], [1], [0], [0], [0, 0, 1, 0], [], []>, transpose_lhs_hint = false} : vector<512x128xf32>, vector<512x128xf32>, vector<512x512xf32> -> vector<512x512xf32>
    %mul3A_217 = arith.constant 0.0883883461 : f32
    %mul3A_218 = vector.broadcast %mul3A_217 : f32 to vector<512x512xf32>
    %mul3A_219 = arith.mulf %dot_general3A_216, %mul3A_218 : vector<512x512xf32>
    %add3A_220 = vector.broadcast %select_n3A : vector<1x512xf32> to vector<512x512xf32>
    %add3A_221 = arith.addf %mul3A_219, %add3A_220 : vector<512x512xf32>
    %reduce_max3A_222 = arith.constant dense<0xFF800000> : vector<512xf32>
    %reduce_max3A_223 = vector.multi_reduction <maximumf>, %add3A_221, %reduce_max3A_222 [1] : vector<512x512xf32> to vector<512xf32>
    %broadcast_in_dim3A_224 = vector.shape_cast %reduce_max3A_223 : vector<512xf32> to vector<512x1xf32>
    %sub3A_225 = vector.broadcast %broadcast_in_dim3A_224 : vector<512x1xf32> to vector<512x512xf32>
    %sub3A_226 = arith.subf %add3A_221, %sub3A_225 : vector<512x512xf32>
    %exp3A_227 = math.exp %sub3A_226 : vector<512x512xf32>
    %reduce_sum3A_228 = arith.constant dense<0.000000e+00> : vector<512xf32>
    %reduce_sum3A_229 = vector.multi_reduction <add>, %exp3A_227, %reduce_sum3A_228 [1] : vector<512x512xf32> to vector<512xf32>
    %broadcast_in_dim3A_230 = vector.shape_cast %reduce_sum3A_229 : vector<512xf32> to vector<512x1xf32>
    %div3A_231 = vector.broadcast %broadcast_in_dim3A_230 : vector<512x1xf32> to vector<512x512xf32>
    %div3A_232 = arith.divf %exp3A_227, %div3A_231 : vector<512x512xf32>
    %dot_general3A_233 = arith.constant dense<0.000000e+00> : vector<512x128xf32>
    %dot_general3A_234 = tpu.matmul %div3A_232, %slice3A_214, %dot_general3A_233 {dimension_numbers = #tpu.dot_dimension_numbers<[1], [0], [0], [1], [0, 0, 1, 1], [], []>, transpose_lhs_hint = false} : vector<512x512xf32>, vector<512x128xf32>, vector<512x128xf32> -> vector<512x128xf32>
    %swap3A_235 = arith.constant 0 : index
    %swap3A_236 = arith.constant 896 : index
    %swap3A_237 = vector.load %arg14[%swap3A_235, %swap3A_236] : memref<512x1024xf32, #tpu.memory_space<vmem>>, vector<512x128xf32>
    tpu.vector_store %arg14[%swap3A_235, %swap3A_236], %dot_general3A_234 {strides = array<i32>} : memref<512x1024xf32, #tpu.memory_space<vmem>>, vector<512x128xf32>,
    %get3A_238 = arith.constant 0 : index
    %get3A_239 = arith.constant 0 : index
    %get3A_240 = vector.load %arg14[%get3A_238, %get3A_239] : memref<512x1024xf32, #tpu.memory_space<vmem>>, vector<512x1024xf32>
    %get3A_241 = arith.constant 0 : index
    %get3A_242 = arith.constant 0 : index
    %get3A_243 = vector.load %arg6[%get3A_241, %get3A_242] : memref<1024x1024xf32, #tpu.memory_space<vmem>>, vector<1024x1024xf32>
    %dot_general3A_244 = arith.constant dense<0.000000e+00> : vector<512x1024xf32>
    %dot_general3A_245 = tpu.matmul %get3A_240, %get3A_243, %dot_general3A_244 {dimension_numbers = #tpu.dot_dimension_numbers<[1], [0], [0], [1], [0, 0, 1, 1], [], []>, transpose_lhs_hint = false} : vector<512x1024xf32>, vector<1024x1024xf32>, vector<512x1024xf32> -> vector<512x1024xf32>
    %get3A_246 = arith.constant 0 : index
    %get3A_247 = arith.constant 0 : index
    %get3A_248 = vector.load %arg10[%get3A_246, %get3A_247] : memref<1x1024xf32, #tpu.memory_space<vmem>>, vector<1x1024xf32>
    %add3A_249 = vector.broadcast %get3A_248 : vector<1x1024xf32> to vector<512x1024xf32>
    %add3A_250 = arith.addf %dot_general3A_245, %add3A_249 : vector<512x1024xf32>
    %add3A_251 = arith.addf %get3A_9, %add3A_250 : vector<512x1024xf32>
    %get3A_252 = arith.constant 0 : index
    %get3A_253 = arith.constant 0 : index
    %get3A_254 = vector.load %arg11[%get3A_252, %get3A_253] : memref<1x1024xf32, #tpu.memory_space<vmem>>, vector<1x1024xf32>
    %get3A_255 = arith.constant 0 : index
    %get3A_256 = arith.constant 0 : index
    %get3A_257 = vector.load %arg12[%get3A_255, %get3A_256] : memref<1x1024xf32, #tpu.memory_space<vmem>>, vector<1x1024xf32>
    %reduce_sum3A_258 = arith.constant dense<0.000000e+00> : vector<512xf32>
    %reduce_sum3A_259 = vector.multi_reduction <add>, %add3A_251, %reduce_sum3A_258 [1] : vector<512x1024xf32> to vector<512xf32>
    %broadcast_in_dim3A_260 = vector.shape_cast %reduce_sum3A_259 : vector<512xf32> to vector<512x1xf32>
    %div3A_261 = arith.constant 1.024000e+03 : f32
    %div3A_262 = vector.broadcast %div3A_261 : f32 to vector<512x1xf32>
    %div3A_263 = arith.divf %broadcast_in_dim3A_260, %div3A_262 : vector<512x1xf32>
    %sub3A_264 = vector.broadcast %div3A_263 : vector<512x1xf32> to vector<512x1024xf32>
    %sub3A_265 = arith.subf %add3A_251, %sub3A_264 : vector<512x1024xf32>
    %mul3A_266 = arith.mulf %sub3A_265, %sub3A_265 : vector<512x1024xf32>
    %reduce_sum3A_267 = arith.constant dense<0.000000e+00> : vector<512xf32>
    %reduce_sum3A_268 = vector.multi_reduction <add>, %mul3A_266, %reduce_sum3A_267 [1] : vector<512x1024xf32> to vector<512xf32>
    %broadcast_in_dim3A_269 = vector.shape_cast %reduce_sum3A_268 : vector<512xf32> to vector<512x1xf32>
    %div3A_270 = arith.constant 1.024000e+03 : f32
    %div3A_271 = vector.broadcast %div3A_270 : f32 to vector<512x1xf32>
    %div3A_272 = arith.divf %broadcast_in_dim3A_269, %div3A_271 : vector<512x1xf32>
    %add3A_273 = arith.constant 9.99999974E-6 : f32
    %add3A_274 = vector.broadcast %add3A_273 : f32 to vector<512x1xf32>
    %add3A_275 = arith.addf %div3A_272, %add3A_274 : vector<512x1xf32>
    %rsqrt3A = math.rsqrt %add3A_275 : vector<512x1xf32>
    %mul3A_276 = vector.broadcast %rsqrt3A : vector<512x1xf32> to vector<512x1024xf32>
    %mul3A_277 = arith.mulf %sub3A_265, %mul3A_276 : vector<512x1024xf32>
    %mul3A_278 = vector.broadcast %get3A_254 : vector<1x1024xf32> to vector<512x1024xf32>
    %mul3A_279 = arith.mulf %mul3A_277, %mul3A_278 : vector<512x1024xf32>
    %add3A_280 = vector.broadcast %get3A_257 : vector<1x1024xf32> to vector<512x1024xf32>
    %add3A_281 = arith.addf %mul3A_279, %add3A_280 : vector<512x1024xf32>
    %swap3A_282 = arith.constant 0 : index
    %swap3A_283 = arith.constant 0 : index
    %swap3A_284 = arith.constant 0 : index
    %swap3A_285 = vector.load %arg13[%swap3A_282, %swap3A_283, %swap3A_284] : memref<1x512x1024xf32, #tpu.memory_space<vmem>>, vector<1x512x1024xf32>
    %swap3A_286 = vector.shape_cast %swap3A_285 : vector<1x512x1024xf32> to vector<512x1024xf32>
    %swap3A_287 = vector.shape_cast %add3A_281 : vector<512x1024xf32> to vector<1x512x1024xf32>
    tpu.vector_store %arg13[%swap3A_282, %swap3A_283, %swap3A_284], %swap3A_287 {strides = array<i32>} : memref<1x512x1024xf32, #tpu.memory_space<vmem>>, vector<1x512x1024xf32>,
    return
  }
  func.func @transform_0(%arg0: i32) -> (i32, i32) {
    %c0_i32 = arith.constant 0 : i32
    %c0_i32_0 = arith.constant 0 : i32
    %c0_i32_1 = arith.constant 0 : i32
    return %c0_i32, %c0_i32_0 : i32, i32
  }
  func.func @transform_1(%arg0: i32) -> (i32, i32, i32) {
    %c0_i32 = arith.constant 0 : i32
    %c0_i32_0 = arith.constant 0 : i32
    %c0_i32_1 = arith.constant 0 : i32
    return %arg0, %c0_i32, %c0_i32_0 : i32, i32, i32
  }
  func.func @transform_2(%arg0: i32) -> (i32, i32) {
    %c0_i32 = arith.constant 0 : i32
    %c0_i32_0 = arith.constant 0 : i32
    %c0_i32_1 = arith.constant 0 : i32
    return %c0_i32, %c0_i32_0 : i32, i32
  }
  func.func @transform_3(%arg0: i32) -> (i32, i32) {
    %c0_i32 = arith.constant 0 : i32
    %c0_i32_0 = arith.constant 0 : i32
    %c0_i32_1 = arith.constant 0 : i32
    return %c0_i32, %c0_i32_0 : i32, i32
  }
  func.func @transform_4(%arg0: i32) -> (i32, i32) {
    %c0_i32 = arith.constant 0 : i32
    %c0_i32_0 = arith.constant 0 : i32
    %c0_i32_1 = arith.constant 0 : i32
    return %c0_i32, %c0_i32_0 : i32, i32
  }
  func.func @transform_5(%arg0: i32) -> (i32, i32) {
    %c0_i32 = arith.constant 0 : i32
    %c0_i32_0 = arith.constant 0 : i32
    %c0_i32_1 = arith.constant 0 : i32
    return %c0_i32, %c0_i32_0 : i32, i32
  }
  func.func @transform_6(%arg0: i32) -> (i32, i32) {
    %c0_i32 = arith.constant 0 : i32
    %c0_i32_0 = arith.constant 0 : i32
    %c0_i32_1 = arith.constant 0 : i32
    return %c0_i32, %c0_i32_0 : i32, i32
  }
  func.func @transform_7(%arg0: i32) -> (i32, i32) {
    %c0_i32 = arith.constant 0 : i32
    %c0_i32_0 = arith.constant 0 : i32
    %c0_i32_1 = arith.constant 0 : i32
    return %c0_i32, %c0_i32_0 : i32, i32
  }
  func.func @transform_8(%arg0: i32) -> (i32, i32) {
    %c0_i32 = arith.constant 0 : i32
    %c0_i32_0 = arith.constant 0 : i32
    %c0_i32_1 = arith.constant 0 : i32
    return %c0_i32, %c0_i32_0 : i32, i32
  }
  func.func @transform_9(%arg0: i32) -> (i32, i32) {
    %c0_i32 = arith.constant 0 : i32
    %c0_i32_0 = arith.constant 0 : i32
    %c0_i32_1 = arith.constant 0 : i32
    return %c0_i32, %c0_i32_0 : i32, i32
  }
  func.func @transform_10(%arg0: i32) -> (i32, i32) {
    %c0_i32 = arith.constant 0 : i32
    %c0_i32_0 = arith.constant 0 : i32
    %c0_i32_1 = arith.constant 0 : i32
    return %c0_i32, %c0_i32_0 : i32, i32
  }
  func.func @transform_11(%arg0: i32) -> (i32, i32) {
    %c0_i32 = arith.constant 0 : i32
    %c0_i32_0 = arith.constant 0 : i32
    %c0_i32_1 = arith.constant 0 : i32
    return %c0_i32, %c0_i32_0 : i32, i32
  }
  func.func @transform_12(%arg0: i32) -> (i32, i32, i32) {
    %c0_i32 = arith.constant 0 : i32
    %c0_i32_0 = arith.constant 0 : i32
    %c0_i32_1 = arith.constant 0 : i32
    return %arg0, %c0_i32, %c0_i32_0 : i32, i32, i32
  }
}

module attributes {stable_mosaic.version = 14 : i64} {
  func.func @_winner_body(%arg0: memref<8192x1xi32, #tpu.memory_space<vmem>>, %arg1: memref<8x512xi32, #tpu.memory_space<vmem>>, %arg2: memref<8x512xf32, #tpu.memory_space<vmem>>) attributes {dimension_semantics = [], scalar_prefetch = 0 : i64, scratch_operands = 0 : i64, tpu.core_type = #tpu.core_type<tc>} {
    %iota3A = tpu.iota {dimensions = array<i32: 1>} : vector<1x512xi32>
    %add3A = arith.constant 0 : i32
    %add3A_0 = vector.broadcast %add3A : i32 to vector<1x512xi32>
    %add3A_1 = arith.addi %add3A_0, %iota3A : vector<1x512xi32>
    %broadcast_in_dim3A = arith.constant -1 : i32
    %broadcast_in_dim3A_2 = vector.broadcast %broadcast_in_dim3A : i32 to vector<1x512xi32>
    %get3A = arith.constant 0 : index
    %get3A_3 = arith.constant 0 : index
    %get3A_4 = vector.load %arg0[%get3A, %get3A_3] : memref<8192x1xi32, #tpu.memory_space<vmem>>, vector<1024x1xi32>
    %iota3A_5 = tpu.iota {dimensions = array<i32: 0>} : vector<1024x512xi32>
    %add3A_6 = arith.constant 0 : i32
    %add3A_7 = vector.broadcast %add3A_6 : i32 to vector<1024x512xi32>
    %add3A_8 = arith.addi %add3A_7, %iota3A_5 : vector<1024x512xi32>
    %eq3A = vector.broadcast %get3A_4 : vector<1024x1xi32> to vector<1024x512xi32>
    %eq3A_9 = vector.broadcast %add3A_1 : vector<1x512xi32> to vector<1024x512xi32>
    %eq3A_10 = arith.cmpi eq, %eq3A, %eq3A_9 : vector<1024x512xi32>
    %jit3A = arith.constant -1 : i32
    %broadcast_in_dim3A_11 = vector.broadcast %jit3A : i32 to vector<1024x512xi32>
    %select_n3A = arith.select %eq3A_10, %add3A_8, %broadcast_in_dim3A_11 : vector<1024x512xi1>, vector<1024x512xi32>
    %reduce_max3A = arith.constant dense<-2147483648> : vector<512xi32>
    %reduce_max3A_12 = vector.multi_reduction <maxsi>, %select_n3A, %reduce_max3A [0] : vector<1024x512xi32> to vector<512xi32>
    %broadcast_in_dim3A_13 = vector.shape_cast %reduce_max3A_12 : vector<512xi32> to vector<1x512xi32>
    %max3A = arith.maxsi %broadcast_in_dim3A_2, %broadcast_in_dim3A_13 : vector<1x512xi32>
    %get3A_14 = arith.constant 1024 : index
    %get3A_15 = arith.constant 0 : index
    %get3A_16 = vector.load %arg0[%get3A_14, %get3A_15] : memref<8192x1xi32, #tpu.memory_space<vmem>>, vector<1024x1xi32>
    %iota3A_17 = tpu.iota {dimensions = array<i32: 0>} : vector<1024x512xi32>
    %add3A_18 = arith.constant 1024 : i32
    %add3A_19 = vector.broadcast %add3A_18 : i32 to vector<1024x512xi32>
    %add3A_20 = arith.addi %add3A_19, %iota3A_17 : vector<1024x512xi32>
    %eq3A_21 = vector.broadcast %get3A_16 : vector<1024x1xi32> to vector<1024x512xi32>
    %eq3A_22 = vector.broadcast %add3A_1 : vector<1x512xi32> to vector<1024x512xi32>
    %eq3A_23 = arith.cmpi eq, %eq3A_21, %eq3A_22 : vector<1024x512xi32>
    %jit3A_24 = arith.constant -1 : i32
    %broadcast_in_dim3A_25 = vector.broadcast %jit3A_24 : i32 to vector<1024x512xi32>
    %select_n3A_26 = arith.select %eq3A_23, %add3A_20, %broadcast_in_dim3A_25 : vector<1024x512xi1>, vector<1024x512xi32>
    %reduce_max3A_27 = arith.constant dense<-2147483648> : vector<512xi32>
    %reduce_max3A_28 = vector.multi_reduction <maxsi>, %select_n3A_26, %reduce_max3A_27 [0] : vector<1024x512xi32> to vector<512xi32>
    %broadcast_in_dim3A_29 = vector.shape_cast %reduce_max3A_28 : vector<512xi32> to vector<1x512xi32>
    %max3A_30 = arith.maxsi %max3A, %broadcast_in_dim3A_29 : vector<1x512xi32>
    %get3A_31 = arith.constant 2048 : index
    %get3A_32 = arith.constant 0 : index
    %get3A_33 = vector.load %arg0[%get3A_31, %get3A_32] : memref<8192x1xi32, #tpu.memory_space<vmem>>, vector<1024x1xi32>
    %iota3A_34 = tpu.iota {dimensions = array<i32: 0>} : vector<1024x512xi32>
    %add3A_35 = arith.constant 2048 : i32
    %add3A_36 = vector.broadcast %add3A_35 : i32 to vector<1024x512xi32>
    %add3A_37 = arith.addi %add3A_36, %iota3A_34 : vector<1024x512xi32>
    %eq3A_38 = vector.broadcast %get3A_33 : vector<1024x1xi32> to vector<1024x512xi32>
    %eq3A_39 = vector.broadcast %add3A_1 : vector<1x512xi32> to vector<1024x512xi32>
    %eq3A_40 = arith.cmpi eq, %eq3A_38, %eq3A_39 : vector<1024x512xi32>
    %jit3A_41 = arith.constant -1 : i32
    %broadcast_in_dim3A_42 = vector.broadcast %jit3A_41 : i32 to vector<1024x512xi32>
    %select_n3A_43 = arith.select %eq3A_40, %add3A_37, %broadcast_in_dim3A_42 : vector<1024x512xi1>, vector<1024x512xi32>
    %reduce_max3A_44 = arith.constant dense<-2147483648> : vector<512xi32>
    %reduce_max3A_45 = vector.multi_reduction <maxsi>, %select_n3A_43, %reduce_max3A_44 [0] : vector<1024x512xi32> to vector<512xi32>
    %broadcast_in_dim3A_46 = vector.shape_cast %reduce_max3A_45 : vector<512xi32> to vector<1x512xi32>
    %max3A_47 = arith.maxsi %max3A_30, %broadcast_in_dim3A_46 : vector<1x512xi32>
    %get3A_48 = arith.constant 3072 : index
    %get3A_49 = arith.constant 0 : index
    %get3A_50 = vector.load %arg0[%get3A_48, %get3A_49] : memref<8192x1xi32, #tpu.memory_space<vmem>>, vector<1024x1xi32>
    %iota3A_51 = tpu.iota {dimensions = array<i32: 0>} : vector<1024x512xi32>
    %add3A_52 = arith.constant 3072 : i32
    %add3A_53 = vector.broadcast %add3A_52 : i32 to vector<1024x512xi32>
    %add3A_54 = arith.addi %add3A_53, %iota3A_51 : vector<1024x512xi32>
    %eq3A_55 = vector.broadcast %get3A_50 : vector<1024x1xi32> to vector<1024x512xi32>
    %eq3A_56 = vector.broadcast %add3A_1 : vector<1x512xi32> to vector<1024x512xi32>
    %eq3A_57 = arith.cmpi eq, %eq3A_55, %eq3A_56 : vector<1024x512xi32>
    %jit3A_58 = arith.constant -1 : i32
    %broadcast_in_dim3A_59 = vector.broadcast %jit3A_58 : i32 to vector<1024x512xi32>
    %select_n3A_60 = arith.select %eq3A_57, %add3A_54, %broadcast_in_dim3A_59 : vector<1024x512xi1>, vector<1024x512xi32>
    %reduce_max3A_61 = arith.constant dense<-2147483648> : vector<512xi32>
    %reduce_max3A_62 = vector.multi_reduction <maxsi>, %select_n3A_60, %reduce_max3A_61 [0] : vector<1024x512xi32> to vector<512xi32>
    %broadcast_in_dim3A_63 = vector.shape_cast %reduce_max3A_62 : vector<512xi32> to vector<1x512xi32>
    %max3A_64 = arith.maxsi %max3A_47, %broadcast_in_dim3A_63 : vector<1x512xi32>
    %get3A_65 = arith.constant 4096 : index
    %get3A_66 = arith.constant 0 : index
    %get3A_67 = vector.load %arg0[%get3A_65, %get3A_66] : memref<8192x1xi32, #tpu.memory_space<vmem>>, vector<1024x1xi32>
    %iota3A_68 = tpu.iota {dimensions = array<i32: 0>} : vector<1024x512xi32>
    %add3A_69 = arith.constant 4096 : i32
    %add3A_70 = vector.broadcast %add3A_69 : i32 to vector<1024x512xi32>
    %add3A_71 = arith.addi %add3A_70, %iota3A_68 : vector<1024x512xi32>
    %eq3A_72 = vector.broadcast %get3A_67 : vector<1024x1xi32> to vector<1024x512xi32>
    %eq3A_73 = vector.broadcast %add3A_1 : vector<1x512xi32> to vector<1024x512xi32>
    %eq3A_74 = arith.cmpi eq, %eq3A_72, %eq3A_73 : vector<1024x512xi32>
    %jit3A_75 = arith.constant -1 : i32
    %broadcast_in_dim3A_76 = vector.broadcast %jit3A_75 : i32 to vector<1024x512xi32>
    %select_n3A_77 = arith.select %eq3A_74, %add3A_71, %broadcast_in_dim3A_76 : vector<1024x512xi1>, vector<1024x512xi32>
    %reduce_max3A_78 = arith.constant dense<-2147483648> : vector<512xi32>
    %reduce_max3A_79 = vector.multi_reduction <maxsi>, %select_n3A_77, %reduce_max3A_78 [0] : vector<1024x512xi32> to vector<512xi32>
    %broadcast_in_dim3A_80 = vector.shape_cast %reduce_max3A_79 : vector<512xi32> to vector<1x512xi32>
    %max3A_81 = arith.maxsi %max3A_64, %broadcast_in_dim3A_80 : vector<1x512xi32>
    %get3A_82 = arith.constant 5120 : index
    %get3A_83 = arith.constant 0 : index
    %get3A_84 = vector.load %arg0[%get3A_82, %get3A_83] : memref<8192x1xi32, #tpu.memory_space<vmem>>, vector<1024x1xi32>
    %iota3A_85 = tpu.iota {dimensions = array<i32: 0>} : vector<1024x512xi32>
    %add3A_86 = arith.constant 5120 : i32
    %add3A_87 = vector.broadcast %add3A_86 : i32 to vector<1024x512xi32>
    %add3A_88 = arith.addi %add3A_87, %iota3A_85 : vector<1024x512xi32>
    %eq3A_89 = vector.broadcast %get3A_84 : vector<1024x1xi32> to vector<1024x512xi32>
    %eq3A_90 = vector.broadcast %add3A_1 : vector<1x512xi32> to vector<1024x512xi32>
    %eq3A_91 = arith.cmpi eq, %eq3A_89, %eq3A_90 : vector<1024x512xi32>
    %jit3A_92 = arith.constant -1 : i32
    %broadcast_in_dim3A_93 = vector.broadcast %jit3A_92 : i32 to vector<1024x512xi32>
    %select_n3A_94 = arith.select %eq3A_91, %add3A_88, %broadcast_in_dim3A_93 : vector<1024x512xi1>, vector<1024x512xi32>
    %reduce_max3A_95 = arith.constant dense<-2147483648> : vector<512xi32>
    %reduce_max3A_96 = vector.multi_reduction <maxsi>, %select_n3A_94, %reduce_max3A_95 [0] : vector<1024x512xi32> to vector<512xi32>
    %broadcast_in_dim3A_97 = vector.shape_cast %reduce_max3A_96 : vector<512xi32> to vector<1x512xi32>
    %max3A_98 = arith.maxsi %max3A_81, %broadcast_in_dim3A_97 : vector<1x512xi32>
    %get3A_99 = arith.constant 6144 : index
    %get3A_100 = arith.constant 0 : index
    %get3A_101 = vector.load %arg0[%get3A_99, %get3A_100] : memref<8192x1xi32, #tpu.memory_space<vmem>>, vector<1024x1xi32>
    %iota3A_102 = tpu.iota {dimensions = array<i32: 0>} : vector<1024x512xi32>
    %add3A_103 = arith.constant 6144 : i32
    %add3A_104 = vector.broadcast %add3A_103 : i32 to vector<1024x512xi32>
    %add3A_105 = arith.addi %add3A_104, %iota3A_102 : vector<1024x512xi32>
    %eq3A_106 = vector.broadcast %get3A_101 : vector<1024x1xi32> to vector<1024x512xi32>
    %eq3A_107 = vector.broadcast %add3A_1 : vector<1x512xi32> to vector<1024x512xi32>
    %eq3A_108 = arith.cmpi eq, %eq3A_106, %eq3A_107 : vector<1024x512xi32>
    %jit3A_109 = arith.constant -1 : i32
    %broadcast_in_dim3A_110 = vector.broadcast %jit3A_109 : i32 to vector<1024x512xi32>
    %select_n3A_111 = arith.select %eq3A_108, %add3A_105, %broadcast_in_dim3A_110 : vector<1024x512xi1>, vector<1024x512xi32>
    %reduce_max3A_112 = arith.constant dense<-2147483648> : vector<512xi32>
    %reduce_max3A_113 = vector.multi_reduction <maxsi>, %select_n3A_111, %reduce_max3A_112 [0] : vector<1024x512xi32> to vector<512xi32>
    %broadcast_in_dim3A_114 = vector.shape_cast %reduce_max3A_113 : vector<512xi32> to vector<1x512xi32>
    %max3A_115 = arith.maxsi %max3A_98, %broadcast_in_dim3A_114 : vector<1x512xi32>
    %get3A_116 = arith.constant 7168 : index
    %get3A_117 = arith.constant 0 : index
    %get3A_118 = vector.load %arg0[%get3A_116, %get3A_117] : memref<8192x1xi32, #tpu.memory_space<vmem>>, vector<1024x1xi32>
    %iota3A_119 = tpu.iota {dimensions = array<i32: 0>} : vector<1024x512xi32>
    %add3A_120 = arith.constant 7168 : i32
    %add3A_121 = vector.broadcast %add3A_120 : i32 to vector<1024x512xi32>
    %add3A_122 = arith.addi %add3A_121, %iota3A_119 : vector<1024x512xi32>
    %eq3A_123 = vector.broadcast %get3A_118 : vector<1024x1xi32> to vector<1024x512xi32>
    %eq3A_124 = vector.broadcast %add3A_1 : vector<1x512xi32> to vector<1024x512xi32>
    %eq3A_125 = arith.cmpi eq, %eq3A_123, %eq3A_124 : vector<1024x512xi32>
    %jit3A_126 = arith.constant -1 : i32
    %broadcast_in_dim3A_127 = vector.broadcast %jit3A_126 : i32 to vector<1024x512xi32>
    %select_n3A_128 = arith.select %eq3A_125, %add3A_122, %broadcast_in_dim3A_127 : vector<1024x512xi1>, vector<1024x512xi32>
    %reduce_max3A_129 = arith.constant dense<-2147483648> : vector<512xi32>
    %reduce_max3A_130 = vector.multi_reduction <maxsi>, %select_n3A_128, %reduce_max3A_129 [0] : vector<1024x512xi32> to vector<512xi32>
    %broadcast_in_dim3A_131 = vector.shape_cast %reduce_max3A_130 : vector<512xi32> to vector<1x512xi32>
    %max3A_132 = arith.maxsi %max3A_115, %broadcast_in_dim3A_131 : vector<1x512xi32>
    %max3A_133 = arith.constant 0 : i32
    %max3A_134 = vector.broadcast %max3A_133 : i32 to vector<1x512xi32>
    %max3A_135 = arith.maxsi %max3A_132, %max3A_134 : vector<1x512xi32>
    %swap3A = arith.constant 0 : index
    %swap3A_136 = arith.constant 0 : index
    %swap3A_137 = vector.load %arg1[%swap3A, %swap3A_136] : memref<8x512xi32, #tpu.memory_space<vmem>>, vector<1x512xi32>
    tpu.vector_store %arg1[%swap3A, %swap3A_136], %max3A_135 {strides = array<i32>} : memref<8x512xi32, #tpu.memory_space<vmem>>, vector<1x512xi32>,
    %ge3A = arith.constant 0 : i32
    %ge3A_138 = vector.broadcast %ge3A : i32 to vector<1x512xi32>
    %ge3A_139 = arith.cmpi sge, %max3A_132, %ge3A_138 : vector<1x512xi32>
    %convert_element_type3A = arith.extui %ge3A_139 : vector<1x512xi1> to vector<1x512xi32>
    %convert_element_type3A_140 = arith.sitofp %convert_element_type3A : vector<1x512xi32> to vector<1x512xf32>
    %swap3A_141 = arith.constant 0 : index
    %swap3A_142 = arith.constant 0 : index
    %swap3A_143 = vector.load %arg2[%swap3A_141, %swap3A_142] : memref<8x512xf32, #tpu.memory_space<vmem>>, vector<1x512xf32>
    tpu.vector_store %arg2[%swap3A_141, %swap3A_142], %convert_element_type3A_140 {strides = array<i32>} : memref<8x512xf32, #tpu.memory_space<vmem>>, vector<1x512xf32>,
    %iota3A_144 = tpu.iota {dimensions = array<i32: 1>} : vector<1x512xi32>
    %add3A_145 = arith.constant 512 : i32
    %add3A_146 = vector.broadcast %add3A_145 : i32 to vector<1x512xi32>
    %add3A_147 = arith.addi %add3A_146, %iota3A_144 : vector<1x512xi32>
    %broadcast_in_dim3A_148 = arith.constant -1 : i32
    %broadcast_in_dim3A_149 = vector.broadcast %broadcast_in_dim3A_148 : i32 to vector<1x512xi32>
    %get3A_150 = arith.constant 0 : index
    %get3A_151 = arith.constant 0 : index
    %get3A_152 = vector.load %arg0[%get3A_150, %get3A_151] : memref<8192x1xi32, #tpu.memory_space<vmem>>, vector<1024x1xi32>
    %iota3A_153 = tpu.iota {dimensions = array<i32: 0>} : vector<1024x512xi32>
    %add3A_154 = arith.constant 0 : i32
    %add3A_155 = vector.broadcast %add3A_154 : i32 to vector<1024x512xi32>
    %add3A_156 = arith.addi %add3A_155, %iota3A_153 : vector<1024x512xi32>
    %eq3A_157 = vector.broadcast %get3A_152 : vector<1024x1xi32> to vector<1024x512xi32>
    %eq3A_158 = vector.broadcast %add3A_147 : vector<1x512xi32> to vector<1024x512xi32>
    %eq3A_159 = arith.cmpi eq, %eq3A_157, %eq3A_158 : vector<1024x512xi32>
    %jit3A_160 = arith.constant -1 : i32
    %broadcast_in_dim3A_161 = vector.broadcast %jit3A_160 : i32 to vector<1024x512xi32>
    %select_n3A_162 = arith.select %eq3A_159, %add3A_156, %broadcast_in_dim3A_161 : vector<1024x512xi1>, vector<1024x512xi32>
    %reduce_max3A_163 = arith.constant dense<-2147483648> : vector<512xi32>
    %reduce_max3A_164 = vector.multi_reduction <maxsi>, %select_n3A_162, %reduce_max3A_163 [0] : vector<1024x512xi32> to vector<512xi32>
    %broadcast_in_dim3A_165 = vector.shape_cast %reduce_max3A_164 : vector<512xi32> to vector<1x512xi32>
    %max3A_166 = arith.maxsi %broadcast_in_dim3A_149, %broadcast_in_dim3A_165 : vector<1x512xi32>
    %get3A_167 = arith.constant 1024 : index
    %get3A_168 = arith.constant 0 : index
    %get3A_169 = vector.load %arg0[%get3A_167, %get3A_168] : memref<8192x1xi32, #tpu.memory_space<vmem>>, vector<1024x1xi32>
    %iota3A_170 = tpu.iota {dimensions = array<i32: 0>} : vector<1024x512xi32>
    %add3A_171 = arith.constant 1024 : i32
    %add3A_172 = vector.broadcast %add3A_171 : i32 to vector<1024x512xi32>
    %add3A_173 = arith.addi %add3A_172, %iota3A_170 : vector<1024x512xi32>
    %eq3A_174 = vector.broadcast %get3A_169 : vector<1024x1xi32> to vector<1024x512xi32>
    %eq3A_175 = vector.broadcast %add3A_147 : vector<1x512xi32> to vector<1024x512xi32>
    %eq3A_176 = arith.cmpi eq, %eq3A_174, %eq3A_175 : vector<1024x512xi32>
    %jit3A_177 = arith.constant -1 : i32
    %broadcast_in_dim3A_178 = vector.broadcast %jit3A_177 : i32 to vector<1024x512xi32>
    %select_n3A_179 = arith.select %eq3A_176, %add3A_173, %broadcast_in_dim3A_178 : vector<1024x512xi1>, vector<1024x512xi32>
    %reduce_max3A_180 = arith.constant dense<-2147483648> : vector<512xi32>
    %reduce_max3A_181 = vector.multi_reduction <maxsi>, %select_n3A_179, %reduce_max3A_180 [0] : vector<1024x512xi32> to vector<512xi32>
    %broadcast_in_dim3A_182 = vector.shape_cast %reduce_max3A_181 : vector<512xi32> to vector<1x512xi32>
    %max3A_183 = arith.maxsi %max3A_166, %broadcast_in_dim3A_182 : vector<1x512xi32>
    %get3A_184 = arith.constant 2048 : index
    %get3A_185 = arith.constant 0 : index
    %get3A_186 = vector.load %arg0[%get3A_184, %get3A_185] : memref<8192x1xi32, #tpu.memory_space<vmem>>, vector<1024x1xi32>
    %iota3A_187 = tpu.iota {dimensions = array<i32: 0>} : vector<1024x512xi32>
    %add3A_188 = arith.constant 2048 : i32
    %add3A_189 = vector.broadcast %add3A_188 : i32 to vector<1024x512xi32>
    %add3A_190 = arith.addi %add3A_189, %iota3A_187 : vector<1024x512xi32>
    %eq3A_191 = vector.broadcast %get3A_186 : vector<1024x1xi32> to vector<1024x512xi32>
    %eq3A_192 = vector.broadcast %add3A_147 : vector<1x512xi32> to vector<1024x512xi32>
    %eq3A_193 = arith.cmpi eq, %eq3A_191, %eq3A_192 : vector<1024x512xi32>
    %jit3A_194 = arith.constant -1 : i32
    %broadcast_in_dim3A_195 = vector.broadcast %jit3A_194 : i32 to vector<1024x512xi32>
    %select_n3A_196 = arith.select %eq3A_193, %add3A_190, %broadcast_in_dim3A_195 : vector<1024x512xi1>, vector<1024x512xi32>
    %reduce_max3A_197 = arith.constant dense<-2147483648> : vector<512xi32>
    %reduce_max3A_198 = vector.multi_reduction <maxsi>, %select_n3A_196, %reduce_max3A_197 [0] : vector<1024x512xi32> to vector<512xi32>
    %broadcast_in_dim3A_199 = vector.shape_cast %reduce_max3A_198 : vector<512xi32> to vector<1x512xi32>
    %max3A_200 = arith.maxsi %max3A_183, %broadcast_in_dim3A_199 : vector<1x512xi32>
    %get3A_201 = arith.constant 3072 : index
    %get3A_202 = arith.constant 0 : index
    %get3A_203 = vector.load %arg0[%get3A_201, %get3A_202] : memref<8192x1xi32, #tpu.memory_space<vmem>>, vector<1024x1xi32>
    %iota3A_204 = tpu.iota {dimensions = array<i32: 0>} : vector<1024x512xi32>
    %add3A_205 = arith.constant 3072 : i32
    %add3A_206 = vector.broadcast %add3A_205 : i32 to vector<1024x512xi32>
    %add3A_207 = arith.addi %add3A_206, %iota3A_204 : vector<1024x512xi32>
    %eq3A_208 = vector.broadcast %get3A_203 : vector<1024x1xi32> to vector<1024x512xi32>
    %eq3A_209 = vector.broadcast %add3A_147 : vector<1x512xi32> to vector<1024x512xi32>
    %eq3A_210 = arith.cmpi eq, %eq3A_208, %eq3A_209 : vector<1024x512xi32>
    %jit3A_211 = arith.constant -1 : i32
    %broadcast_in_dim3A_212 = vector.broadcast %jit3A_211 : i32 to vector<1024x512xi32>
    %select_n3A_213 = arith.select %eq3A_210, %add3A_207, %broadcast_in_dim3A_212 : vector<1024x512xi1>, vector<1024x512xi32>
    %reduce_max3A_214 = arith.constant dense<-2147483648> : vector<512xi32>
    %reduce_max3A_215 = vector.multi_reduction <maxsi>, %select_n3A_213, %reduce_max3A_214 [0] : vector<1024x512xi32> to vector<512xi32>
    %broadcast_in_dim3A_216 = vector.shape_cast %reduce_max3A_215 : vector<512xi32> to vector<1x512xi32>
    %max3A_217 = arith.maxsi %max3A_200, %broadcast_in_dim3A_216 : vector<1x512xi32>
    %get3A_218 = arith.constant 4096 : index
    %get3A_219 = arith.constant 0 : index
    %get3A_220 = vector.load %arg0[%get3A_218, %get3A_219] : memref<8192x1xi32, #tpu.memory_space<vmem>>, vector<1024x1xi32>
    %iota3A_221 = tpu.iota {dimensions = array<i32: 0>} : vector<1024x512xi32>
    %add3A_222 = arith.constant 4096 : i32
    %add3A_223 = vector.broadcast %add3A_222 : i32 to vector<1024x512xi32>
    %add3A_224 = arith.addi %add3A_223, %iota3A_221 : vector<1024x512xi32>
    %eq3A_225 = vector.broadcast %get3A_220 : vector<1024x1xi32> to vector<1024x512xi32>
    %eq3A_226 = vector.broadcast %add3A_147 : vector<1x512xi32> to vector<1024x512xi32>
    %eq3A_227 = arith.cmpi eq, %eq3A_225, %eq3A_226 : vector<1024x512xi32>
    %jit3A_228 = arith.constant -1 : i32
    %broadcast_in_dim3A_229 = vector.broadcast %jit3A_228 : i32 to vector<1024x512xi32>
    %select_n3A_230 = arith.select %eq3A_227, %add3A_224, %broadcast_in_dim3A_229 : vector<1024x512xi1>, vector<1024x512xi32>
    %reduce_max3A_231 = arith.constant dense<-2147483648> : vector<512xi32>
    %reduce_max3A_232 = vector.multi_reduction <maxsi>, %select_n3A_230, %reduce_max3A_231 [0] : vector<1024x512xi32> to vector<512xi32>
    %broadcast_in_dim3A_233 = vector.shape_cast %reduce_max3A_232 : vector<512xi32> to vector<1x512xi32>
    %max3A_234 = arith.maxsi %max3A_217, %broadcast_in_dim3A_233 : vector<1x512xi32>
    %get3A_235 = arith.constant 5120 : index
    %get3A_236 = arith.constant 0 : index
    %get3A_237 = vector.load %arg0[%get3A_235, %get3A_236] : memref<8192x1xi32, #tpu.memory_space<vmem>>, vector<1024x1xi32>
    %iota3A_238 = tpu.iota {dimensions = array<i32: 0>} : vector<1024x512xi32>
    %add3A_239 = arith.constant 5120 : i32
    %add3A_240 = vector.broadcast %add3A_239 : i32 to vector<1024x512xi32>
    %add3A_241 = arith.addi %add3A_240, %iota3A_238 : vector<1024x512xi32>
    %eq3A_242 = vector.broadcast %get3A_237 : vector<1024x1xi32> to vector<1024x512xi32>
    %eq3A_243 = vector.broadcast %add3A_147 : vector<1x512xi32> to vector<1024x512xi32>
    %eq3A_244 = arith.cmpi eq, %eq3A_242, %eq3A_243 : vector<1024x512xi32>
    %jit3A_245 = arith.constant -1 : i32
    %broadcast_in_dim3A_246 = vector.broadcast %jit3A_245 : i32 to vector<1024x512xi32>
    %select_n3A_247 = arith.select %eq3A_244, %add3A_241, %broadcast_in_dim3A_246 : vector<1024x512xi1>, vector<1024x512xi32>
    %reduce_max3A_248 = arith.constant dense<-2147483648> : vector<512xi32>
    %reduce_max3A_249 = vector.multi_reduction <maxsi>, %select_n3A_247, %reduce_max3A_248 [0] : vector<1024x512xi32> to vector<512xi32>
    %broadcast_in_dim3A_250 = vector.shape_cast %reduce_max3A_249 : vector<512xi32> to vector<1x512xi32>
    %max3A_251 = arith.maxsi %max3A_234, %broadcast_in_dim3A_250 : vector<1x512xi32>
    %get3A_252 = arith.constant 6144 : index
    %get3A_253 = arith.constant 0 : index
    %get3A_254 = vector.load %arg0[%get3A_252, %get3A_253] : memref<8192x1xi32, #tpu.memory_space<vmem>>, vector<1024x1xi32>
    %iota3A_255 = tpu.iota {dimensions = array<i32: 0>} : vector<1024x512xi32>
    %add3A_256 = arith.constant 6144 : i32
    %add3A_257 = vector.broadcast %add3A_256 : i32 to vector<1024x512xi32>
    %add3A_258 = arith.addi %add3A_257, %iota3A_255 : vector<1024x512xi32>
    %eq3A_259 = vector.broadcast %get3A_254 : vector<1024x1xi32> to vector<1024x512xi32>
    %eq3A_260 = vector.broadcast %add3A_147 : vector<1x512xi32> to vector<1024x512xi32>
    %eq3A_261 = arith.cmpi eq, %eq3A_259, %eq3A_260 : vector<1024x512xi32>
    %jit3A_262 = arith.constant -1 : i32
    %broadcast_in_dim3A_263 = vector.broadcast %jit3A_262 : i32 to vector<1024x512xi32>
    %select_n3A_264 = arith.select %eq3A_261, %add3A_258, %broadcast_in_dim3A_263 : vector<1024x512xi1>, vector<1024x512xi32>
    %reduce_max3A_265 = arith.constant dense<-2147483648> : vector<512xi32>
    %reduce_max3A_266 = vector.multi_reduction <maxsi>, %select_n3A_264, %reduce_max3A_265 [0] : vector<1024x512xi32> to vector<512xi32>
    %broadcast_in_dim3A_267 = vector.shape_cast %reduce_max3A_266 : vector<512xi32> to vector<1x512xi32>
    %max3A_268 = arith.maxsi %max3A_251, %broadcast_in_dim3A_267 : vector<1x512xi32>
    %get3A_269 = arith.constant 7168 : index
    %get3A_270 = arith.constant 0 : index
    %get3A_271 = vector.load %arg0[%get3A_269, %get3A_270] : memref<8192x1xi32, #tpu.memory_space<vmem>>, vector<1024x1xi32>
    %iota3A_272 = tpu.iota {dimensions = array<i32: 0>} : vector<1024x512xi32>
    %add3A_273 = arith.constant 7168 : i32
    %add3A_274 = vector.broadcast %add3A_273 : i32 to vector<1024x512xi32>
    %add3A_275 = arith.addi %add3A_274, %iota3A_272 : vector<1024x512xi32>
    %eq3A_276 = vector.broadcast %get3A_271 : vector<1024x1xi32> to vector<1024x512xi32>
    %eq3A_277 = vector.broadcast %add3A_147 : vector<1x512xi32> to vector<1024x512xi32>
    %eq3A_278 = arith.cmpi eq, %eq3A_276, %eq3A_277 : vector<1024x512xi32>
    %jit3A_279 = arith.constant -1 : i32
    %broadcast_in_dim3A_280 = vector.broadcast %jit3A_279 : i32 to vector<1024x512xi32>
    %select_n3A_281 = arith.select %eq3A_278, %add3A_275, %broadcast_in_dim3A_280 : vector<1024x512xi1>, vector<1024x512xi32>
    %reduce_max3A_282 = arith.constant dense<-2147483648> : vector<512xi32>
    %reduce_max3A_283 = vector.multi_reduction <maxsi>, %select_n3A_281, %reduce_max3A_282 [0] : vector<1024x512xi32> to vector<512xi32>
    %broadcast_in_dim3A_284 = vector.shape_cast %reduce_max3A_283 : vector<512xi32> to vector<1x512xi32>
    %max3A_285 = arith.maxsi %max3A_268, %broadcast_in_dim3A_284 : vector<1x512xi32>
    %max3A_286 = arith.constant 0 : i32
    %max3A_287 = vector.broadcast %max3A_286 : i32 to vector<1x512xi32>
    %max3A_288 = arith.maxsi %max3A_285, %max3A_287 : vector<1x512xi32>
    %swap3A_289 = arith.constant 1 : index
    %swap3A_290 = arith.constant 0 : index
    %swap3A_291 = vector.load %arg1[%swap3A_289, %swap3A_290] : memref<8x512xi32, #tpu.memory_space<vmem>>, vector<1x512xi32>
    tpu.vector_store %arg1[%swap3A_289, %swap3A_290], %max3A_288 {strides = array<i32>} : memref<8x512xi32, #tpu.memory_space<vmem>>, vector<1x512xi32>,
    %ge3A_292 = arith.constant 0 : i32
    %ge3A_293 = vector.broadcast %ge3A_292 : i32 to vector<1x512xi32>
    %ge3A_294 = arith.cmpi sge, %max3A_285, %ge3A_293 : vector<1x512xi32>
    %convert_element_type3A_295 = arith.extui %ge3A_294 : vector<1x512xi1> to vector<1x512xi32>
    %convert_element_type3A_296 = arith.sitofp %convert_element_type3A_295 : vector<1x512xi32> to vector<1x512xf32>
    %swap3A_297 = arith.constant 1 : index
    %swap3A_298 = arith.constant 0 : index
    %swap3A_299 = vector.load %arg2[%swap3A_297, %swap3A_298] : memref<8x512xf32, #tpu.memory_space<vmem>>, vector<1x512xf32>
    tpu.vector_store %arg2[%swap3A_297, %swap3A_298], %convert_element_type3A_296 {strides = array<i32>} : memref<8x512xf32, #tpu.memory_space<vmem>>, vector<1x512xf32>,
    %iota3A_300 = tpu.iota {dimensions = array<i32: 1>} : vector<1x512xi32>
    %add3A_301 = arith.constant 1024 : i32
    %add3A_302 = vector.broadcast %add3A_301 : i32 to vector<1x512xi32>
    %add3A_303 = arith.addi %add3A_302, %iota3A_300 : vector<1x512xi32>
    %broadcast_in_dim3A_304 = arith.constant -1 : i32
    %broadcast_in_dim3A_305 = vector.broadcast %broadcast_in_dim3A_304 : i32 to vector<1x512xi32>
    %get3A_306 = arith.constant 0 : index
    %get3A_307 = arith.constant 0 : index
    %get3A_308 = vector.load %arg0[%get3A_306, %get3A_307] : memref<8192x1xi32, #tpu.memory_space<vmem>>, vector<1024x1xi32>
    %iota3A_309 = tpu.iota {dimensions = array<i32: 0>} : vector<1024x512xi32>
    %add3A_310 = arith.constant 0 : i32
    %add3A_311 = vector.broadcast %add3A_310 : i32 to vector<1024x512xi32>
    %add3A_312 = arith.addi %add3A_311, %iota3A_309 : vector<1024x512xi32>
    %eq3A_313 = vector.broadcast %get3A_308 : vector<1024x1xi32> to vector<1024x512xi32>
    %eq3A_314 = vector.broadcast %add3A_303 : vector<1x512xi32> to vector<1024x512xi32>
    %eq3A_315 = arith.cmpi eq, %eq3A_313, %eq3A_314 : vector<1024x512xi32>
    %jit3A_316 = arith.constant -1 : i32
    %broadcast_in_dim3A_317 = vector.broadcast %jit3A_316 : i32 to vector<1024x512xi32>
    %select_n3A_318 = arith.select %eq3A_315, %add3A_312, %broadcast_in_dim3A_317 : vector<1024x512xi1>, vector<1024x512xi32>
    %reduce_max3A_319 = arith.constant dense<-2147483648> : vector<512xi32>
    %reduce_max3A_320 = vector.multi_reduction <maxsi>, %select_n3A_318, %reduce_max3A_319 [0] : vector<1024x512xi32> to vector<512xi32>
    %broadcast_in_dim3A_321 = vector.shape_cast %reduce_max3A_320 : vector<512xi32> to vector<1x512xi32>
    %max3A_322 = arith.maxsi %broadcast_in_dim3A_305, %broadcast_in_dim3A_321 : vector<1x512xi32>
    %get3A_323 = arith.constant 1024 : index
    %get3A_324 = arith.constant 0 : index
    %get3A_325 = vector.load %arg0[%get3A_323, %get3A_324] : memref<8192x1xi32, #tpu.memory_space<vmem>>, vector<1024x1xi32>
    %iota3A_326 = tpu.iota {dimensions = array<i32: 0>} : vector<1024x512xi32>
    %add3A_327 = arith.constant 1024 : i32
    %add3A_328 = vector.broadcast %add3A_327 : i32 to vector<1024x512xi32>
    %add3A_329 = arith.addi %add3A_328, %iota3A_326 : vector<1024x512xi32>
    %eq3A_330 = vector.broadcast %get3A_325 : vector<1024x1xi32> to vector<1024x512xi32>
    %eq3A_331 = vector.broadcast %add3A_303 : vector<1x512xi32> to vector<1024x512xi32>
    %eq3A_332 = arith.cmpi eq, %eq3A_330, %eq3A_331 : vector<1024x512xi32>
    %jit3A_333 = arith.constant -1 : i32
    %broadcast_in_dim3A_334 = vector.broadcast %jit3A_333 : i32 to vector<1024x512xi32>
    %select_n3A_335 = arith.select %eq3A_332, %add3A_329, %broadcast_in_dim3A_334 : vector<1024x512xi1>, vector<1024x512xi32>
    %reduce_max3A_336 = arith.constant dense<-2147483648> : vector<512xi32>
    %reduce_max3A_337 = vector.multi_reduction <maxsi>, %select_n3A_335, %reduce_max3A_336 [0] : vector<1024x512xi32> to vector<512xi32>
    %broadcast_in_dim3A_338 = vector.shape_cast %reduce_max3A_337 : vector<512xi32> to vector<1x512xi32>
    %max3A_339 = arith.maxsi %max3A_322, %broadcast_in_dim3A_338 : vector<1x512xi32>
    %get3A_340 = arith.constant 2048 : index
    %get3A_341 = arith.constant 0 : index
    %get3A_342 = vector.load %arg0[%get3A_340, %get3A_341] : memref<8192x1xi32, #tpu.memory_space<vmem>>, vector<1024x1xi32>
    %iota3A_343 = tpu.iota {dimensions = array<i32: 0>} : vector<1024x512xi32>
    %add3A_344 = arith.constant 2048 : i32
    %add3A_345 = vector.broadcast %add3A_344 : i32 to vector<1024x512xi32>
    %add3A_346 = arith.addi %add3A_345, %iota3A_343 : vector<1024x512xi32>
    %eq3A_347 = vector.broadcast %get3A_342 : vector<1024x1xi32> to vector<1024x512xi32>
    %eq3A_348 = vector.broadcast %add3A_303 : vector<1x512xi32> to vector<1024x512xi32>
    %eq3A_349 = arith.cmpi eq, %eq3A_347, %eq3A_348 : vector<1024x512xi32>
    %jit3A_350 = arith.constant -1 : i32
    %broadcast_in_dim3A_351 = vector.broadcast %jit3A_350 : i32 to vector<1024x512xi32>
    %select_n3A_352 = arith.select %eq3A_349, %add3A_346, %broadcast_in_dim3A_351 : vector<1024x512xi1>, vector<1024x512xi32>
    %reduce_max3A_353 = arith.constant dense<-2147483648> : vector<512xi32>
    %reduce_max3A_354 = vector.multi_reduction <maxsi>, %select_n3A_352, %reduce_max3A_353 [0] : vector<1024x512xi32> to vector<512xi32>
    %broadcast_in_dim3A_355 = vector.shape_cast %reduce_max3A_354 : vector<512xi32> to vector<1x512xi32>
    %max3A_356 = arith.maxsi %max3A_339, %broadcast_in_dim3A_355 : vector<1x512xi32>
    %get3A_357 = arith.constant 3072 : index
    %get3A_358 = arith.constant 0 : index
    %get3A_359 = vector.load %arg0[%get3A_357, %get3A_358] : memref<8192x1xi32, #tpu.memory_space<vmem>>, vector<1024x1xi32>
    %iota3A_360 = tpu.iota {dimensions = array<i32: 0>} : vector<1024x512xi32>
    %add3A_361 = arith.constant 3072 : i32
    %add3A_362 = vector.broadcast %add3A_361 : i32 to vector<1024x512xi32>
    %add3A_363 = arith.addi %add3A_362, %iota3A_360 : vector<1024x512xi32>
    %eq3A_364 = vector.broadcast %get3A_359 : vector<1024x1xi32> to vector<1024x512xi32>
    %eq3A_365 = vector.broadcast %add3A_303 : vector<1x512xi32> to vector<1024x512xi32>
    %eq3A_366 = arith.cmpi eq, %eq3A_364, %eq3A_365 : vector<1024x512xi32>
    %jit3A_367 = arith.constant -1 : i32
    %broadcast_in_dim3A_368 = vector.broadcast %jit3A_367 : i32 to vector<1024x512xi32>
    %select_n3A_369 = arith.select %eq3A_366, %add3A_363, %broadcast_in_dim3A_368 : vector<1024x512xi1>, vector<1024x512xi32>
    %reduce_max3A_370 = arith.constant dense<-2147483648> : vector<512xi32>
    %reduce_max3A_371 = vector.multi_reduction <maxsi>, %select_n3A_369, %reduce_max3A_370 [0] : vector<1024x512xi32> to vector<512xi32>
    %broadcast_in_dim3A_372 = vector.shape_cast %reduce_max3A_371 : vector<512xi32> to vector<1x512xi32>
    %max3A_373 = arith.maxsi %max3A_356, %broadcast_in_dim3A_372 : vector<1x512xi32>
    %get3A_374 = arith.constant 4096 : index
    %get3A_375 = arith.constant 0 : index
    %get3A_376 = vector.load %arg0[%get3A_374, %get3A_375] : memref<8192x1xi32, #tpu.memory_space<vmem>>, vector<1024x1xi32>
    %iota3A_377 = tpu.iota {dimensions = array<i32: 0>} : vector<1024x512xi32>
    %add3A_378 = arith.constant 4096 : i32
    %add3A_379 = vector.broadcast %add3A_378 : i32 to vector<1024x512xi32>
    %add3A_380 = arith.addi %add3A_379, %iota3A_377 : vector<1024x512xi32>
    %eq3A_381 = vector.broadcast %get3A_376 : vector<1024x1xi32> to vector<1024x512xi32>
    %eq3A_382 = vector.broadcast %add3A_303 : vector<1x512xi32> to vector<1024x512xi32>
    %eq3A_383 = arith.cmpi eq, %eq3A_381, %eq3A_382 : vector<1024x512xi32>
    %jit3A_384 = arith.constant -1 : i32
    %broadcast_in_dim3A_385 = vector.broadcast %jit3A_384 : i32 to vector<1024x512xi32>
    %select_n3A_386 = arith.select %eq3A_383, %add3A_380, %broadcast_in_dim3A_385 : vector<1024x512xi1>, vector<1024x512xi32>
    %reduce_max3A_387 = arith.constant dense<-2147483648> : vector<512xi32>
    %reduce_max3A_388 = vector.multi_reduction <maxsi>, %select_n3A_386, %reduce_max3A_387 [0] : vector<1024x512xi32> to vector<512xi32>
    %broadcast_in_dim3A_389 = vector.shape_cast %reduce_max3A_388 : vector<512xi32> to vector<1x512xi32>
    %max3A_390 = arith.maxsi %max3A_373, %broadcast_in_dim3A_389 : vector<1x512xi32>
    %get3A_391 = arith.constant 5120 : index
    %get3A_392 = arith.constant 0 : index
    %get3A_393 = vector.load %arg0[%get3A_391, %get3A_392] : memref<8192x1xi32, #tpu.memory_space<vmem>>, vector<1024x1xi32>
    %iota3A_394 = tpu.iota {dimensions = array<i32: 0>} : vector<1024x512xi32>
    %add3A_395 = arith.constant 5120 : i32
    %add3A_396 = vector.broadcast %add3A_395 : i32 to vector<1024x512xi32>
    %add3A_397 = arith.addi %add3A_396, %iota3A_394 : vector<1024x512xi32>
    %eq3A_398 = vector.broadcast %get3A_393 : vector<1024x1xi32> to vector<1024x512xi32>
    %eq3A_399 = vector.broadcast %add3A_303 : vector<1x512xi32> to vector<1024x512xi32>
    %eq3A_400 = arith.cmpi eq, %eq3A_398, %eq3A_399 : vector<1024x512xi32>
    %jit3A_401 = arith.constant -1 : i32
    %broadcast_in_dim3A_402 = vector.broadcast %jit3A_401 : i32 to vector<1024x512xi32>
    %select_n3A_403 = arith.select %eq3A_400, %add3A_397, %broadcast_in_dim3A_402 : vector<1024x512xi1>, vector<1024x512xi32>
    %reduce_max3A_404 = arith.constant dense<-2147483648> : vector<512xi32>
    %reduce_max3A_405 = vector.multi_reduction <maxsi>, %select_n3A_403, %reduce_max3A_404 [0] : vector<1024x512xi32> to vector<512xi32>
    %broadcast_in_dim3A_406 = vector.shape_cast %reduce_max3A_405 : vector<512xi32> to vector<1x512xi32>
    %max3A_407 = arith.maxsi %max3A_390, %broadcast_in_dim3A_406 : vector<1x512xi32>
    %get3A_408 = arith.constant 6144 : index
    %get3A_409 = arith.constant 0 : index
    %get3A_410 = vector.load %arg0[%get3A_408, %get3A_409] : memref<8192x1xi32, #tpu.memory_space<vmem>>, vector<1024x1xi32>
    %iota3A_411 = tpu.iota {dimensions = array<i32: 0>} : vector<1024x512xi32>
    %add3A_412 = arith.constant 6144 : i32
    %add3A_413 = vector.broadcast %add3A_412 : i32 to vector<1024x512xi32>
    %add3A_414 = arith.addi %add3A_413, %iota3A_411 : vector<1024x512xi32>
    %eq3A_415 = vector.broadcast %get3A_410 : vector<1024x1xi32> to vector<1024x512xi32>
    %eq3A_416 = vector.broadcast %add3A_303 : vector<1x512xi32> to vector<1024x512xi32>
    %eq3A_417 = arith.cmpi eq, %eq3A_415, %eq3A_416 : vector<1024x512xi32>
    %jit3A_418 = arith.constant -1 : i32
    %broadcast_in_dim3A_419 = vector.broadcast %jit3A_418 : i32 to vector<1024x512xi32>
    %select_n3A_420 = arith.select %eq3A_417, %add3A_414, %broadcast_in_dim3A_419 : vector<1024x512xi1>, vector<1024x512xi32>
    %reduce_max3A_421 = arith.constant dense<-2147483648> : vector<512xi32>
    %reduce_max3A_422 = vector.multi_reduction <maxsi>, %select_n3A_420, %reduce_max3A_421 [0] : vector<1024x512xi32> to vector<512xi32>
    %broadcast_in_dim3A_423 = vector.shape_cast %reduce_max3A_422 : vector<512xi32> to vector<1x512xi32>
    %max3A_424 = arith.maxsi %max3A_407, %broadcast_in_dim3A_423 : vector<1x512xi32>
    %get3A_425 = arith.constant 7168 : index
    %get3A_426 = arith.constant 0 : index
    %get3A_427 = vector.load %arg0[%get3A_425, %get3A_426] : memref<8192x1xi32, #tpu.memory_space<vmem>>, vector<1024x1xi32>
    %iota3A_428 = tpu.iota {dimensions = array<i32: 0>} : vector<1024x512xi32>
    %add3A_429 = arith.constant 7168 : i32
    %add3A_430 = vector.broadcast %add3A_429 : i32 to vector<1024x512xi32>
    %add3A_431 = arith.addi %add3A_430, %iota3A_428 : vector<1024x512xi32>
    %eq3A_432 = vector.broadcast %get3A_427 : vector<1024x1xi32> to vector<1024x512xi32>
    %eq3A_433 = vector.broadcast %add3A_303 : vector<1x512xi32> to vector<1024x512xi32>
    %eq3A_434 = arith.cmpi eq, %eq3A_432, %eq3A_433 : vector<1024x512xi32>
    %jit3A_435 = arith.constant -1 : i32
    %broadcast_in_dim3A_436 = vector.broadcast %jit3A_435 : i32 to vector<1024x512xi32>
    %select_n3A_437 = arith.select %eq3A_434, %add3A_431, %broadcast_in_dim3A_436 : vector<1024x512xi1>, vector<1024x512xi32>
    %reduce_max3A_438 = arith.constant dense<-2147483648> : vector<512xi32>
    %reduce_max3A_439 = vector.multi_reduction <maxsi>, %select_n3A_437, %reduce_max3A_438 [0] : vector<1024x512xi32> to vector<512xi32>
    %broadcast_in_dim3A_440 = vector.shape_cast %reduce_max3A_439 : vector<512xi32> to vector<1x512xi32>
    %max3A_441 = arith.maxsi %max3A_424, %broadcast_in_dim3A_440 : vector<1x512xi32>
    %max3A_442 = arith.constant 0 : i32
    %max3A_443 = vector.broadcast %max3A_442 : i32 to vector<1x512xi32>
    %max3A_444 = arith.maxsi %max3A_441, %max3A_443 : vector<1x512xi32>
    %swap3A_445 = arith.constant 2 : index
    %swap3A_446 = arith.constant 0 : index
    %swap3A_447 = vector.load %arg1[%swap3A_445, %swap3A_446] : memref<8x512xi32, #tpu.memory_space<vmem>>, vector<1x512xi32>
    tpu.vector_store %arg1[%swap3A_445, %swap3A_446], %max3A_444 {strides = array<i32>} : memref<8x512xi32, #tpu.memory_space<vmem>>, vector<1x512xi32>,
    %ge3A_448 = arith.constant 0 : i32
    %ge3A_449 = vector.broadcast %ge3A_448 : i32 to vector<1x512xi32>
    %ge3A_450 = arith.cmpi sge, %max3A_441, %ge3A_449 : vector<1x512xi32>
    %convert_element_type3A_451 = arith.extui %ge3A_450 : vector<1x512xi1> to vector<1x512xi32>
    %convert_element_type3A_452 = arith.sitofp %convert_element_type3A_451 : vector<1x512xi32> to vector<1x512xf32>
    %swap3A_453 = arith.constant 2 : index
    %swap3A_454 = arith.constant 0 : index
    %swap3A_455 = vector.load %arg2[%swap3A_453, %swap3A_454] : memref<8x512xf32, #tpu.memory_space<vmem>>, vector<1x512xf32>
    tpu.vector_store %arg2[%swap3A_453, %swap3A_454], %convert_element_type3A_452 {strides = array<i32>} : memref<8x512xf32, #tpu.memory_space<vmem>>, vector<1x512xf32>,
    %iota3A_456 = tpu.iota {dimensions = array<i32: 1>} : vector<1x512xi32>
    %add3A_457 = arith.constant 1536 : i32
    %add3A_458 = vector.broadcast %add3A_457 : i32 to vector<1x512xi32>
    %add3A_459 = arith.addi %add3A_458, %iota3A_456 : vector<1x512xi32>
    %broadcast_in_dim3A_460 = arith.constant -1 : i32
    %broadcast_in_dim3A_461 = vector.broadcast %broadcast_in_dim3A_460 : i32 to vector<1x512xi32>
    %get3A_462 = arith.constant 0 : index
    %get3A_463 = arith.constant 0 : index
    %get3A_464 = vector.load %arg0[%get3A_462, %get3A_463] : memref<8192x1xi32, #tpu.memory_space<vmem>>, vector<1024x1xi32>
    %iota3A_465 = tpu.iota {dimensions = array<i32: 0>} : vector<1024x512xi32>
    %add3A_466 = arith.constant 0 : i32
    %add3A_467 = vector.broadcast %add3A_466 : i32 to vector<1024x512xi32>
    %add3A_468 = arith.addi %add3A_467, %iota3A_465 : vector<1024x512xi32>
    %eq3A_469 = vector.broadcast %get3A_464 : vector<1024x1xi32> to vector<1024x512xi32>
    %eq3A_470 = vector.broadcast %add3A_459 : vector<1x512xi32> to vector<1024x512xi32>
    %eq3A_471 = arith.cmpi eq, %eq3A_469, %eq3A_470 : vector<1024x512xi32>
    %jit3A_472 = arith.constant -1 : i32
    %broadcast_in_dim3A_473 = vector.broadcast %jit3A_472 : i32 to vector<1024x512xi32>
    %select_n3A_474 = arith.select %eq3A_471, %add3A_468, %broadcast_in_dim3A_473 : vector<1024x512xi1>, vector<1024x512xi32>
    %reduce_max3A_475 = arith.constant dense<-2147483648> : vector<512xi32>
    %reduce_max3A_476 = vector.multi_reduction <maxsi>, %select_n3A_474, %reduce_max3A_475 [0] : vector<1024x512xi32> to vector<512xi32>
    %broadcast_in_dim3A_477 = vector.shape_cast %reduce_max3A_476 : vector<512xi32> to vector<1x512xi32>
    %max3A_478 = arith.maxsi %broadcast_in_dim3A_461, %broadcast_in_dim3A_477 : vector<1x512xi32>
    %get3A_479 = arith.constant 1024 : index
    %get3A_480 = arith.constant 0 : index
    %get3A_481 = vector.load %arg0[%get3A_479, %get3A_480] : memref<8192x1xi32, #tpu.memory_space<vmem>>, vector<1024x1xi32>
    %iota3A_482 = tpu.iota {dimensions = array<i32: 0>} : vector<1024x512xi32>
    %add3A_483 = arith.constant 1024 : i32
    %add3A_484 = vector.broadcast %add3A_483 : i32 to vector<1024x512xi32>
    %add3A_485 = arith.addi %add3A_484, %iota3A_482 : vector<1024x512xi32>
    %eq3A_486 = vector.broadcast %get3A_481 : vector<1024x1xi32> to vector<1024x512xi32>
    %eq3A_487 = vector.broadcast %add3A_459 : vector<1x512xi32> to vector<1024x512xi32>
    %eq3A_488 = arith.cmpi eq, %eq3A_486, %eq3A_487 : vector<1024x512xi32>
    %jit3A_489 = arith.constant -1 : i32
    %broadcast_in_dim3A_490 = vector.broadcast %jit3A_489 : i32 to vector<1024x512xi32>
    %select_n3A_491 = arith.select %eq3A_488, %add3A_485, %broadcast_in_dim3A_490 : vector<1024x512xi1>, vector<1024x512xi32>
    %reduce_max3A_492 = arith.constant dense<-2147483648> : vector<512xi32>
    %reduce_max3A_493 = vector.multi_reduction <maxsi>, %select_n3A_491, %reduce_max3A_492 [0] : vector<1024x512xi32> to vector<512xi32>
    %broadcast_in_dim3A_494 = vector.shape_cast %reduce_max3A_493 : vector<512xi32> to vector<1x512xi32>
    %max3A_495 = arith.maxsi %max3A_478, %broadcast_in_dim3A_494 : vector<1x512xi32>
    %get3A_496 = arith.constant 2048 : index
    %get3A_497 = arith.constant 0 : index
    %get3A_498 = vector.load %arg0[%get3A_496, %get3A_497] : memref<8192x1xi32, #tpu.memory_space<vmem>>, vector<1024x1xi32>
    %iota3A_499 = tpu.iota {dimensions = array<i32: 0>} : vector<1024x512xi32>
    %add3A_500 = arith.constant 2048 : i32
    %add3A_501 = vector.broadcast %add3A_500 : i32 to vector<1024x512xi32>
    %add3A_502 = arith.addi %add3A_501, %iota3A_499 : vector<1024x512xi32>
    %eq3A_503 = vector.broadcast %get3A_498 : vector<1024x1xi32> to vector<1024x512xi32>
    %eq3A_504 = vector.broadcast %add3A_459 : vector<1x512xi32> to vector<1024x512xi32>
    %eq3A_505 = arith.cmpi eq, %eq3A_503, %eq3A_504 : vector<1024x512xi32>
    %jit3A_506 = arith.constant -1 : i32
    %broadcast_in_dim3A_507 = vector.broadcast %jit3A_506 : i32 to vector<1024x512xi32>
    %select_n3A_508 = arith.select %eq3A_505, %add3A_502, %broadcast_in_dim3A_507 : vector<1024x512xi1>, vector<1024x512xi32>
    %reduce_max3A_509 = arith.constant dense<-2147483648> : vector<512xi32>
    %reduce_max3A_510 = vector.multi_reduction <maxsi>, %select_n3A_508, %reduce_max3A_509 [0] : vector<1024x512xi32> to vector<512xi32>
    %broadcast_in_dim3A_511 = vector.shape_cast %reduce_max3A_510 : vector<512xi32> to vector<1x512xi32>
    %max3A_512 = arith.maxsi %max3A_495, %broadcast_in_dim3A_511 : vector<1x512xi32>
    %get3A_513 = arith.constant 3072 : index
    %get3A_514 = arith.constant 0 : index
    %get3A_515 = vector.load %arg0[%get3A_513, %get3A_514] : memref<8192x1xi32, #tpu.memory_space<vmem>>, vector<1024x1xi32>
    %iota3A_516 = tpu.iota {dimensions = array<i32: 0>} : vector<1024x512xi32>
    %add3A_517 = arith.constant 3072 : i32
    %add3A_518 = vector.broadcast %add3A_517 : i32 to vector<1024x512xi32>
    %add3A_519 = arith.addi %add3A_518, %iota3A_516 : vector<1024x512xi32>
    %eq3A_520 = vector.broadcast %get3A_515 : vector<1024x1xi32> to vector<1024x512xi32>
    %eq3A_521 = vector.broadcast %add3A_459 : vector<1x512xi32> to vector<1024x512xi32>
    %eq3A_522 = arith.cmpi eq, %eq3A_520, %eq3A_521 : vector<1024x512xi32>
    %jit3A_523 = arith.constant -1 : i32
    %broadcast_in_dim3A_524 = vector.broadcast %jit3A_523 : i32 to vector<1024x512xi32>
    %select_n3A_525 = arith.select %eq3A_522, %add3A_519, %broadcast_in_dim3A_524 : vector<1024x512xi1>, vector<1024x512xi32>
    %reduce_max3A_526 = arith.constant dense<-2147483648> : vector<512xi32>
    %reduce_max3A_527 = vector.multi_reduction <maxsi>, %select_n3A_525, %reduce_max3A_526 [0] : vector<1024x512xi32> to vector<512xi32>
    %broadcast_in_dim3A_528 = vector.shape_cast %reduce_max3A_527 : vector<512xi32> to vector<1x512xi32>
    %max3A_529 = arith.maxsi %max3A_512, %broadcast_in_dim3A_528 : vector<1x512xi32>
    %get3A_530 = arith.constant 4096 : index
    %get3A_531 = arith.constant 0 : index
    %get3A_532 = vector.load %arg0[%get3A_530, %get3A_531] : memref<8192x1xi32, #tpu.memory_space<vmem>>, vector<1024x1xi32>
    %iota3A_533 = tpu.iota {dimensions = array<i32: 0>} : vector<1024x512xi32>
    %add3A_534 = arith.constant 4096 : i32
    %add3A_535 = vector.broadcast %add3A_534 : i32 to vector<1024x512xi32>
    %add3A_536 = arith.addi %add3A_535, %iota3A_533 : vector<1024x512xi32>
    %eq3A_537 = vector.broadcast %get3A_532 : vector<1024x1xi32> to vector<1024x512xi32>
    %eq3A_538 = vector.broadcast %add3A_459 : vector<1x512xi32> to vector<1024x512xi32>
    %eq3A_539 = arith.cmpi eq, %eq3A_537, %eq3A_538 : vector<1024x512xi32>
    %jit3A_540 = arith.constant -1 : i32
    %broadcast_in_dim3A_541 = vector.broadcast %jit3A_540 : i32 to vector<1024x512xi32>
    %select_n3A_542 = arith.select %eq3A_539, %add3A_536, %broadcast_in_dim3A_541 : vector<1024x512xi1>, vector<1024x512xi32>
    %reduce_max3A_543 = arith.constant dense<-2147483648> : vector<512xi32>
    %reduce_max3A_544 = vector.multi_reduction <maxsi>, %select_n3A_542, %reduce_max3A_543 [0] : vector<1024x512xi32> to vector<512xi32>
    %broadcast_in_dim3A_545 = vector.shape_cast %reduce_max3A_544 : vector<512xi32> to vector<1x512xi32>
    %max3A_546 = arith.maxsi %max3A_529, %broadcast_in_dim3A_545 : vector<1x512xi32>
    %get3A_547 = arith.constant 5120 : index
    %get3A_548 = arith.constant 0 : index
    %get3A_549 = vector.load %arg0[%get3A_547, %get3A_548] : memref<8192x1xi32, #tpu.memory_space<vmem>>, vector<1024x1xi32>
    %iota3A_550 = tpu.iota {dimensions = array<i32: 0>} : vector<1024x512xi32>
    %add3A_551 = arith.constant 5120 : i32
    %add3A_552 = vector.broadcast %add3A_551 : i32 to vector<1024x512xi32>
    %add3A_553 = arith.addi %add3A_552, %iota3A_550 : vector<1024x512xi32>
    %eq3A_554 = vector.broadcast %get3A_549 : vector<1024x1xi32> to vector<1024x512xi32>
    %eq3A_555 = vector.broadcast %add3A_459 : vector<1x512xi32> to vector<1024x512xi32>
    %eq3A_556 = arith.cmpi eq, %eq3A_554, %eq3A_555 : vector<1024x512xi32>
    %jit3A_557 = arith.constant -1 : i32
    %broadcast_in_dim3A_558 = vector.broadcast %jit3A_557 : i32 to vector<1024x512xi32>
    %select_n3A_559 = arith.select %eq3A_556, %add3A_553, %broadcast_in_dim3A_558 : vector<1024x512xi1>, vector<1024x512xi32>
    %reduce_max3A_560 = arith.constant dense<-2147483648> : vector<512xi32>
    %reduce_max3A_561 = vector.multi_reduction <maxsi>, %select_n3A_559, %reduce_max3A_560 [0] : vector<1024x512xi32> to vector<512xi32>
    %broadcast_in_dim3A_562 = vector.shape_cast %reduce_max3A_561 : vector<512xi32> to vector<1x512xi32>
    %max3A_563 = arith.maxsi %max3A_546, %broadcast_in_dim3A_562 : vector<1x512xi32>
    %get3A_564 = arith.constant 6144 : index
    %get3A_565 = arith.constant 0 : index
    %get3A_566 = vector.load %arg0[%get3A_564, %get3A_565] : memref<8192x1xi32, #tpu.memory_space<vmem>>, vector<1024x1xi32>
    %iota3A_567 = tpu.iota {dimensions = array<i32: 0>} : vector<1024x512xi32>
    %add3A_568 = arith.constant 6144 : i32
    %add3A_569 = vector.broadcast %add3A_568 : i32 to vector<1024x512xi32>
    %add3A_570 = arith.addi %add3A_569, %iota3A_567 : vector<1024x512xi32>
    %eq3A_571 = vector.broadcast %get3A_566 : vector<1024x1xi32> to vector<1024x512xi32>
    %eq3A_572 = vector.broadcast %add3A_459 : vector<1x512xi32> to vector<1024x512xi32>
    %eq3A_573 = arith.cmpi eq, %eq3A_571, %eq3A_572 : vector<1024x512xi32>
    %jit3A_574 = arith.constant -1 : i32
    %broadcast_in_dim3A_575 = vector.broadcast %jit3A_574 : i32 to vector<1024x512xi32>
    %select_n3A_576 = arith.select %eq3A_573, %add3A_570, %broadcast_in_dim3A_575 : vector<1024x512xi1>, vector<1024x512xi32>
    %reduce_max3A_577 = arith.constant dense<-2147483648> : vector<512xi32>
    %reduce_max3A_578 = vector.multi_reduction <maxsi>, %select_n3A_576, %reduce_max3A_577 [0] : vector<1024x512xi32> to vector<512xi32>
    %broadcast_in_dim3A_579 = vector.shape_cast %reduce_max3A_578 : vector<512xi32> to vector<1x512xi32>
    %max3A_580 = arith.maxsi %max3A_563, %broadcast_in_dim3A_579 : vector<1x512xi32>
    %get3A_581 = arith.constant 7168 : index
    %get3A_582 = arith.constant 0 : index
    %get3A_583 = vector.load %arg0[%get3A_581, %get3A_582] : memref<8192x1xi32, #tpu.memory_space<vmem>>, vector<1024x1xi32>
    %iota3A_584 = tpu.iota {dimensions = array<i32: 0>} : vector<1024x512xi32>
    %add3A_585 = arith.constant 7168 : i32
    %add3A_586 = vector.broadcast %add3A_585 : i32 to vector<1024x512xi32>
    %add3A_587 = arith.addi %add3A_586, %iota3A_584 : vector<1024x512xi32>
    %eq3A_588 = vector.broadcast %get3A_583 : vector<1024x1xi32> to vector<1024x512xi32>
    %eq3A_589 = vector.broadcast %add3A_459 : vector<1x512xi32> to vector<1024x512xi32>
    %eq3A_590 = arith.cmpi eq, %eq3A_588, %eq3A_589 : vector<1024x512xi32>
    %jit3A_591 = arith.constant -1 : i32
    %broadcast_in_dim3A_592 = vector.broadcast %jit3A_591 : i32 to vector<1024x512xi32>
    %select_n3A_593 = arith.select %eq3A_590, %add3A_587, %broadcast_in_dim3A_592 : vector<1024x512xi1>, vector<1024x512xi32>
    %reduce_max3A_594 = arith.constant dense<-2147483648> : vector<512xi32>
    %reduce_max3A_595 = vector.multi_reduction <maxsi>, %select_n3A_593, %reduce_max3A_594 [0] : vector<1024x512xi32> to vector<512xi32>
    %broadcast_in_dim3A_596 = vector.shape_cast %reduce_max3A_595 : vector<512xi32> to vector<1x512xi32>
    %max3A_597 = arith.maxsi %max3A_580, %broadcast_in_dim3A_596 : vector<1x512xi32>
    %max3A_598 = arith.constant 0 : i32
    %max3A_599 = vector.broadcast %max3A_598 : i32 to vector<1x512xi32>
    %max3A_600 = arith.maxsi %max3A_597, %max3A_599 : vector<1x512xi32>
    %swap3A_601 = arith.constant 3 : index
    %swap3A_602 = arith.constant 0 : index
    %swap3A_603 = vector.load %arg1[%swap3A_601, %swap3A_602] : memref<8x512xi32, #tpu.memory_space<vmem>>, vector<1x512xi32>
    tpu.vector_store %arg1[%swap3A_601, %swap3A_602], %max3A_600 {strides = array<i32>} : memref<8x512xi32, #tpu.memory_space<vmem>>, vector<1x512xi32>,
    %ge3A_604 = arith.constant 0 : i32
    %ge3A_605 = vector.broadcast %ge3A_604 : i32 to vector<1x512xi32>
    %ge3A_606 = arith.cmpi sge, %max3A_597, %ge3A_605 : vector<1x512xi32>
    %convert_element_type3A_607 = arith.extui %ge3A_606 : vector<1x512xi1> to vector<1x512xi32>
    %convert_element_type3A_608 = arith.sitofp %convert_element_type3A_607 : vector<1x512xi32> to vector<1x512xf32>
    %swap3A_609 = arith.constant 3 : index
    %swap3A_610 = arith.constant 0 : index
    %swap3A_611 = vector.load %arg2[%swap3A_609, %swap3A_610] : memref<8x512xf32, #tpu.memory_space<vmem>>, vector<1x512xf32>
    tpu.vector_store %arg2[%swap3A_609, %swap3A_610], %convert_element_type3A_608 {strides = array<i32>} : memref<8x512xf32, #tpu.memory_space<vmem>>, vector<1x512xf32>,
    %iota3A_612 = tpu.iota {dimensions = array<i32: 1>} : vector<1x512xi32>
    %add3A_613 = arith.constant 2048 : i32
    %add3A_614 = vector.broadcast %add3A_613 : i32 to vector<1x512xi32>
    %add3A_615 = arith.addi %add3A_614, %iota3A_612 : vector<1x512xi32>
    %broadcast_in_dim3A_616 = arith.constant -1 : i32
    %broadcast_in_dim3A_617 = vector.broadcast %broadcast_in_dim3A_616 : i32 to vector<1x512xi32>
    %get3A_618 = arith.constant 0 : index
    %get3A_619 = arith.constant 0 : index
    %get3A_620 = vector.load %arg0[%get3A_618, %get3A_619] : memref<8192x1xi32, #tpu.memory_space<vmem>>, vector<1024x1xi32>
    %iota3A_621 = tpu.iota {dimensions = array<i32: 0>} : vector<1024x512xi32>
    %add3A_622 = arith.constant 0 : i32
    %add3A_623 = vector.broadcast %add3A_622 : i32 to vector<1024x512xi32>
    %add3A_624 = arith.addi %add3A_623, %iota3A_621 : vector<1024x512xi32>
    %eq3A_625 = vector.broadcast %get3A_620 : vector<1024x1xi32> to vector<1024x512xi32>
    %eq3A_626 = vector.broadcast %add3A_615 : vector<1x512xi32> to vector<1024x512xi32>
    %eq3A_627 = arith.cmpi eq, %eq3A_625, %eq3A_626 : vector<1024x512xi32>
    %jit3A_628 = arith.constant -1 : i32
    %broadcast_in_dim3A_629 = vector.broadcast %jit3A_628 : i32 to vector<1024x512xi32>
    %select_n3A_630 = arith.select %eq3A_627, %add3A_624, %broadcast_in_dim3A_629 : vector<1024x512xi1>, vector<1024x512xi32>
    %reduce_max3A_631 = arith.constant dense<-2147483648> : vector<512xi32>
    %reduce_max3A_632 = vector.multi_reduction <maxsi>, %select_n3A_630, %reduce_max3A_631 [0] : vector<1024x512xi32> to vector<512xi32>
    %broadcast_in_dim3A_633 = vector.shape_cast %reduce_max3A_632 : vector<512xi32> to vector<1x512xi32>
    %max3A_634 = arith.maxsi %broadcast_in_dim3A_617, %broadcast_in_dim3A_633 : vector<1x512xi32>
    %get3A_635 = arith.constant 1024 : index
    %get3A_636 = arith.constant 0 : index
    %get3A_637 = vector.load %arg0[%get3A_635, %get3A_636] : memref<8192x1xi32, #tpu.memory_space<vmem>>, vector<1024x1xi32>
    %iota3A_638 = tpu.iota {dimensions = array<i32: 0>} : vector<1024x512xi32>
    %add3A_639 = arith.constant 1024 : i32
    %add3A_640 = vector.broadcast %add3A_639 : i32 to vector<1024x512xi32>
    %add3A_641 = arith.addi %add3A_640, %iota3A_638 : vector<1024x512xi32>
    %eq3A_642 = vector.broadcast %get3A_637 : vector<1024x1xi32> to vector<1024x512xi32>
    %eq3A_643 = vector.broadcast %add3A_615 : vector<1x512xi32> to vector<1024x512xi32>
    %eq3A_644 = arith.cmpi eq, %eq3A_642, %eq3A_643 : vector<1024x512xi32>
    %jit3A_645 = arith.constant -1 : i32
    %broadcast_in_dim3A_646 = vector.broadcast %jit3A_645 : i32 to vector<1024x512xi32>
    %select_n3A_647 = arith.select %eq3A_644, %add3A_641, %broadcast_in_dim3A_646 : vector<1024x512xi1>, vector<1024x512xi32>
    %reduce_max3A_648 = arith.constant dense<-2147483648> : vector<512xi32>
    %reduce_max3A_649 = vector.multi_reduction <maxsi>, %select_n3A_647, %reduce_max3A_648 [0] : vector<1024x512xi32> to vector<512xi32>
    %broadcast_in_dim3A_650 = vector.shape_cast %reduce_max3A_649 : vector<512xi32> to vector<1x512xi32>
    %max3A_651 = arith.maxsi %max3A_634, %broadcast_in_dim3A_650 : vector<1x512xi32>
    %get3A_652 = arith.constant 2048 : index
    %get3A_653 = arith.constant 0 : index
    %get3A_654 = vector.load %arg0[%get3A_652, %get3A_653] : memref<8192x1xi32, #tpu.memory_space<vmem>>, vector<1024x1xi32>
    %iota3A_655 = tpu.iota {dimensions = array<i32: 0>} : vector<1024x512xi32>
    %add3A_656 = arith.constant 2048 : i32
    %add3A_657 = vector.broadcast %add3A_656 : i32 to vector<1024x512xi32>
    %add3A_658 = arith.addi %add3A_657, %iota3A_655 : vector<1024x512xi32>
    %eq3A_659 = vector.broadcast %get3A_654 : vector<1024x1xi32> to vector<1024x512xi32>
    %eq3A_660 = vector.broadcast %add3A_615 : vector<1x512xi32> to vector<1024x512xi32>
    %eq3A_661 = arith.cmpi eq, %eq3A_659, %eq3A_660 : vector<1024x512xi32>
    %jit3A_662 = arith.constant -1 : i32
    %broadcast_in_dim3A_663 = vector.broadcast %jit3A_662 : i32 to vector<1024x512xi32>
    %select_n3A_664 = arith.select %eq3A_661, %add3A_658, %broadcast_in_dim3A_663 : vector<1024x512xi1>, vector<1024x512xi32>
    %reduce_max3A_665 = arith.constant dense<-2147483648> : vector<512xi32>
    %reduce_max3A_666 = vector.multi_reduction <maxsi>, %select_n3A_664, %reduce_max3A_665 [0] : vector<1024x512xi32> to vector<512xi32>
    %broadcast_in_dim3A_667 = vector.shape_cast %reduce_max3A_666 : vector<512xi32> to vector<1x512xi32>
    %max3A_668 = arith.maxsi %max3A_651, %broadcast_in_dim3A_667 : vector<1x512xi32>
    %get3A_669 = arith.constant 3072 : index
    %get3A_670 = arith.constant 0 : index
    %get3A_671 = vector.load %arg0[%get3A_669, %get3A_670] : memref<8192x1xi32, #tpu.memory_space<vmem>>, vector<1024x1xi32>
    %iota3A_672 = tpu.iota {dimensions = array<i32: 0>} : vector<1024x512xi32>
    %add3A_673 = arith.constant 3072 : i32
    %add3A_674 = vector.broadcast %add3A_673 : i32 to vector<1024x512xi32>
    %add3A_675 = arith.addi %add3A_674, %iota3A_672 : vector<1024x512xi32>
    %eq3A_676 = vector.broadcast %get3A_671 : vector<1024x1xi32> to vector<1024x512xi32>
    %eq3A_677 = vector.broadcast %add3A_615 : vector<1x512xi32> to vector<1024x512xi32>
    %eq3A_678 = arith.cmpi eq, %eq3A_676, %eq3A_677 : vector<1024x512xi32>
    %jit3A_679 = arith.constant -1 : i32
    %broadcast_in_dim3A_680 = vector.broadcast %jit3A_679 : i32 to vector<1024x512xi32>
    %select_n3A_681 = arith.select %eq3A_678, %add3A_675, %broadcast_in_dim3A_680 : vector<1024x512xi1>, vector<1024x512xi32>
    %reduce_max3A_682 = arith.constant dense<-2147483648> : vector<512xi32>
    %reduce_max3A_683 = vector.multi_reduction <maxsi>, %select_n3A_681, %reduce_max3A_682 [0] : vector<1024x512xi32> to vector<512xi32>
    %broadcast_in_dim3A_684 = vector.shape_cast %reduce_max3A_683 : vector<512xi32> to vector<1x512xi32>
    %max3A_685 = arith.maxsi %max3A_668, %broadcast_in_dim3A_684 : vector<1x512xi32>
    %get3A_686 = arith.constant 4096 : index
    %get3A_687 = arith.constant 0 : index
    %get3A_688 = vector.load %arg0[%get3A_686, %get3A_687] : memref<8192x1xi32, #tpu.memory_space<vmem>>, vector<1024x1xi32>
    %iota3A_689 = tpu.iota {dimensions = array<i32: 0>} : vector<1024x512xi32>
    %add3A_690 = arith.constant 4096 : i32
    %add3A_691 = vector.broadcast %add3A_690 : i32 to vector<1024x512xi32>
    %add3A_692 = arith.addi %add3A_691, %iota3A_689 : vector<1024x512xi32>
    %eq3A_693 = vector.broadcast %get3A_688 : vector<1024x1xi32> to vector<1024x512xi32>
    %eq3A_694 = vector.broadcast %add3A_615 : vector<1x512xi32> to vector<1024x512xi32>
    %eq3A_695 = arith.cmpi eq, %eq3A_693, %eq3A_694 : vector<1024x512xi32>
    %jit3A_696 = arith.constant -1 : i32
    %broadcast_in_dim3A_697 = vector.broadcast %jit3A_696 : i32 to vector<1024x512xi32>
    %select_n3A_698 = arith.select %eq3A_695, %add3A_692, %broadcast_in_dim3A_697 : vector<1024x512xi1>, vector<1024x512xi32>
    %reduce_max3A_699 = arith.constant dense<-2147483648> : vector<512xi32>
    %reduce_max3A_700 = vector.multi_reduction <maxsi>, %select_n3A_698, %reduce_max3A_699 [0] : vector<1024x512xi32> to vector<512xi32>
    %broadcast_in_dim3A_701 = vector.shape_cast %reduce_max3A_700 : vector<512xi32> to vector<1x512xi32>
    %max3A_702 = arith.maxsi %max3A_685, %broadcast_in_dim3A_701 : vector<1x512xi32>
    %get3A_703 = arith.constant 5120 : index
    %get3A_704 = arith.constant 0 : index
    %get3A_705 = vector.load %arg0[%get3A_703, %get3A_704] : memref<8192x1xi32, #tpu.memory_space<vmem>>, vector<1024x1xi32>
    %iota3A_706 = tpu.iota {dimensions = array<i32: 0>} : vector<1024x512xi32>
    %add3A_707 = arith.constant 5120 : i32
    %add3A_708 = vector.broadcast %add3A_707 : i32 to vector<1024x512xi32>
    %add3A_709 = arith.addi %add3A_708, %iota3A_706 : vector<1024x512xi32>
    %eq3A_710 = vector.broadcast %get3A_705 : vector<1024x1xi32> to vector<1024x512xi32>
    %eq3A_711 = vector.broadcast %add3A_615 : vector<1x512xi32> to vector<1024x512xi32>
    %eq3A_712 = arith.cmpi eq, %eq3A_710, %eq3A_711 : vector<1024x512xi32>
    %jit3A_713 = arith.constant -1 : i32
    %broadcast_in_dim3A_714 = vector.broadcast %jit3A_713 : i32 to vector<1024x512xi32>
    %select_n3A_715 = arith.select %eq3A_712, %add3A_709, %broadcast_in_dim3A_714 : vector<1024x512xi1>, vector<1024x512xi32>
    %reduce_max3A_716 = arith.constant dense<-2147483648> : vector<512xi32>
    %reduce_max3A_717 = vector.multi_reduction <maxsi>, %select_n3A_715, %reduce_max3A_716 [0] : vector<1024x512xi32> to vector<512xi32>
    %broadcast_in_dim3A_718 = vector.shape_cast %reduce_max3A_717 : vector<512xi32> to vector<1x512xi32>
    %max3A_719 = arith.maxsi %max3A_702, %broadcast_in_dim3A_718 : vector<1x512xi32>
    %get3A_720 = arith.constant 6144 : index
    %get3A_721 = arith.constant 0 : index
    %get3A_722 = vector.load %arg0[%get3A_720, %get3A_721] : memref<8192x1xi32, #tpu.memory_space<vmem>>, vector<1024x1xi32>
    %iota3A_723 = tpu.iota {dimensions = array<i32: 0>} : vector<1024x512xi32>
    %add3A_724 = arith.constant 6144 : i32
    %add3A_725 = vector.broadcast %add3A_724 : i32 to vector<1024x512xi32>
    %add3A_726 = arith.addi %add3A_725, %iota3A_723 : vector<1024x512xi32>
    %eq3A_727 = vector.broadcast %get3A_722 : vector<1024x1xi32> to vector<1024x512xi32>
    %eq3A_728 = vector.broadcast %add3A_615 : vector<1x512xi32> to vector<1024x512xi32>
    %eq3A_729 = arith.cmpi eq, %eq3A_727, %eq3A_728 : vector<1024x512xi32>
    %jit3A_730 = arith.constant -1 : i32
    %broadcast_in_dim3A_731 = vector.broadcast %jit3A_730 : i32 to vector<1024x512xi32>
    %select_n3A_732 = arith.select %eq3A_729, %add3A_726, %broadcast_in_dim3A_731 : vector<1024x512xi1>, vector<1024x512xi32>
    %reduce_max3A_733 = arith.constant dense<-2147483648> : vector<512xi32>
    %reduce_max3A_734 = vector.multi_reduction <maxsi>, %select_n3A_732, %reduce_max3A_733 [0] : vector<1024x512xi32> to vector<512xi32>
    %broadcast_in_dim3A_735 = vector.shape_cast %reduce_max3A_734 : vector<512xi32> to vector<1x512xi32>
    %max3A_736 = arith.maxsi %max3A_719, %broadcast_in_dim3A_735 : vector<1x512xi32>
    %get3A_737 = arith.constant 7168 : index
    %get3A_738 = arith.constant 0 : index
    %get3A_739 = vector.load %arg0[%get3A_737, %get3A_738] : memref<8192x1xi32, #tpu.memory_space<vmem>>, vector<1024x1xi32>
    %iota3A_740 = tpu.iota {dimensions = array<i32: 0>} : vector<1024x512xi32>
    %add3A_741 = arith.constant 7168 : i32
    %add3A_742 = vector.broadcast %add3A_741 : i32 to vector<1024x512xi32>
    %add3A_743 = arith.addi %add3A_742, %iota3A_740 : vector<1024x512xi32>
    %eq3A_744 = vector.broadcast %get3A_739 : vector<1024x1xi32> to vector<1024x512xi32>
    %eq3A_745 = vector.broadcast %add3A_615 : vector<1x512xi32> to vector<1024x512xi32>
    %eq3A_746 = arith.cmpi eq, %eq3A_744, %eq3A_745 : vector<1024x512xi32>
    %jit3A_747 = arith.constant -1 : i32
    %broadcast_in_dim3A_748 = vector.broadcast %jit3A_747 : i32 to vector<1024x512xi32>
    %select_n3A_749 = arith.select %eq3A_746, %add3A_743, %broadcast_in_dim3A_748 : vector<1024x512xi1>, vector<1024x512xi32>
    %reduce_max3A_750 = arith.constant dense<-2147483648> : vector<512xi32>
    %reduce_max3A_751 = vector.multi_reduction <maxsi>, %select_n3A_749, %reduce_max3A_750 [0] : vector<1024x512xi32> to vector<512xi32>
    %broadcast_in_dim3A_752 = vector.shape_cast %reduce_max3A_751 : vector<512xi32> to vector<1x512xi32>
    %max3A_753 = arith.maxsi %max3A_736, %broadcast_in_dim3A_752 : vector<1x512xi32>
    %max3A_754 = arith.constant 0 : i32
    %max3A_755 = vector.broadcast %max3A_754 : i32 to vector<1x512xi32>
    %max3A_756 = arith.maxsi %max3A_753, %max3A_755 : vector<1x512xi32>
    %swap3A_757 = arith.constant 4 : index
    %swap3A_758 = arith.constant 0 : index
    %swap3A_759 = vector.load %arg1[%swap3A_757, %swap3A_758] : memref<8x512xi32, #tpu.memory_space<vmem>>, vector<1x512xi32>
    tpu.vector_store %arg1[%swap3A_757, %swap3A_758], %max3A_756 {strides = array<i32>} : memref<8x512xi32, #tpu.memory_space<vmem>>, vector<1x512xi32>,
    %ge3A_760 = arith.constant 0 : i32
    %ge3A_761 = vector.broadcast %ge3A_760 : i32 to vector<1x512xi32>
    %ge3A_762 = arith.cmpi sge, %max3A_753, %ge3A_761 : vector<1x512xi32>
    %convert_element_type3A_763 = arith.extui %ge3A_762 : vector<1x512xi1> to vector<1x512xi32>
    %convert_element_type3A_764 = arith.sitofp %convert_element_type3A_763 : vector<1x512xi32> to vector<1x512xf32>
    %swap3A_765 = arith.constant 4 : index
    %swap3A_766 = arith.constant 0 : index
    %swap3A_767 = vector.load %arg2[%swap3A_765, %swap3A_766] : memref<8x512xf32, #tpu.memory_space<vmem>>, vector<1x512xf32>
    tpu.vector_store %arg2[%swap3A_765, %swap3A_766], %convert_element_type3A_764 {strides = array<i32>} : memref<8x512xf32, #tpu.memory_space<vmem>>, vector<1x512xf32>,
    %iota3A_768 = tpu.iota {dimensions = array<i32: 1>} : vector<1x512xi32>
    %add3A_769 = arith.constant 2560 : i32
    %add3A_770 = vector.broadcast %add3A_769 : i32 to vector<1x512xi32>
    %add3A_771 = arith.addi %add3A_770, %iota3A_768 : vector<1x512xi32>
    %broadcast_in_dim3A_772 = arith.constant -1 : i32
    %broadcast_in_dim3A_773 = vector.broadcast %broadcast_in_dim3A_772 : i32 to vector<1x512xi32>
    %get3A_774 = arith.constant 0 : index
    %get3A_775 = arith.constant 0 : index
    %get3A_776 = vector.load %arg0[%get3A_774, %get3A_775] : memref<8192x1xi32, #tpu.memory_space<vmem>>, vector<1024x1xi32>
    %iota3A_777 = tpu.iota {dimensions = array<i32: 0>} : vector<1024x512xi32>
    %add3A_778 = arith.constant 0 : i32
    %add3A_779 = vector.broadcast %add3A_778 : i32 to vector<1024x512xi32>
    %add3A_780 = arith.addi %add3A_779, %iota3A_777 : vector<1024x512xi32>
    %eq3A_781 = vector.broadcast %get3A_776 : vector<1024x1xi32> to vector<1024x512xi32>
    %eq3A_782 = vector.broadcast %add3A_771 : vector<1x512xi32> to vector<1024x512xi32>
    %eq3A_783 = arith.cmpi eq, %eq3A_781, %eq3A_782 : vector<1024x512xi32>
    %jit3A_784 = arith.constant -1 : i32
    %broadcast_in_dim3A_785 = vector.broadcast %jit3A_784 : i32 to vector<1024x512xi32>
    %select_n3A_786 = arith.select %eq3A_783, %add3A_780, %broadcast_in_dim3A_785 : vector<1024x512xi1>, vector<1024x512xi32>
    %reduce_max3A_787 = arith.constant dense<-2147483648> : vector<512xi32>
    %reduce_max3A_788 = vector.multi_reduction <maxsi>, %select_n3A_786, %reduce_max3A_787 [0] : vector<1024x512xi32> to vector<512xi32>
    %broadcast_in_dim3A_789 = vector.shape_cast %reduce_max3A_788 : vector<512xi32> to vector<1x512xi32>
    %max3A_790 = arith.maxsi %broadcast_in_dim3A_773, %broadcast_in_dim3A_789 : vector<1x512xi32>
    %get3A_791 = arith.constant 1024 : index
    %get3A_792 = arith.constant 0 : index
    %get3A_793 = vector.load %arg0[%get3A_791, %get3A_792] : memref<8192x1xi32, #tpu.memory_space<vmem>>, vector<1024x1xi32>
    %iota3A_794 = tpu.iota {dimensions = array<i32: 0>} : vector<1024x512xi32>
    %add3A_795 = arith.constant 1024 : i32
    %add3A_796 = vector.broadcast %add3A_795 : i32 to vector<1024x512xi32>
    %add3A_797 = arith.addi %add3A_796, %iota3A_794 : vector<1024x512xi32>
    %eq3A_798 = vector.broadcast %get3A_793 : vector<1024x1xi32> to vector<1024x512xi32>
    %eq3A_799 = vector.broadcast %add3A_771 : vector<1x512xi32> to vector<1024x512xi32>
    %eq3A_800 = arith.cmpi eq, %eq3A_798, %eq3A_799 : vector<1024x512xi32>
    %jit3A_801 = arith.constant -1 : i32
    %broadcast_in_dim3A_802 = vector.broadcast %jit3A_801 : i32 to vector<1024x512xi32>
    %select_n3A_803 = arith.select %eq3A_800, %add3A_797, %broadcast_in_dim3A_802 : vector<1024x512xi1>, vector<1024x512xi32>
    %reduce_max3A_804 = arith.constant dense<-2147483648> : vector<512xi32>
    %reduce_max3A_805 = vector.multi_reduction <maxsi>, %select_n3A_803, %reduce_max3A_804 [0] : vector<1024x512xi32> to vector<512xi32>
    %broadcast_in_dim3A_806 = vector.shape_cast %reduce_max3A_805 : vector<512xi32> to vector<1x512xi32>
    %max3A_807 = arith.maxsi %max3A_790, %broadcast_in_dim3A_806 : vector<1x512xi32>
    %get3A_808 = arith.constant 2048 : index
    %get3A_809 = arith.constant 0 : index
    %get3A_810 = vector.load %arg0[%get3A_808, %get3A_809] : memref<8192x1xi32, #tpu.memory_space<vmem>>, vector<1024x1xi32>
    %iota3A_811 = tpu.iota {dimensions = array<i32: 0>} : vector<1024x512xi32>
    %add3A_812 = arith.constant 2048 : i32
    %add3A_813 = vector.broadcast %add3A_812 : i32 to vector<1024x512xi32>
    %add3A_814 = arith.addi %add3A_813, %iota3A_811 : vector<1024x512xi32>
    %eq3A_815 = vector.broadcast %get3A_810 : vector<1024x1xi32> to vector<1024x512xi32>
    %eq3A_816 = vector.broadcast %add3A_771 : vector<1x512xi32> to vector<1024x512xi32>
    %eq3A_817 = arith.cmpi eq, %eq3A_815, %eq3A_816 : vector<1024x512xi32>
    %jit3A_818 = arith.constant -1 : i32
    %broadcast_in_dim3A_819 = vector.broadcast %jit3A_818 : i32 to vector<1024x512xi32>
    %select_n3A_820 = arith.select %eq3A_817, %add3A_814, %broadcast_in_dim3A_819 : vector<1024x512xi1>, vector<1024x512xi32>
    %reduce_max3A_821 = arith.constant dense<-2147483648> : vector<512xi32>
    %reduce_max3A_822 = vector.multi_reduction <maxsi>, %select_n3A_820, %reduce_max3A_821 [0] : vector<1024x512xi32> to vector<512xi32>
    %broadcast_in_dim3A_823 = vector.shape_cast %reduce_max3A_822 : vector<512xi32> to vector<1x512xi32>
    %max3A_824 = arith.maxsi %max3A_807, %broadcast_in_dim3A_823 : vector<1x512xi32>
    %get3A_825 = arith.constant 3072 : index
    %get3A_826 = arith.constant 0 : index
    %get3A_827 = vector.load %arg0[%get3A_825, %get3A_826] : memref<8192x1xi32, #tpu.memory_space<vmem>>, vector<1024x1xi32>
    %iota3A_828 = tpu.iota {dimensions = array<i32: 0>} : vector<1024x512xi32>
    %add3A_829 = arith.constant 3072 : i32
    %add3A_830 = vector.broadcast %add3A_829 : i32 to vector<1024x512xi32>
    %add3A_831 = arith.addi %add3A_830, %iota3A_828 : vector<1024x512xi32>
    %eq3A_832 = vector.broadcast %get3A_827 : vector<1024x1xi32> to vector<1024x512xi32>
    %eq3A_833 = vector.broadcast %add3A_771 : vector<1x512xi32> to vector<1024x512xi32>
    %eq3A_834 = arith.cmpi eq, %eq3A_832, %eq3A_833 : vector<1024x512xi32>
    %jit3A_835 = arith.constant -1 : i32
    %broadcast_in_dim3A_836 = vector.broadcast %jit3A_835 : i32 to vector<1024x512xi32>
    %select_n3A_837 = arith.select %eq3A_834, %add3A_831, %broadcast_in_dim3A_836 : vector<1024x512xi1>, vector<1024x512xi32>
    %reduce_max3A_838 = arith.constant dense<-2147483648> : vector<512xi32>
    %reduce_max3A_839 = vector.multi_reduction <maxsi>, %select_n3A_837, %reduce_max3A_838 [0] : vector<1024x512xi32> to vector<512xi32>
    %broadcast_in_dim3A_840 = vector.shape_cast %reduce_max3A_839 : vector<512xi32> to vector<1x512xi32>
    %max3A_841 = arith.maxsi %max3A_824, %broadcast_in_dim3A_840 : vector<1x512xi32>
    %get3A_842 = arith.constant 4096 : index
    %get3A_843 = arith.constant 0 : index
    %get3A_844 = vector.load %arg0[%get3A_842, %get3A_843] : memref<8192x1xi32, #tpu.memory_space<vmem>>, vector<1024x1xi32>
    %iota3A_845 = tpu.iota {dimensions = array<i32: 0>} : vector<1024x512xi32>
    %add3A_846 = arith.constant 4096 : i32
    %add3A_847 = vector.broadcast %add3A_846 : i32 to vector<1024x512xi32>
    %add3A_848 = arith.addi %add3A_847, %iota3A_845 : vector<1024x512xi32>
    %eq3A_849 = vector.broadcast %get3A_844 : vector<1024x1xi32> to vector<1024x512xi32>
    %eq3A_850 = vector.broadcast %add3A_771 : vector<1x512xi32> to vector<1024x512xi32>
    %eq3A_851 = arith.cmpi eq, %eq3A_849, %eq3A_850 : vector<1024x512xi32>
    %jit3A_852 = arith.constant -1 : i32
    %broadcast_in_dim3A_853 = vector.broadcast %jit3A_852 : i32 to vector<1024x512xi32>
    %select_n3A_854 = arith.select %eq3A_851, %add3A_848, %broadcast_in_dim3A_853 : vector<1024x512xi1>, vector<1024x512xi32>
    %reduce_max3A_855 = arith.constant dense<-2147483648> : vector<512xi32>
    %reduce_max3A_856 = vector.multi_reduction <maxsi>, %select_n3A_854, %reduce_max3A_855 [0] : vector<1024x512xi32> to vector<512xi32>
    %broadcast_in_dim3A_857 = vector.shape_cast %reduce_max3A_856 : vector<512xi32> to vector<1x512xi32>
    %max3A_858 = arith.maxsi %max3A_841, %broadcast_in_dim3A_857 : vector<1x512xi32>
    %get3A_859 = arith.constant 5120 : index
    %get3A_860 = arith.constant 0 : index
    %get3A_861 = vector.load %arg0[%get3A_859, %get3A_860] : memref<8192x1xi32, #tpu.memory_space<vmem>>, vector<1024x1xi32>
    %iota3A_862 = tpu.iota {dimensions = array<i32: 0>} : vector<1024x512xi32>
    %add3A_863 = arith.constant 5120 : i32
    %add3A_864 = vector.broadcast %add3A_863 : i32 to vector<1024x512xi32>
    %add3A_865 = arith.addi %add3A_864, %iota3A_862 : vector<1024x512xi32>
    %eq3A_866 = vector.broadcast %get3A_861 : vector<1024x1xi32> to vector<1024x512xi32>
    %eq3A_867 = vector.broadcast %add3A_771 : vector<1x512xi32> to vector<1024x512xi32>
    %eq3A_868 = arith.cmpi eq, %eq3A_866, %eq3A_867 : vector<1024x512xi32>
    %jit3A_869 = arith.constant -1 : i32
    %broadcast_in_dim3A_870 = vector.broadcast %jit3A_869 : i32 to vector<1024x512xi32>
    %select_n3A_871 = arith.select %eq3A_868, %add3A_865, %broadcast_in_dim3A_870 : vector<1024x512xi1>, vector<1024x512xi32>
    %reduce_max3A_872 = arith.constant dense<-2147483648> : vector<512xi32>
    %reduce_max3A_873 = vector.multi_reduction <maxsi>, %select_n3A_871, %reduce_max3A_872 [0] : vector<1024x512xi32> to vector<512xi32>
    %broadcast_in_dim3A_874 = vector.shape_cast %reduce_max3A_873 : vector<512xi32> to vector<1x512xi32>
    %max3A_875 = arith.maxsi %max3A_858, %broadcast_in_dim3A_874 : vector<1x512xi32>
    %get3A_876 = arith.constant 6144 : index
    %get3A_877 = arith.constant 0 : index
    %get3A_878 = vector.load %arg0[%get3A_876, %get3A_877] : memref<8192x1xi32, #tpu.memory_space<vmem>>, vector<1024x1xi32>
    %iota3A_879 = tpu.iota {dimensions = array<i32: 0>} : vector<1024x512xi32>
    %add3A_880 = arith.constant 6144 : i32
    %add3A_881 = vector.broadcast %add3A_880 : i32 to vector<1024x512xi32>
    %add3A_882 = arith.addi %add3A_881, %iota3A_879 : vector<1024x512xi32>
    %eq3A_883 = vector.broadcast %get3A_878 : vector<1024x1xi32> to vector<1024x512xi32>
    %eq3A_884 = vector.broadcast %add3A_771 : vector<1x512xi32> to vector<1024x512xi32>
    %eq3A_885 = arith.cmpi eq, %eq3A_883, %eq3A_884 : vector<1024x512xi32>
    %jit3A_886 = arith.constant -1 : i32
    %broadcast_in_dim3A_887 = vector.broadcast %jit3A_886 : i32 to vector<1024x512xi32>
    %select_n3A_888 = arith.select %eq3A_885, %add3A_882, %broadcast_in_dim3A_887 : vector<1024x512xi1>, vector<1024x512xi32>
    %reduce_max3A_889 = arith.constant dense<-2147483648> : vector<512xi32>
    %reduce_max3A_890 = vector.multi_reduction <maxsi>, %select_n3A_888, %reduce_max3A_889 [0] : vector<1024x512xi32> to vector<512xi32>
    %broadcast_in_dim3A_891 = vector.shape_cast %reduce_max3A_890 : vector<512xi32> to vector<1x512xi32>
    %max3A_892 = arith.maxsi %max3A_875, %broadcast_in_dim3A_891 : vector<1x512xi32>
    %get3A_893 = arith.constant 7168 : index
    %get3A_894 = arith.constant 0 : index
    %get3A_895 = vector.load %arg0[%get3A_893, %get3A_894] : memref<8192x1xi32, #tpu.memory_space<vmem>>, vector<1024x1xi32>
    %iota3A_896 = tpu.iota {dimensions = array<i32: 0>} : vector<1024x512xi32>
    %add3A_897 = arith.constant 7168 : i32
    %add3A_898 = vector.broadcast %add3A_897 : i32 to vector<1024x512xi32>
    %add3A_899 = arith.addi %add3A_898, %iota3A_896 : vector<1024x512xi32>
    %eq3A_900 = vector.broadcast %get3A_895 : vector<1024x1xi32> to vector<1024x512xi32>
    %eq3A_901 = vector.broadcast %add3A_771 : vector<1x512xi32> to vector<1024x512xi32>
    %eq3A_902 = arith.cmpi eq, %eq3A_900, %eq3A_901 : vector<1024x512xi32>
    %jit3A_903 = arith.constant -1 : i32
    %broadcast_in_dim3A_904 = vector.broadcast %jit3A_903 : i32 to vector<1024x512xi32>
    %select_n3A_905 = arith.select %eq3A_902, %add3A_899, %broadcast_in_dim3A_904 : vector<1024x512xi1>, vector<1024x512xi32>
    %reduce_max3A_906 = arith.constant dense<-2147483648> : vector<512xi32>
    %reduce_max3A_907 = vector.multi_reduction <maxsi>, %select_n3A_905, %reduce_max3A_906 [0] : vector<1024x512xi32> to vector<512xi32>
    %broadcast_in_dim3A_908 = vector.shape_cast %reduce_max3A_907 : vector<512xi32> to vector<1x512xi32>
    %max3A_909 = arith.maxsi %max3A_892, %broadcast_in_dim3A_908 : vector<1x512xi32>
    %max3A_910 = arith.constant 0 : i32
    %max3A_911 = vector.broadcast %max3A_910 : i32 to vector<1x512xi32>
    %max3A_912 = arith.maxsi %max3A_909, %max3A_911 : vector<1x512xi32>
    %swap3A_913 = arith.constant 5 : index
    %swap3A_914 = arith.constant 0 : index
    %swap3A_915 = vector.load %arg1[%swap3A_913, %swap3A_914] : memref<8x512xi32, #tpu.memory_space<vmem>>, vector<1x512xi32>
    tpu.vector_store %arg1[%swap3A_913, %swap3A_914], %max3A_912 {strides = array<i32>} : memref<8x512xi32, #tpu.memory_space<vmem>>, vector<1x512xi32>,
    %ge3A_916 = arith.constant 0 : i32
    %ge3A_917 = vector.broadcast %ge3A_916 : i32 to vector<1x512xi32>
    %ge3A_918 = arith.cmpi sge, %max3A_909, %ge3A_917 : vector<1x512xi32>
    %convert_element_type3A_919 = arith.extui %ge3A_918 : vector<1x512xi1> to vector<1x512xi32>
    %convert_element_type3A_920 = arith.sitofp %convert_element_type3A_919 : vector<1x512xi32> to vector<1x512xf32>
    %swap3A_921 = arith.constant 5 : index
    %swap3A_922 = arith.constant 0 : index
    %swap3A_923 = vector.load %arg2[%swap3A_921, %swap3A_922] : memref<8x512xf32, #tpu.memory_space<vmem>>, vector<1x512xf32>
    tpu.vector_store %arg2[%swap3A_921, %swap3A_922], %convert_element_type3A_920 {strides = array<i32>} : memref<8x512xf32, #tpu.memory_space<vmem>>, vector<1x512xf32>,
    %iota3A_924 = tpu.iota {dimensions = array<i32: 1>} : vector<1x512xi32>
    %add3A_925 = arith.constant 3072 : i32
    %add3A_926 = vector.broadcast %add3A_925 : i32 to vector<1x512xi32>
    %add3A_927 = arith.addi %add3A_926, %iota3A_924 : vector<1x512xi32>
    %broadcast_in_dim3A_928 = arith.constant -1 : i32
    %broadcast_in_dim3A_929 = vector.broadcast %broadcast_in_dim3A_928 : i32 to vector<1x512xi32>
    %get3A_930 = arith.constant 0 : index
    %get3A_931 = arith.constant 0 : index
    %get3A_932 = vector.load %arg0[%get3A_930, %get3A_931] : memref<8192x1xi32, #tpu.memory_space<vmem>>, vector<1024x1xi32>
    %iota3A_933 = tpu.iota {dimensions = array<i32: 0>} : vector<1024x512xi32>
    %add3A_934 = arith.constant 0 : i32
    %add3A_935 = vector.broadcast %add3A_934 : i32 to vector<1024x512xi32>
    %add3A_936 = arith.addi %add3A_935, %iota3A_933 : vector<1024x512xi32>
    %eq3A_937 = vector.broadcast %get3A_932 : vector<1024x1xi32> to vector<1024x512xi32>
    %eq3A_938 = vector.broadcast %add3A_927 : vector<1x512xi32> to vector<1024x512xi32>
    %eq3A_939 = arith.cmpi eq, %eq3A_937, %eq3A_938 : vector<1024x512xi32>
    %jit3A_940 = arith.constant -1 : i32
    %broadcast_in_dim3A_941 = vector.broadcast %jit3A_940 : i32 to vector<1024x512xi32>
    %select_n3A_942 = arith.select %eq3A_939, %add3A_936, %broadcast_in_dim3A_941 : vector<1024x512xi1>, vector<1024x512xi32>
    %reduce_max3A_943 = arith.constant dense<-2147483648> : vector<512xi32>
    %reduce_max3A_944 = vector.multi_reduction <maxsi>, %select_n3A_942, %reduce_max3A_943 [0] : vector<1024x512xi32> to vector<512xi32>
    %broadcast_in_dim3A_945 = vector.shape_cast %reduce_max3A_944 : vector<512xi32> to vector<1x512xi32>
    %max3A_946 = arith.maxsi %broadcast_in_dim3A_929, %broadcast_in_dim3A_945 : vector<1x512xi32>
    %get3A_947 = arith.constant 1024 : index
    %get3A_948 = arith.constant 0 : index
    %get3A_949 = vector.load %arg0[%get3A_947, %get3A_948] : memref<8192x1xi32, #tpu.memory_space<vmem>>, vector<1024x1xi32>
    %iota3A_950 = tpu.iota {dimensions = array<i32: 0>} : vector<1024x512xi32>
    %add3A_951 = arith.constant 1024 : i32
    %add3A_952 = vector.broadcast %add3A_951 : i32 to vector<1024x512xi32>
    %add3A_953 = arith.addi %add3A_952, %iota3A_950 : vector<1024x512xi32>
    %eq3A_954 = vector.broadcast %get3A_949 : vector<1024x1xi32> to vector<1024x512xi32>
    %eq3A_955 = vector.broadcast %add3A_927 : vector<1x512xi32> to vector<1024x512xi32>
    %eq3A_956 = arith.cmpi eq, %eq3A_954, %eq3A_955 : vector<1024x512xi32>
    %jit3A_957 = arith.constant -1 : i32
    %broadcast_in_dim3A_958 = vector.broadcast %jit3A_957 : i32 to vector<1024x512xi32>
    %select_n3A_959 = arith.select %eq3A_956, %add3A_953, %broadcast_in_dim3A_958 : vector<1024x512xi1>, vector<1024x512xi32>
    %reduce_max3A_960 = arith.constant dense<-2147483648> : vector<512xi32>
    %reduce_max3A_961 = vector.multi_reduction <maxsi>, %select_n3A_959, %reduce_max3A_960 [0] : vector<1024x512xi32> to vector<512xi32>
    %broadcast_in_dim3A_962 = vector.shape_cast %reduce_max3A_961 : vector<512xi32> to vector<1x512xi32>
    %max3A_963 = arith.maxsi %max3A_946, %broadcast_in_dim3A_962 : vector<1x512xi32>
    %get3A_964 = arith.constant 2048 : index
    %get3A_965 = arith.constant 0 : index
    %get3A_966 = vector.load %arg0[%get3A_964, %get3A_965] : memref<8192x1xi32, #tpu.memory_space<vmem>>, vector<1024x1xi32>
    %iota3A_967 = tpu.iota {dimensions = array<i32: 0>} : vector<1024x512xi32>
    %add3A_968 = arith.constant 2048 : i32
    %add3A_969 = vector.broadcast %add3A_968 : i32 to vector<1024x512xi32>
    %add3A_970 = arith.addi %add3A_969, %iota3A_967 : vector<1024x512xi32>
    %eq3A_971 = vector.broadcast %get3A_966 : vector<1024x1xi32> to vector<1024x512xi32>
    %eq3A_972 = vector.broadcast %add3A_927 : vector<1x512xi32> to vector<1024x512xi32>
    %eq3A_973 = arith.cmpi eq, %eq3A_971, %eq3A_972 : vector<1024x512xi32>
    %jit3A_974 = arith.constant -1 : i32
    %broadcast_in_dim3A_975 = vector.broadcast %jit3A_974 : i32 to vector<1024x512xi32>
    %select_n3A_976 = arith.select %eq3A_973, %add3A_970, %broadcast_in_dim3A_975 : vector<1024x512xi1>, vector<1024x512xi32>
    %reduce_max3A_977 = arith.constant dense<-2147483648> : vector<512xi32>
    %reduce_max3A_978 = vector.multi_reduction <maxsi>, %select_n3A_976, %reduce_max3A_977 [0] : vector<1024x512xi32> to vector<512xi32>
    %broadcast_in_dim3A_979 = vector.shape_cast %reduce_max3A_978 : vector<512xi32> to vector<1x512xi32>
    %max3A_980 = arith.maxsi %max3A_963, %broadcast_in_dim3A_979 : vector<1x512xi32>
    %get3A_981 = arith.constant 3072 : index
    %get3A_982 = arith.constant 0 : index
    %get3A_983 = vector.load %arg0[%get3A_981, %get3A_982] : memref<8192x1xi32, #tpu.memory_space<vmem>>, vector<1024x1xi32>
    %iota3A_984 = tpu.iota {dimensions = array<i32: 0>} : vector<1024x512xi32>
    %add3A_985 = arith.constant 3072 : i32
    %add3A_986 = vector.broadcast %add3A_985 : i32 to vector<1024x512xi32>
    %add3A_987 = arith.addi %add3A_986, %iota3A_984 : vector<1024x512xi32>
    %eq3A_988 = vector.broadcast %get3A_983 : vector<1024x1xi32> to vector<1024x512xi32>
    %eq3A_989 = vector.broadcast %add3A_927 : vector<1x512xi32> to vector<1024x512xi32>
    %eq3A_990 = arith.cmpi eq, %eq3A_988, %eq3A_989 : vector<1024x512xi32>
    %jit3A_991 = arith.constant -1 : i32
    %broadcast_in_dim3A_992 = vector.broadcast %jit3A_991 : i32 to vector<1024x512xi32>
    %select_n3A_993 = arith.select %eq3A_990, %add3A_987, %broadcast_in_dim3A_992 : vector<1024x512xi1>, vector<1024x512xi32>
    %reduce_max3A_994 = arith.constant dense<-2147483648> : vector<512xi32>
    %reduce_max3A_995 = vector.multi_reduction <maxsi>, %select_n3A_993, %reduce_max3A_994 [0] : vector<1024x512xi32> to vector<512xi32>
    %broadcast_in_dim3A_996 = vector.shape_cast %reduce_max3A_995 : vector<512xi32> to vector<1x512xi32>
    %max3A_997 = arith.maxsi %max3A_980, %broadcast_in_dim3A_996 : vector<1x512xi32>
    %get3A_998 = arith.constant 4096 : index
    %get3A_999 = arith.constant 0 : index
    %get3A_1000 = vector.load %arg0[%get3A_998, %get3A_999] : memref<8192x1xi32, #tpu.memory_space<vmem>>, vector<1024x1xi32>
    %iota3A_1001 = tpu.iota {dimensions = array<i32: 0>} : vector<1024x512xi32>
    %add3A_1002 = arith.constant 4096 : i32
    %add3A_1003 = vector.broadcast %add3A_1002 : i32 to vector<1024x512xi32>
    %add3A_1004 = arith.addi %add3A_1003, %iota3A_1001 : vector<1024x512xi32>
    %eq3A_1005 = vector.broadcast %get3A_1000 : vector<1024x1xi32> to vector<1024x512xi32>
    %eq3A_1006 = vector.broadcast %add3A_927 : vector<1x512xi32> to vector<1024x512xi32>
    %eq3A_1007 = arith.cmpi eq, %eq3A_1005, %eq3A_1006 : vector<1024x512xi32>
    %jit3A_1008 = arith.constant -1 : i32
    %broadcast_in_dim3A_1009 = vector.broadcast %jit3A_1008 : i32 to vector<1024x512xi32>
    %select_n3A_1010 = arith.select %eq3A_1007, %add3A_1004, %broadcast_in_dim3A_1009 : vector<1024x512xi1>, vector<1024x512xi32>
    %reduce_max3A_1011 = arith.constant dense<-2147483648> : vector<512xi32>
    %reduce_max3A_1012 = vector.multi_reduction <maxsi>, %select_n3A_1010, %reduce_max3A_1011 [0] : vector<1024x512xi32> to vector<512xi32>
    %broadcast_in_dim3A_1013 = vector.shape_cast %reduce_max3A_1012 : vector<512xi32> to vector<1x512xi32>
    %max3A_1014 = arith.maxsi %max3A_997, %broadcast_in_dim3A_1013 : vector<1x512xi32>
    %get3A_1015 = arith.constant 5120 : index
    %get3A_1016 = arith.constant 0 : index
    %get3A_1017 = vector.load %arg0[%get3A_1015, %get3A_1016] : memref<8192x1xi32, #tpu.memory_space<vmem>>, vector<1024x1xi32>
    %iota3A_1018 = tpu.iota {dimensions = array<i32: 0>} : vector<1024x512xi32>
    %add3A_1019 = arith.constant 5120 : i32
    %add3A_1020 = vector.broadcast %add3A_1019 : i32 to vector<1024x512xi32>
    %add3A_1021 = arith.addi %add3A_1020, %iota3A_1018 : vector<1024x512xi32>
    %eq3A_1022 = vector.broadcast %get3A_1017 : vector<1024x1xi32> to vector<1024x512xi32>
    %eq3A_1023 = vector.broadcast %add3A_927 : vector<1x512xi32> to vector<1024x512xi32>
    %eq3A_1024 = arith.cmpi eq, %eq3A_1022, %eq3A_1023 : vector<1024x512xi32>
    %jit3A_1025 = arith.constant -1 : i32
    %broadcast_in_dim3A_1026 = vector.broadcast %jit3A_1025 : i32 to vector<1024x512xi32>
    %select_n3A_1027 = arith.select %eq3A_1024, %add3A_1021, %broadcast_in_dim3A_1026 : vector<1024x512xi1>, vector<1024x512xi32>
    %reduce_max3A_1028 = arith.constant dense<-2147483648> : vector<512xi32>
    %reduce_max3A_1029 = vector.multi_reduction <maxsi>, %select_n3A_1027, %reduce_max3A_1028 [0] : vector<1024x512xi32> to vector<512xi32>
    %broadcast_in_dim3A_1030 = vector.shape_cast %reduce_max3A_1029 : vector<512xi32> to vector<1x512xi32>
    %max3A_1031 = arith.maxsi %max3A_1014, %broadcast_in_dim3A_1030 : vector<1x512xi32>
    %get3A_1032 = arith.constant 6144 : index
    %get3A_1033 = arith.constant 0 : index
    %get3A_1034 = vector.load %arg0[%get3A_1032, %get3A_1033] : memref<8192x1xi32, #tpu.memory_space<vmem>>, vector<1024x1xi32>
    %iota3A_1035 = tpu.iota {dimensions = array<i32: 0>} : vector<1024x512xi32>
    %add3A_1036 = arith.constant 6144 : i32
    %add3A_1037 = vector.broadcast %add3A_1036 : i32 to vector<1024x512xi32>
    %add3A_1038 = arith.addi %add3A_1037, %iota3A_1035 : vector<1024x512xi32>
    %eq3A_1039 = vector.broadcast %get3A_1034 : vector<1024x1xi32> to vector<1024x512xi32>
    %eq3A_1040 = vector.broadcast %add3A_927 : vector<1x512xi32> to vector<1024x512xi32>
    %eq3A_1041 = arith.cmpi eq, %eq3A_1039, %eq3A_1040 : vector<1024x512xi32>
    %jit3A_1042 = arith.constant -1 : i32
    %broadcast_in_dim3A_1043 = vector.broadcast %jit3A_1042 : i32 to vector<1024x512xi32>
    %select_n3A_1044 = arith.select %eq3A_1041, %add3A_1038, %broadcast_in_dim3A_1043 : vector<1024x512xi1>, vector<1024x512xi32>
    %reduce_max3A_1045 = arith.constant dense<-2147483648> : vector<512xi32>
    %reduce_max3A_1046 = vector.multi_reduction <maxsi>, %select_n3A_1044, %reduce_max3A_1045 [0] : vector<1024x512xi32> to vector<512xi32>
    %broadcast_in_dim3A_1047 = vector.shape_cast %reduce_max3A_1046 : vector<512xi32> to vector<1x512xi32>
    %max3A_1048 = arith.maxsi %max3A_1031, %broadcast_in_dim3A_1047 : vector<1x512xi32>
    %get3A_1049 = arith.constant 7168 : index
    %get3A_1050 = arith.constant 0 : index
    %get3A_1051 = vector.load %arg0[%get3A_1049, %get3A_1050] : memref<8192x1xi32, #tpu.memory_space<vmem>>, vector<1024x1xi32>
    %iota3A_1052 = tpu.iota {dimensions = array<i32: 0>} : vector<1024x512xi32>
    %add3A_1053 = arith.constant 7168 : i32
    %add3A_1054 = vector.broadcast %add3A_1053 : i32 to vector<1024x512xi32>
    %add3A_1055 = arith.addi %add3A_1054, %iota3A_1052 : vector<1024x512xi32>
    %eq3A_1056 = vector.broadcast %get3A_1051 : vector<1024x1xi32> to vector<1024x512xi32>
    %eq3A_1057 = vector.broadcast %add3A_927 : vector<1x512xi32> to vector<1024x512xi32>
    %eq3A_1058 = arith.cmpi eq, %eq3A_1056, %eq3A_1057 : vector<1024x512xi32>
    %jit3A_1059 = arith.constant -1 : i32
    %broadcast_in_dim3A_1060 = vector.broadcast %jit3A_1059 : i32 to vector<1024x512xi32>
    %select_n3A_1061 = arith.select %eq3A_1058, %add3A_1055, %broadcast_in_dim3A_1060 : vector<1024x512xi1>, vector<1024x512xi32>
    %reduce_max3A_1062 = arith.constant dense<-2147483648> : vector<512xi32>
    %reduce_max3A_1063 = vector.multi_reduction <maxsi>, %select_n3A_1061, %reduce_max3A_1062 [0] : vector<1024x512xi32> to vector<512xi32>
    %broadcast_in_dim3A_1064 = vector.shape_cast %reduce_max3A_1063 : vector<512xi32> to vector<1x512xi32>
    %max3A_1065 = arith.maxsi %max3A_1048, %broadcast_in_dim3A_1064 : vector<1x512xi32>
    %max3A_1066 = arith.constant 0 : i32
    %max3A_1067 = vector.broadcast %max3A_1066 : i32 to vector<1x512xi32>
    %max3A_1068 = arith.maxsi %max3A_1065, %max3A_1067 : vector<1x512xi32>
    %swap3A_1069 = arith.constant 6 : index
    %swap3A_1070 = arith.constant 0 : index
    %swap3A_1071 = vector.load %arg1[%swap3A_1069, %swap3A_1070] : memref<8x512xi32, #tpu.memory_space<vmem>>, vector<1x512xi32>
    tpu.vector_store %arg1[%swap3A_1069, %swap3A_1070], %max3A_1068 {strides = array<i32>} : memref<8x512xi32, #tpu.memory_space<vmem>>, vector<1x512xi32>,
    %ge3A_1072 = arith.constant 0 : i32
    %ge3A_1073 = vector.broadcast %ge3A_1072 : i32 to vector<1x512xi32>
    %ge3A_1074 = arith.cmpi sge, %max3A_1065, %ge3A_1073 : vector<1x512xi32>
    %convert_element_type3A_1075 = arith.extui %ge3A_1074 : vector<1x512xi1> to vector<1x512xi32>
    %convert_element_type3A_1076 = arith.sitofp %convert_element_type3A_1075 : vector<1x512xi32> to vector<1x512xf32>
    %swap3A_1077 = arith.constant 6 : index
    %swap3A_1078 = arith.constant 0 : index
    %swap3A_1079 = vector.load %arg2[%swap3A_1077, %swap3A_1078] : memref<8x512xf32, #tpu.memory_space<vmem>>, vector<1x512xf32>
    tpu.vector_store %arg2[%swap3A_1077, %swap3A_1078], %convert_element_type3A_1076 {strides = array<i32>} : memref<8x512xf32, #tpu.memory_space<vmem>>, vector<1x512xf32>,
    %iota3A_1080 = tpu.iota {dimensions = array<i32: 1>} : vector<1x512xi32>
    %add3A_1081 = arith.constant 3584 : i32
    %add3A_1082 = vector.broadcast %add3A_1081 : i32 to vector<1x512xi32>
    %add3A_1083 = arith.addi %add3A_1082, %iota3A_1080 : vector<1x512xi32>
    %broadcast_in_dim3A_1084 = arith.constant -1 : i32
    %broadcast_in_dim3A_1085 = vector.broadcast %broadcast_in_dim3A_1084 : i32 to vector<1x512xi32>
    %get3A_1086 = arith.constant 0 : index
    %get3A_1087 = arith.constant 0 : index
    %get3A_1088 = vector.load %arg0[%get3A_1086, %get3A_1087] : memref<8192x1xi32, #tpu.memory_space<vmem>>, vector<1024x1xi32>
    %iota3A_1089 = tpu.iota {dimensions = array<i32: 0>} : vector<1024x512xi32>
    %add3A_1090 = arith.constant 0 : i32
    %add3A_1091 = vector.broadcast %add3A_1090 : i32 to vector<1024x512xi32>
    %add3A_1092 = arith.addi %add3A_1091, %iota3A_1089 : vector<1024x512xi32>
    %eq3A_1093 = vector.broadcast %get3A_1088 : vector<1024x1xi32> to vector<1024x512xi32>
    %eq3A_1094 = vector.broadcast %add3A_1083 : vector<1x512xi32> to vector<1024x512xi32>
    %eq3A_1095 = arith.cmpi eq, %eq3A_1093, %eq3A_1094 : vector<1024x512xi32>
    %jit3A_1096 = arith.constant -1 : i32
    %broadcast_in_dim3A_1097 = vector.broadcast %jit3A_1096 : i32 to vector<1024x512xi32>
    %select_n3A_1098 = arith.select %eq3A_1095, %add3A_1092, %broadcast_in_dim3A_1097 : vector<1024x512xi1>, vector<1024x512xi32>
    %reduce_max3A_1099 = arith.constant dense<-2147483648> : vector<512xi32>
    %reduce_max3A_1100 = vector.multi_reduction <maxsi>, %select_n3A_1098, %reduce_max3A_1099 [0] : vector<1024x512xi32> to vector<512xi32>
    %broadcast_in_dim3A_1101 = vector.shape_cast %reduce_max3A_1100 : vector<512xi32> to vector<1x512xi32>
    %max3A_1102 = arith.maxsi %broadcast_in_dim3A_1085, %broadcast_in_dim3A_1101 : vector<1x512xi32>
    %get3A_1103 = arith.constant 1024 : index
    %get3A_1104 = arith.constant 0 : index
    %get3A_1105 = vector.load %arg0[%get3A_1103, %get3A_1104] : memref<8192x1xi32, #tpu.memory_space<vmem>>, vector<1024x1xi32>
    %iota3A_1106 = tpu.iota {dimensions = array<i32: 0>} : vector<1024x512xi32>
    %add3A_1107 = arith.constant 1024 : i32
    %add3A_1108 = vector.broadcast %add3A_1107 : i32 to vector<1024x512xi32>
    %add3A_1109 = arith.addi %add3A_1108, %iota3A_1106 : vector<1024x512xi32>
    %eq3A_1110 = vector.broadcast %get3A_1105 : vector<1024x1xi32> to vector<1024x512xi32>
    %eq3A_1111 = vector.broadcast %add3A_1083 : vector<1x512xi32> to vector<1024x512xi32>
    %eq3A_1112 = arith.cmpi eq, %eq3A_1110, %eq3A_1111 : vector<1024x512xi32>
    %jit3A_1113 = arith.constant -1 : i32
    %broadcast_in_dim3A_1114 = vector.broadcast %jit3A_1113 : i32 to vector<1024x512xi32>
    %select_n3A_1115 = arith.select %eq3A_1112, %add3A_1109, %broadcast_in_dim3A_1114 : vector<1024x512xi1>, vector<1024x512xi32>
    %reduce_max3A_1116 = arith.constant dense<-2147483648> : vector<512xi32>
    %reduce_max3A_1117 = vector.multi_reduction <maxsi>, %select_n3A_1115, %reduce_max3A_1116 [0] : vector<1024x512xi32> to vector<512xi32>
    %broadcast_in_dim3A_1118 = vector.shape_cast %reduce_max3A_1117 : vector<512xi32> to vector<1x512xi32>
    %max3A_1119 = arith.maxsi %max3A_1102, %broadcast_in_dim3A_1118 : vector<1x512xi32>
    %get3A_1120 = arith.constant 2048 : index
    %get3A_1121 = arith.constant 0 : index
    %get3A_1122 = vector.load %arg0[%get3A_1120, %get3A_1121] : memref<8192x1xi32, #tpu.memory_space<vmem>>, vector<1024x1xi32>
    %iota3A_1123 = tpu.iota {dimensions = array<i32: 0>} : vector<1024x512xi32>
    %add3A_1124 = arith.constant 2048 : i32
    %add3A_1125 = vector.broadcast %add3A_1124 : i32 to vector<1024x512xi32>
    %add3A_1126 = arith.addi %add3A_1125, %iota3A_1123 : vector<1024x512xi32>
    %eq3A_1127 = vector.broadcast %get3A_1122 : vector<1024x1xi32> to vector<1024x512xi32>
    %eq3A_1128 = vector.broadcast %add3A_1083 : vector<1x512xi32> to vector<1024x512xi32>
    %eq3A_1129 = arith.cmpi eq, %eq3A_1127, %eq3A_1128 : vector<1024x512xi32>
    %jit3A_1130 = arith.constant -1 : i32
    %broadcast_in_dim3A_1131 = vector.broadcast %jit3A_1130 : i32 to vector<1024x512xi32>
    %select_n3A_1132 = arith.select %eq3A_1129, %add3A_1126, %broadcast_in_dim3A_1131 : vector<1024x512xi1>, vector<1024x512xi32>
    %reduce_max3A_1133 = arith.constant dense<-2147483648> : vector<512xi32>
    %reduce_max3A_1134 = vector.multi_reduction <maxsi>, %select_n3A_1132, %reduce_max3A_1133 [0] : vector<1024x512xi32> to vector<512xi32>
    %broadcast_in_dim3A_1135 = vector.shape_cast %reduce_max3A_1134 : vector<512xi32> to vector<1x512xi32>
    %max3A_1136 = arith.maxsi %max3A_1119, %broadcast_in_dim3A_1135 : vector<1x512xi32>
    %get3A_1137 = arith.constant 3072 : index
    %get3A_1138 = arith.constant 0 : index
    %get3A_1139 = vector.load %arg0[%get3A_1137, %get3A_1138] : memref<8192x1xi32, #tpu.memory_space<vmem>>, vector<1024x1xi32>
    %iota3A_1140 = tpu.iota {dimensions = array<i32: 0>} : vector<1024x512xi32>
    %add3A_1141 = arith.constant 3072 : i32
    %add3A_1142 = vector.broadcast %add3A_1141 : i32 to vector<1024x512xi32>
    %add3A_1143 = arith.addi %add3A_1142, %iota3A_1140 : vector<1024x512xi32>
    %eq3A_1144 = vector.broadcast %get3A_1139 : vector<1024x1xi32> to vector<1024x512xi32>
    %eq3A_1145 = vector.broadcast %add3A_1083 : vector<1x512xi32> to vector<1024x512xi32>
    %eq3A_1146 = arith.cmpi eq, %eq3A_1144, %eq3A_1145 : vector<1024x512xi32>
    %jit3A_1147 = arith.constant -1 : i32
    %broadcast_in_dim3A_1148 = vector.broadcast %jit3A_1147 : i32 to vector<1024x512xi32>
    %select_n3A_1149 = arith.select %eq3A_1146, %add3A_1143, %broadcast_in_dim3A_1148 : vector<1024x512xi1>, vector<1024x512xi32>
    %reduce_max3A_1150 = arith.constant dense<-2147483648> : vector<512xi32>
    %reduce_max3A_1151 = vector.multi_reduction <maxsi>, %select_n3A_1149, %reduce_max3A_1150 [0] : vector<1024x512xi32> to vector<512xi32>
    %broadcast_in_dim3A_1152 = vector.shape_cast %reduce_max3A_1151 : vector<512xi32> to vector<1x512xi32>
    %max3A_1153 = arith.maxsi %max3A_1136, %broadcast_in_dim3A_1152 : vector<1x512xi32>
    %get3A_1154 = arith.constant 4096 : index
    %get3A_1155 = arith.constant 0 : index
    %get3A_1156 = vector.load %arg0[%get3A_1154, %get3A_1155] : memref<8192x1xi32, #tpu.memory_space<vmem>>, vector<1024x1xi32>
    %iota3A_1157 = tpu.iota {dimensions = array<i32: 0>} : vector<1024x512xi32>
    %add3A_1158 = arith.constant 4096 : i32
    %add3A_1159 = vector.broadcast %add3A_1158 : i32 to vector<1024x512xi32>
    %add3A_1160 = arith.addi %add3A_1159, %iota3A_1157 : vector<1024x512xi32>
    %eq3A_1161 = vector.broadcast %get3A_1156 : vector<1024x1xi32> to vector<1024x512xi32>
    %eq3A_1162 = vector.broadcast %add3A_1083 : vector<1x512xi32> to vector<1024x512xi32>
    %eq3A_1163 = arith.cmpi eq, %eq3A_1161, %eq3A_1162 : vector<1024x512xi32>
    %jit3A_1164 = arith.constant -1 : i32
    %broadcast_in_dim3A_1165 = vector.broadcast %jit3A_1164 : i32 to vector<1024x512xi32>
    %select_n3A_1166 = arith.select %eq3A_1163, %add3A_1160, %broadcast_in_dim3A_1165 : vector<1024x512xi1>, vector<1024x512xi32>
    %reduce_max3A_1167 = arith.constant dense<-2147483648> : vector<512xi32>
    %reduce_max3A_1168 = vector.multi_reduction <maxsi>, %select_n3A_1166, %reduce_max3A_1167 [0] : vector<1024x512xi32> to vector<512xi32>
    %broadcast_in_dim3A_1169 = vector.shape_cast %reduce_max3A_1168 : vector<512xi32> to vector<1x512xi32>
    %max3A_1170 = arith.maxsi %max3A_1153, %broadcast_in_dim3A_1169 : vector<1x512xi32>
    %get3A_1171 = arith.constant 5120 : index
    %get3A_1172 = arith.constant 0 : index
    %get3A_1173 = vector.load %arg0[%get3A_1171, %get3A_1172] : memref<8192x1xi32, #tpu.memory_space<vmem>>, vector<1024x1xi32>
    %iota3A_1174 = tpu.iota {dimensions = array<i32: 0>} : vector<1024x512xi32>
    %add3A_1175 = arith.constant 5120 : i32
    %add3A_1176 = vector.broadcast %add3A_1175 : i32 to vector<1024x512xi32>
    %add3A_1177 = arith.addi %add3A_1176, %iota3A_1174 : vector<1024x512xi32>
    %eq3A_1178 = vector.broadcast %get3A_1173 : vector<1024x1xi32> to vector<1024x512xi32>
    %eq3A_1179 = vector.broadcast %add3A_1083 : vector<1x512xi32> to vector<1024x512xi32>
    %eq3A_1180 = arith.cmpi eq, %eq3A_1178, %eq3A_1179 : vector<1024x512xi32>
    %jit3A_1181 = arith.constant -1 : i32
    %broadcast_in_dim3A_1182 = vector.broadcast %jit3A_1181 : i32 to vector<1024x512xi32>
    %select_n3A_1183 = arith.select %eq3A_1180, %add3A_1177, %broadcast_in_dim3A_1182 : vector<1024x512xi1>, vector<1024x512xi32>
    %reduce_max3A_1184 = arith.constant dense<-2147483648> : vector<512xi32>
    %reduce_max3A_1185 = vector.multi_reduction <maxsi>, %select_n3A_1183, %reduce_max3A_1184 [0] : vector<1024x512xi32> to vector<512xi32>
    %broadcast_in_dim3A_1186 = vector.shape_cast %reduce_max3A_1185 : vector<512xi32> to vector<1x512xi32>
    %max3A_1187 = arith.maxsi %max3A_1170, %broadcast_in_dim3A_1186 : vector<1x512xi32>
    %get3A_1188 = arith.constant 6144 : index
    %get3A_1189 = arith.constant 0 : index
    %get3A_1190 = vector.load %arg0[%get3A_1188, %get3A_1189] : memref<8192x1xi32, #tpu.memory_space<vmem>>, vector<1024x1xi32>
    %iota3A_1191 = tpu.iota {dimensions = array<i32: 0>} : vector<1024x512xi32>
    %add3A_1192 = arith.constant 6144 : i32
    %add3A_1193 = vector.broadcast %add3A_1192 : i32 to vector<1024x512xi32>
    %add3A_1194 = arith.addi %add3A_1193, %iota3A_1191 : vector<1024x512xi32>
    %eq3A_1195 = vector.broadcast %get3A_1190 : vector<1024x1xi32> to vector<1024x512xi32>
    %eq3A_1196 = vector.broadcast %add3A_1083 : vector<1x512xi32> to vector<1024x512xi32>
    %eq3A_1197 = arith.cmpi eq, %eq3A_1195, %eq3A_1196 : vector<1024x512xi32>
    %jit3A_1198 = arith.constant -1 : i32
    %broadcast_in_dim3A_1199 = vector.broadcast %jit3A_1198 : i32 to vector<1024x512xi32>
    %select_n3A_1200 = arith.select %eq3A_1197, %add3A_1194, %broadcast_in_dim3A_1199 : vector<1024x512xi1>, vector<1024x512xi32>
    %reduce_max3A_1201 = arith.constant dense<-2147483648> : vector<512xi32>
    %reduce_max3A_1202 = vector.multi_reduction <maxsi>, %select_n3A_1200, %reduce_max3A_1201 [0] : vector<1024x512xi32> to vector<512xi32>
    %broadcast_in_dim3A_1203 = vector.shape_cast %reduce_max3A_1202 : vector<512xi32> to vector<1x512xi32>
    %max3A_1204 = arith.maxsi %max3A_1187, %broadcast_in_dim3A_1203 : vector<1x512xi32>
    %get3A_1205 = arith.constant 7168 : index
    %get3A_1206 = arith.constant 0 : index
    %get3A_1207 = vector.load %arg0[%get3A_1205, %get3A_1206] : memref<8192x1xi32, #tpu.memory_space<vmem>>, vector<1024x1xi32>
    %iota3A_1208 = tpu.iota {dimensions = array<i32: 0>} : vector<1024x512xi32>
    %add3A_1209 = arith.constant 7168 : i32
    %add3A_1210 = vector.broadcast %add3A_1209 : i32 to vector<1024x512xi32>
    %add3A_1211 = arith.addi %add3A_1210, %iota3A_1208 : vector<1024x512xi32>
    %eq3A_1212 = vector.broadcast %get3A_1207 : vector<1024x1xi32> to vector<1024x512xi32>
    %eq3A_1213 = vector.broadcast %add3A_1083 : vector<1x512xi32> to vector<1024x512xi32>
    %eq3A_1214 = arith.cmpi eq, %eq3A_1212, %eq3A_1213 : vector<1024x512xi32>
    %jit3A_1215 = arith.constant -1 : i32
    %broadcast_in_dim3A_1216 = vector.broadcast %jit3A_1215 : i32 to vector<1024x512xi32>
    %select_n3A_1217 = arith.select %eq3A_1214, %add3A_1211, %broadcast_in_dim3A_1216 : vector<1024x512xi1>, vector<1024x512xi32>
    %reduce_max3A_1218 = arith.constant dense<-2147483648> : vector<512xi32>
    %reduce_max3A_1219 = vector.multi_reduction <maxsi>, %select_n3A_1217, %reduce_max3A_1218 [0] : vector<1024x512xi32> to vector<512xi32>
    %broadcast_in_dim3A_1220 = vector.shape_cast %reduce_max3A_1219 : vector<512xi32> to vector<1x512xi32>
    %max3A_1221 = arith.maxsi %max3A_1204, %broadcast_in_dim3A_1220 : vector<1x512xi32>
    %max3A_1222 = arith.constant 0 : i32
    %max3A_1223 = vector.broadcast %max3A_1222 : i32 to vector<1x512xi32>
    %max3A_1224 = arith.maxsi %max3A_1221, %max3A_1223 : vector<1x512xi32>
    %swap3A_1225 = arith.constant 7 : index
    %swap3A_1226 = arith.constant 0 : index
    %swap3A_1227 = vector.load %arg1[%swap3A_1225, %swap3A_1226] : memref<8x512xi32, #tpu.memory_space<vmem>>, vector<1x512xi32>
    tpu.vector_store %arg1[%swap3A_1225, %swap3A_1226], %max3A_1224 {strides = array<i32>} : memref<8x512xi32, #tpu.memory_space<vmem>>, vector<1x512xi32>,
    %ge3A_1228 = arith.constant 0 : i32
    %ge3A_1229 = vector.broadcast %ge3A_1228 : i32 to vector<1x512xi32>
    %ge3A_1230 = arith.cmpi sge, %max3A_1221, %ge3A_1229 : vector<1x512xi32>
    %convert_element_type3A_1231 = arith.extui %ge3A_1230 : vector<1x512xi1> to vector<1x512xi32>
    %convert_element_type3A_1232 = arith.sitofp %convert_element_type3A_1231 : vector<1x512xi32> to vector<1x512xf32>
    %swap3A_1233 = arith.constant 7 : index
    %swap3A_1234 = arith.constant 0 : index
    %swap3A_1235 = vector.load %arg2[%swap3A_1233, %swap3A_1234] : memref<8x512xf32, #tpu.memory_space<vmem>>, vector<1x512xf32>
    tpu.vector_store %arg2[%swap3A_1233, %swap3A_1234], %convert_element_type3A_1232 {strides = array<i32>} : memref<8x512xf32, #tpu.memory_space<vmem>>, vector<1x512xf32>,
    return
  }
}

module attributes {stable_mosaic.version = 14 : i64} {
  func.func @_ffn_body(%arg0: i32, %arg1: memref<16x1xi32, #tpu.memory_space<smem>>, %arg2: memref<128x1024xf32, #tpu.memory_space<vmem>>, %arg3: memref<1024x4096xf32, #tpu.memory_space<vmem>>, %arg4: memref<4096x1024xf32, #tpu.memory_space<vmem>>, %arg5: memref<1x4096xf32, #tpu.memory_space<vmem>>, %arg6: memref<1x1024xf32, #tpu.memory_space<vmem>>, %arg7: memref<1x1024xf32, #tpu.memory_space<vmem>>, %arg8: memref<1x1024xf32, #tpu.memory_space<vmem>>, %arg9: memref<128x1024xf32, #tpu.memory_space<vmem>>) attributes {dimension_semantics = [#tpu.dimension_semantics<arbitrary>], iteration_bounds = array<i64: 64>, scalar_prefetch = 0 : i64, scratch_operands = 0 : i64, tpu.core_type = #tpu.core_type<tc>, window_params = [{transform_indices = @transform_0, window_bounds = array<i64: 16, 1>}, {transform_indices = @transform_1, window_bounds = array<i64: 128, 1024>}, {pipeline_mode = #tpu.pipeline_mode<synchronous>, transform_indices = @transform_2, window_bounds = array<i64: 1024, 4096>}, {pipeline_mode = #tpu.pipeline_mode<synchronous>, transform_indices = @transform_3, window_bounds = array<i64: 4096, 1024>}, {pipeline_mode = #tpu.pipeline_mode<synchronous>, transform_indices = @transform_4, window_bounds = array<i64: 1, 4096>}, {pipeline_mode = #tpu.pipeline_mode<synchronous>, transform_indices = @transform_5, window_bounds = array<i64: 1, 1024>}, {pipeline_mode = #tpu.pipeline_mode<synchronous>, transform_indices = @transform_6, window_bounds = array<i64: 1, 1024>}, {pipeline_mode = #tpu.pipeline_mode<synchronous>, transform_indices = @transform_7, window_bounds = array<i64: 1, 1024>}, {transform_indices = @transform_8, window_bounds = array<i64: 128, 1024>}]} {
    %jit3A = arith.constant 4 : i32
    %div3A = arith.divsi %arg0, %jit3A : i32
    %sign3A = arith.constant 0 : i32
    %sign3A_0 = arith.cmpi sgt, %arg0, %sign3A : i32
    %sign3A_1 = arith.extui %sign3A_0 : i1 to i32
    %sign3A_2 = arith.constant 0 : i32
    %sign3A_3 = arith.cmpi slt, %arg0, %sign3A_2 : i32
    %sign3A_4 = arith.extui %sign3A_3 : i1 to i32
    %sign3A_5 = arith.subi %sign3A_1, %sign3A_4 : i32
    %sign3A_6 = arith.constant 0 : i32
    %sign3A_7 = arith.cmpi sgt, %jit3A, %sign3A_6 : i32
    %sign3A_8 = arith.extui %sign3A_7 : i1 to i32
    %sign3A_9 = arith.constant 0 : i32
    %sign3A_10 = arith.cmpi slt, %jit3A, %sign3A_9 : i32
    %sign3A_11 = arith.extui %sign3A_10 : i1 to i32
    %sign3A_12 = arith.subi %sign3A_8, %sign3A_11 : i32
    %ne3A = arith.cmpi ne, %sign3A_5, %sign3A_12 : i32
    %rem3A = arith.remsi %arg0, %jit3A : i32
    %ne3A_13 = arith.constant 0 : i32
    %ne3A_14 = arith.cmpi ne, %rem3A, %ne3A_13 : i32
    %and3A = arith.andi %ne3A, %ne3A_14 : i1
    %sub3A = arith.constant 1 : i32
    %sub3A_15 = arith.subi %div3A, %sub3A : i32
    %select_n3A = arith.select %and3A, %sub3A_15, %div3A : i32
    %jit3A_16 = arith.constant 4 : i32
    %eq3A = arith.constant 0 : i32
    %eq3A_17 = arith.cmpi eq, %jit3A_16, %eq3A : i32
    %jit3A_18 = arith.constant 1 : i32
    %select_n3A_19 = arith.select %eq3A_17, %jit3A_18, %jit3A_16 : i32
    %rem3A_20 = arith.remsi %arg0, %select_n3A_19 : i32
    %ne3A_21 = arith.constant 0 : i32
    %ne3A_22 = arith.cmpi ne, %rem3A_20, %ne3A_21 : i32
    %lt3A = arith.constant 0 : i32
    %lt3A_23 = arith.cmpi slt, %rem3A_20, %lt3A : i32
    %lt3A_24 = arith.constant 0 : i32
    %lt3A_25 = arith.cmpi slt, %select_n3A_19, %lt3A_24 : i32
    %ne3A_26 = arith.xori %lt3A_23, %lt3A_25 : i1
    %and3A_27 = arith.andi %ne3A_26, %ne3A_22 : i1
    %add3A = arith.addi %rem3A_20, %select_n3A_19 : i32
    %select_n3A_28 = arith.select %and3A_27, %add3A, %rem3A_20 : i32
    %mul3A = arith.constant 128 : i32
    %mul3A_29 = arith.muli %select_n3A_28, %mul3A : i32
    %get3A = arith.index_cast %select_n3A : i32 to index
    %get3A_30 = arith.constant 0 : index
    %get3A_31 = memref.load %arg1[%get3A, %get3A_30] : memref<16x1xi32, #tpu.memory_space<smem>>
    %lt3A_32 = arith.cmpi slt, %mul3A_29, %get3A_31 : i32
    %convert_element_type3A = arith.extui %lt3A_32 : i1 to i32
    %cond3A = arith.constant 0 : i32
    %cond3A_33 = arith.cmpi ne, %convert_element_type3A, %cond3A : i32
    scf.if %cond3A_33 {
      %get3A_34 = arith.constant 0 : index
      %get3A_35 = arith.constant 0 : index
      %get3A_36 = vector.load %arg2[%get3A_34, %get3A_35] : memref<128x1024xf32, #tpu.memory_space<vmem>>, vector<128x1024xf32>
      %get3A_37 = arith.constant 0 : index
      %get3A_38 = arith.constant 0 : index
      %get3A_39 = vector.load %arg3[%get3A_37, %get3A_38] : memref<1024x4096xf32, #tpu.memory_space<vmem>>, vector<1024x4096xf32>
      %dot_general3A = arith.constant dense<0.000000e+00> : vector<128x4096xf32>
      %dot_general3A_40 = tpu.matmul %get3A_36, %get3A_39, %dot_general3A {dimension_numbers = #tpu.dot_dimension_numbers<[1], [0], [0], [1], [0, 0, 1, 1], [], []>, transpose_lhs_hint = false} : vector<128x1024xf32>, vector<1024x4096xf32>, vector<128x4096xf32> -> vector<128x4096xf32>
      %get3A_41 = arith.constant 0 : index
      %get3A_42 = arith.constant 0 : index
      %get3A_43 = vector.load %arg5[%get3A_41, %get3A_42] : memref<1x4096xf32, #tpu.memory_space<vmem>>, vector<1x4096xf32>
      %add3A_44 = vector.broadcast %get3A_43 : vector<1x4096xf32> to vector<128x4096xf32>
      %add3A_45 = arith.addf %dot_general3A_40, %add3A_44 : vector<128x4096xf32>
      %max3A = arith.constant 0.000000e+00 : f32
      %max3A_46 = vector.broadcast %max3A : f32 to vector<128x4096xf32>
      %max3A_47 = arith.maximumf %add3A_45, %max3A_46 : vector<128x4096xf32>
      %get3A_48 = arith.constant 0 : index
      %get3A_49 = arith.constant 0 : index
      %get3A_50 = vector.load %arg4[%get3A_48, %get3A_49] : memref<4096x1024xf32, #tpu.memory_space<vmem>>, vector<4096x1024xf32>
      %dot_general3A_51 = arith.constant dense<0.000000e+00> : vector<128x1024xf32>
      %dot_general3A_52 = tpu.matmul %max3A_47, %get3A_50, %dot_general3A_51 {dimension_numbers = #tpu.dot_dimension_numbers<[1], [0], [0], [1], [0, 0, 1, 1], [], []>, transpose_lhs_hint = false} : vector<128x4096xf32>, vector<4096x1024xf32>, vector<128x1024xf32> -> vector<128x1024xf32>
      %get3A_53 = arith.constant 0 : index
      %get3A_54 = arith.constant 0 : index
      %get3A_55 = vector.load %arg6[%get3A_53, %get3A_54] : memref<1x1024xf32, #tpu.memory_space<vmem>>, vector<1x1024xf32>
      %add3A_56 = vector.broadcast %get3A_55 : vector<1x1024xf32> to vector<128x1024xf32>
      %add3A_57 = arith.addf %dot_general3A_52, %add3A_56 : vector<128x1024xf32>
      %add3A_58 = arith.addf %get3A_36, %add3A_57 : vector<128x1024xf32>
      %get3A_59 = arith.constant 0 : index
      %get3A_60 = arith.constant 0 : index
      %get3A_61 = vector.load %arg7[%get3A_59, %get3A_60] : memref<1x1024xf32, #tpu.memory_space<vmem>>, vector<1x1024xf32>
      %get3A_62 = arith.constant 0 : index
      %get3A_63 = arith.constant 0 : index
      %get3A_64 = vector.load %arg8[%get3A_62, %get3A_63] : memref<1x1024xf32, #tpu.memory_space<vmem>>, vector<1x1024xf32>
      %reduce_sum3A = arith.constant dense<0.000000e+00> : vector<128xf32>
      %reduce_sum3A_65 = vector.multi_reduction <add>, %add3A_58, %reduce_sum3A [1] : vector<128x1024xf32> to vector<128xf32>
      %broadcast_in_dim3A = vector.shape_cast %reduce_sum3A_65 : vector<128xf32> to vector<128x1xf32>
      %div3A_66 = arith.constant 1.024000e+03 : f32
      %div3A_67 = vector.broadcast %div3A_66 : f32 to vector<128x1xf32>
      %div3A_68 = arith.divf %broadcast_in_dim3A, %div3A_67 : vector<128x1xf32>
      %sub3A_69 = vector.broadcast %div3A_68 : vector<128x1xf32> to vector<128x1024xf32>
      %sub3A_70 = arith.subf %add3A_58, %sub3A_69 : vector<128x1024xf32>
      %mul3A_71 = arith.mulf %sub3A_70, %sub3A_70 : vector<128x1024xf32>
      %reduce_sum3A_72 = arith.constant dense<0.000000e+00> : vector<128xf32>
      %reduce_sum3A_73 = vector.multi_reduction <add>, %mul3A_71, %reduce_sum3A_72 [1] : vector<128x1024xf32> to vector<128xf32>
      %broadcast_in_dim3A_74 = vector.shape_cast %reduce_sum3A_73 : vector<128xf32> to vector<128x1xf32>
      %div3A_75 = arith.constant 1.024000e+03 : f32
      %div3A_76 = vector.broadcast %div3A_75 : f32 to vector<128x1xf32>
      %div3A_77 = arith.divf %broadcast_in_dim3A_74, %div3A_76 : vector<128x1xf32>
      %add3A_78 = arith.constant 9.99999974E-6 : f32
      %add3A_79 = vector.broadcast %add3A_78 : f32 to vector<128x1xf32>
      %add3A_80 = arith.addf %div3A_77, %add3A_79 : vector<128x1xf32>
      %rsqrt3A = math.rsqrt %add3A_80 : vector<128x1xf32>
      %mul3A_81 = vector.broadcast %rsqrt3A : vector<128x1xf32> to vector<128x1024xf32>
      %mul3A_82 = arith.mulf %sub3A_70, %mul3A_81 : vector<128x1024xf32>
      %mul3A_83 = vector.broadcast %get3A_61 : vector<1x1024xf32> to vector<128x1024xf32>
      %mul3A_84 = arith.mulf %mul3A_82, %mul3A_83 : vector<128x1024xf32>
      %add3A_85 = vector.broadcast %get3A_64 : vector<1x1024xf32> to vector<128x1024xf32>
      %add3A_86 = arith.addf %mul3A_84, %add3A_85 : vector<128x1024xf32>
      %swap3A = arith.constant 0 : index
      %swap3A_87 = arith.constant 0 : index
      %swap3A_88 = vector.load %arg9[%swap3A, %swap3A_87] : memref<128x1024xf32, #tpu.memory_space<vmem>>, vector<128x1024xf32>
      tpu.vector_store %arg9[%swap3A, %swap3A_87], %add3A_86 {strides = array<i32>} : memref<128x1024xf32, #tpu.memory_space<vmem>>, vector<128x1024xf32>,
    } else {
    }
    return
  }
  func.func @transform_0(%arg0: i32) -> (i32, i32) {
    %c0_i32 = arith.constant 0 : i32
    %c0_i32_0 = arith.constant 0 : i32
    %c0_i32_1 = arith.constant 0 : i32
    return %c0_i32, %c0_i32_0 : i32, i32
  }
  func.func @transform_1(%arg0: i32) -> (i32, i32) {
    %c0_i32 = arith.constant 0 : i32
    %c0_i32_0 = arith.constant 0 : i32
    return %arg0, %c0_i32 : i32, i32
  }
  func.func @transform_2(%arg0: i32) -> (i32, i32) {
    %c0_i32 = arith.constant 0 : i32
    %c0_i32_0 = arith.constant 0 : i32
    %c0_i32_1 = arith.constant 0 : i32
    return %c0_i32, %c0_i32_0 : i32, i32
  }
  func.func @transform_3(%arg0: i32) -> (i32, i32) {
    %c0_i32 = arith.constant 0 : i32
    %c0_i32_0 = arith.constant 0 : i32
    %c0_i32_1 = arith.constant 0 : i32
    return %c0_i32, %c0_i32_0 : i32, i32
  }
  func.func @transform_4(%arg0: i32) -> (i32, i32) {
    %c0_i32 = arith.constant 0 : i32
    %c0_i32_0 = arith.constant 0 : i32
    %c0_i32_1 = arith.constant 0 : i32
    return %c0_i32, %c0_i32_0 : i32, i32
  }
  func.func @transform_5(%arg0: i32) -> (i32, i32) {
    %c0_i32 = arith.constant 0 : i32
    %c0_i32_0 = arith.constant 0 : i32
    %c0_i32_1 = arith.constant 0 : i32
    return %c0_i32, %c0_i32_0 : i32, i32
  }
  func.func @transform_6(%arg0: i32) -> (i32, i32) {
    %c0_i32 = arith.constant 0 : i32
    %c0_i32_0 = arith.constant 0 : i32
    %c0_i32_1 = arith.constant 0 : i32
    return %c0_i32, %c0_i32_0 : i32, i32
  }
  func.func @transform_7(%arg0: i32) -> (i32, i32) {
    %c0_i32 = arith.constant 0 : i32
    %c0_i32_0 = arith.constant 0 : i32
    %c0_i32_1 = arith.constant 0 : i32
    return %c0_i32, %c0_i32_0 : i32, i32
  }
  func.func @transform_8(%arg0: i32) -> (i32, i32) {
    %c0_i32 = arith.constant 0 : i32
    %c0_i32_0 = arith.constant 0 : i32
    return %arg0, %c0_i32 : i32, i32
  }
}

module attributes {stable_mosaic.version = 14 : i64} {
  func.func @_final_ln_body(%arg0: i32, %arg1: memref<512x1024xf32, #tpu.memory_space<vmem>>, %arg2: memref<512x1xf32, #tpu.memory_space<vmem>>, %arg3: memref<1x1024xf32, #tpu.memory_space<vmem>>, %arg4: memref<1x1024xf32, #tpu.memory_space<vmem>>, %arg5: memref<512x1024xf32, #tpu.memory_space<vmem>>) attributes {dimension_semantics = [#tpu.dimension_semantics<arbitrary>], iteration_bounds = array<i64: 8>, scalar_prefetch = 0 : i64, scratch_operands = 0 : i64, tpu.core_type = #tpu.core_type<tc>, window_params = [{transform_indices = @transform_0, window_bounds = array<i64: 512, 1024>}, {transform_indices = @transform_1, window_bounds = array<i64: 512, 1>}, {pipeline_mode = #tpu.pipeline_mode<synchronous>, transform_indices = @transform_2, window_bounds = array<i64: 1, 1024>}, {pipeline_mode = #tpu.pipeline_mode<synchronous>, transform_indices = @transform_3, window_bounds = array<i64: 1, 1024>}, {transform_indices = @transform_4, window_bounds = array<i64: 512, 1024>}]} {
    %get3A = arith.constant 0 : index
    %get3A_0 = arith.constant 0 : index
    %get3A_1 = vector.load %arg1[%get3A, %get3A_0] : memref<512x1024xf32, #tpu.memory_space<vmem>>, vector<512x1024xf32>
    %get3A_2 = arith.constant 0 : index
    %get3A_3 = arith.constant 0 : index
    %get3A_4 = vector.load %arg2[%get3A_2, %get3A_3] : memref<512x1xf32, #tpu.memory_space<vmem>>, vector<512x1xf32>
    %mul3A = vector.broadcast %get3A_4 : vector<512x1xf32> to vector<512x1024xf32>
    %mul3A_5 = arith.mulf %get3A_1, %mul3A : vector<512x1024xf32>
    %get3A_6 = arith.constant 0 : index
    %get3A_7 = arith.constant 0 : index
    %get3A_8 = vector.load %arg3[%get3A_6, %get3A_7] : memref<1x1024xf32, #tpu.memory_space<vmem>>, vector<1x1024xf32>
    %get3A_9 = arith.constant 0 : index
    %get3A_10 = arith.constant 0 : index
    %get3A_11 = vector.load %arg4[%get3A_9, %get3A_10] : memref<1x1024xf32, #tpu.memory_space<vmem>>, vector<1x1024xf32>
    %reduce_sum3A = arith.constant dense<0.000000e+00> : vector<512xf32>
    %reduce_sum3A_12 = vector.multi_reduction <add>, %mul3A_5, %reduce_sum3A [1] : vector<512x1024xf32> to vector<512xf32>
    %broadcast_in_dim3A = vector.shape_cast %reduce_sum3A_12 : vector<512xf32> to vector<512x1xf32>
    %div3A = arith.constant 1.024000e+03 : f32
    %div3A_13 = vector.broadcast %div3A : f32 to vector<512x1xf32>
    %div3A_14 = arith.divf %broadcast_in_dim3A, %div3A_13 : vector<512x1xf32>
    %sub3A = vector.broadcast %div3A_14 : vector<512x1xf32> to vector<512x1024xf32>
    %sub3A_15 = arith.subf %mul3A_5, %sub3A : vector<512x1024xf32>
    %mul3A_16 = arith.mulf %sub3A_15, %sub3A_15 : vector<512x1024xf32>
    %reduce_sum3A_17 = arith.constant dense<0.000000e+00> : vector<512xf32>
    %reduce_sum3A_18 = vector.multi_reduction <add>, %mul3A_16, %reduce_sum3A_17 [1] : vector<512x1024xf32> to vector<512xf32>
    %broadcast_in_dim3A_19 = vector.shape_cast %reduce_sum3A_18 : vector<512xf32> to vector<512x1xf32>
    %div3A_20 = arith.constant 1.024000e+03 : f32
    %div3A_21 = vector.broadcast %div3A_20 : f32 to vector<512x1xf32>
    %div3A_22 = arith.divf %broadcast_in_dim3A_19, %div3A_21 : vector<512x1xf32>
    %add3A = arith.constant 9.99999974E-6 : f32
    %add3A_23 = vector.broadcast %add3A : f32 to vector<512x1xf32>
    %add3A_24 = arith.addf %div3A_22, %add3A_23 : vector<512x1xf32>
    %rsqrt3A = math.rsqrt %add3A_24 : vector<512x1xf32>
    %mul3A_25 = vector.broadcast %rsqrt3A : vector<512x1xf32> to vector<512x1024xf32>
    %mul3A_26 = arith.mulf %sub3A_15, %mul3A_25 : vector<512x1024xf32>
    %mul3A_27 = vector.broadcast %get3A_8 : vector<1x1024xf32> to vector<512x1024xf32>
    %mul3A_28 = arith.mulf %mul3A_26, %mul3A_27 : vector<512x1024xf32>
    %add3A_29 = vector.broadcast %get3A_11 : vector<1x1024xf32> to vector<512x1024xf32>
    %add3A_30 = arith.addf %mul3A_28, %add3A_29 : vector<512x1024xf32>
    %swap3A = arith.constant 0 : index
    %swap3A_31 = arith.constant 0 : index
    %swap3A_32 = vector.load %arg5[%swap3A, %swap3A_31] : memref<512x1024xf32, #tpu.memory_space<vmem>>, vector<512x1024xf32>
    tpu.vector_store %arg5[%swap3A, %swap3A_31], %add3A_30 {strides = array<i32>} : memref<512x1024xf32, #tpu.memory_space<vmem>>, vector<512x1024xf32>,
    return
  }
  func.func @transform_0(%arg0: i32) -> (i32, i32) {
    %c0_i32 = arith.constant 0 : i32
    %c0_i32_0 = arith.constant 0 : i32
    return %arg0, %c0_i32 : i32, i32
  }
  func.func @transform_1(%arg0: i32) -> (i32, i32) {
    %c0_i32 = arith.constant 0 : i32
    %c0_i32_0 = arith.constant 0 : i32
    return %arg0, %c0_i32 : i32, i32
  }
  func.func @transform_2(%arg0: i32) -> (i32, i32) {
    %c0_i32 = arith.constant 0 : i32
    %c0_i32_0 = arith.constant 0 : i32
    %c0_i32_1 = arith.constant 0 : i32
    return %c0_i32, %c0_i32_0 : i32, i32
  }
  func.func @transform_3(%arg0: i32) -> (i32, i32) {
    %c0_i32 = arith.constant 0 : i32
    %c0_i32_0 = arith.constant 0 : i32
    %c0_i32_1 = arith.constant 0 : i32
    return %c0_i32, %c0_i32_0 : i32, i32
  }
  func.func @transform_4(%arg0: i32) -> (i32, i32) {
    %c0_i32 = arith.constant 0 : i32
    %c0_i32_0 = arith.constant 0 : i32
    return %arg0, %c0_i32 : i32, i32
  }
}

</mosaic_0001>

<sc_bundles>
// kernel: kernel.11.cloned.1.call-start
scs
__scs_entry_jumppad:
0x0: {  	(pc) =	sbr.rel $0x88, $3  }
0x1: {  	(tag) =	ssettag $0x0;
	lr =	simm.s32 $0x1  }
0x2: {  	[smem:$0x3F8C] =	sst lr;
	_ =	strace $0xD0000000  }
0x3: {  	_ = 	snop  }
0x4: {  	_ = 	snop  }
0x5: {  	_ = 	snop  }
0x6: {  	_ = 	snop  }
0x7: {  	_ = 	snop  }
__scs_overlays_trampoline_lowered:
0x8: {  	[smem:$0x3F9B] =	sst s0  }
0x9: {  	[smem:$0x3F9C] =	sst s1  }
0xa: {  	[smem:$0x3F9D] =	sst s2  }
0xb: {  	[smem:$0x3F9E] =	sst s3  }
0xc: {  	[smem:$0x3F9F] =	sst s4  }
0xd: {  	[smem:$0x3FA0] =	sst s5  }
0xe: {  	[smem:$0x3FA1] =	sst s6  }
0xf: {  	[smem:$0x3FA2] =	sst s7  }
0x10: {  	[smem:$0x3FA3] =	sst s8  }
0x11: {  	[smem:$0x3FA4] =	sst s9;
	s0 =	simm.s32 @!p0 $0x0  }
0x12: {  	s1 =	sld [smem:$0x3F8A];
	s0 =	simm.s32 @p0 $0x1  }
0x13: {  	[smem:$0x3FA5] =	sst s0;
	s0 =	simm.s32 @!p1 $0x0  }
0x14: {  	s2 =	sld [smem:$0x3F89];
	s0 =	simm.s32 @p1 $0x1  }
0x15: {  	[smem:$0x3FA6] =	sst s0;
	s0 =	simm.s32 @!p2 $0x0  }
0x16: {  	s3 =	sld [smem:$0x3FDB];
	s0 =	simm.s32 @p2 $0x1  }
0x17: {  	s4 =	simm.s32 $0x1BF5;
	[smem:$0x3FA8] =	sst s0  }
0x18: {  	s0 =	sld [smem:$0x3F8B];
	_ =	swait.ge [sflag:s4], $0x0  }
0x19: {  	s7 =	sld [smem:$0x3F8C]  }
0x1a: {  	s8 =	sadd.s32 $0xFFFFE003, lr  }
0x1b: {  	s9 =	sadd.s32 $0xFFFFFEF7, lr;
	s5 =	simm.s32 $0xFFFFFFFF;
	p2 =	slt.u32 s8, $0xFFFFF086  }
0x1c: {  	p1 =	slt.u32 s9, $0xF7A;
	s5 =	simm.s32 @!p2 $0x0  }
0x1d: {  	s5 =	simm.s32 @p1 $0x1;
	p0 =	seq.s32 s7, s2  }
0x1e: {  	s7 =	smul.u32 @!p0 $0xF7A, s2;
	p2 =	seq.s32 @!p0 s5, $0x0  }
0x1f: {  	s9 =	smul.u32 $0xF7A, s1;
	s8 =	simm.s32 @!p0 $0x1BF5;
	p2 =	por !p2, p0  }
0x20: {  	[sflag:s8] =	ssyncset.s32 @!p0 $0xFFFFF086;
	s6 =	sadd.s32 @!p0 s3, s7;
	s7 =	simm.s32 @!p0 $0x108  }
0x21: {  	s3 =	sadd.s32 s3, s9;
	s6 =	sadd.s32 @!p0 $0x88, s6;
	s7 =	simm.s32 @p2 $0x1082  }
0x22: {  	[simem:s7], [sflag:s8] =	dma.local @!p0 [hbm:s6], $0xF7A  }
0x23: {  	s9 =	sor.u32 $0xD0000000, s2;
	s6 =	simm.s32 $0x108;
	_ =	swait.ge @!p0 [sflag:s8], $0x0  }
0x24: {  	s3 =	sadd.s32 $0x88, s3;
	s6 =	simm.s32 @!p1 $0x1082;
	[sflag:s4] =	ssyncset.s32 $0xFFFFF086  }
0x25: {  	[simem:s6], [sflag:s4] =	dma.local [hbm:s3], $0xF7A  }
0x26: {  	[smem:$0x3F8C] =	sst s1;
	(tag) =	ssettag s2;
	_ =	strace s9  }
0x27: {  	s1 =	sld [smem:$0x3F9C]  }
0x28: {  	s2 =	sld [smem:$0x3F9D]  }
0x29: {  	s4 =	sld [smem:$0x3F9F]  }
0x2a: {  	p0 =	seq.s32 s5, $0x0;
	s5 =	sld [smem:$0x3FA0]  }
0x2b: {  	s6 =	sld [smem:$0x3FA1]  }
0x2c: {  	s7 =	sld [smem:$0x3FA2]  }
0x2d: {  	s3 =	simm.s32 $0x108;
	s8 =	sld [smem:$0x3FA3]  }
0x2e: {  	s3 =	simm.s32 @!p0 $0x1082;
	s9 =	sld [smem:$0x3FA4]  }
0x2f: {  	lr =	sadd.s32 s0, s3;
	s0 =	sld [smem:$0x3F9B]  }
0x30: {  	s3 =	sld [smem:$0x3F9E]  }
0x31: {  	[smem:$0x3FA7] =	sst s10  }
0x32: {  	s10 =	sld [smem:$0x3FA5];
	_ =	sdelay $0x3  }
0x33: {  	p0 =	seq.s32 s10, $0x1;
	s10 =	sld [smem:$0x3FA7];
	_ =	sdelay $0x3  }
0x34: {  	[smem:$0x3FA7] =	sst s10  }
0x35: {  	s10 =	sld [smem:$0x3FA6];
	_ =	sdelay $0x3  }
0x36: {  	p1 =	seq.s32 s10, $0x1;
	s10 =	sld [smem:$0x3FA7];
	_ =	sdelay $0x3  }
0x37: {  	[smem:$0x3FA7] =	sst s10  }
0x38: {  	s10 =	sld [smem:$0x3FA8]  }
0x39: {  	_ = 	snop;
	(pc) =	sbr.ind lr, $3  }
0x3a: {  	_ = 	snop  }
0x3b: {  	_ = 	snop  }
0x3c: {  	p2 =	seq.s32 s10, $0x1;
	s10 =	sld [smem:$0x3FA7]  }
0x3d: {  	_ =	shalt  }
0x3e: {  	_ =	shalt  }
0x3f: {  	_ =	shalt  }
0x40: {  	_ =	shalt  }
0x41: {  	_ =	shalt  }
0x42: {  	_ =	shalt  }
0x43: {  	_ =	shalt  }
0x44: {  	_ =	shalt  }
0x45: {  	_ =	shalt  }
0x46: {  	_ =	shalt  }
0x47: {  	_ =	shalt  }
0x48: {  	_ =	shalt  }
0x49: {  	_ =	shalt  }
0x4a: {  	_ =	shalt  }
0x4b: {  	_ =	shalt  }
0x4c: {  	_ =	shalt  }
0x4d: {  	_ =	shalt  }
0x4e: {  	_ =	shalt  }
0x4f: {  	_ =	shalt  }
0x50: {  	_ =	shalt  }
0x51: {  	_ =	shalt  }
0x52: {  	_ =	shalt  }
0x53: {  	_ =	shalt  }
0x54: {  	_ =	shalt  }
0x55: {  	_ =	shalt  }
0x56: {  	_ =	shalt  }
0x57: {  	_ =	shalt  }
0x58: {  	_ =	shalt  }
0x59: {  	_ =	shalt  }
0x5a: {  	_ =	shalt  }
0x5b: {  	_ =	shalt  }
0x5c: {  	_ =	shalt  }
0x5d: {  	_ =	shalt  }
0x5e: {  	_ =	shalt  }
0x5f: {  	_ =	shalt  }
0x60: {  	_ =	shalt  }
0x61: {  	_ =	shalt  }
0x62: {  	_ =	shalt  }
0x63: {  	_ =	shalt  }
0x64: {  	_ =	shalt  }
0x65: {  	_ =	shalt  }
0x66: {  	_ =	shalt  }
0x67: {  	_ =	shalt  }
0x68: {  	_ =	shalt  }
0x69: {  	_ =	shalt  }
0x6a: {  	_ =	shalt  }
0x6b: {  	_ =	shalt  }
0x6c: {  	_ =	shalt  }
0x6d: {  	_ =	shalt  }
0x6e: {  	_ =	shalt  }
0x6f: {  	_ =	shalt  }
0x70: {  	_ =	shalt  }
0x71: {  	_ =	shalt  }
0x72: {  	_ =	shalt  }
0x73: {  	_ =	shalt  }
0x74: {  	_ =	shalt  }
0x75: {  	_ =	shalt  }
0x76: {  	_ =	shalt  }
0x77: {  	_ =	shalt  }
0x78: {  	_ =	shalt  }
0x79: {  	_ =	shalt  }
0x7a: {  	_ =	shalt  }
0x7b: {  	_ =	shalt  }
0x7c: {  	_ =	shalt  }
0x7d: {  	_ =	shalt  }
0x7e: {  	_ =	shalt  }
0x7f: {  	_ =	shalt  }
0x80: {  	_ =	shalt  }
0x81: {  	_ =	shalt  }
0x82: {  	_ =	shalt  }
0x83: {  	_ =	shalt  }
0x84: {  	_ =	shalt  }
0x85: {  	_ =	shalt  }
0x86: {  	_ =	shalt  }
0x87: {  	_ =	shalt  }
.Lfunc_end0:
.L_simem_size_0:
called_computation.1_lowered:
.L_overlay_start_0:
0x88: {  	s2 =	sld [smem:$0x3FD9]  }
0x89: {  	s3 =	sld [smem:$0x3FFE];
	_ =	sdelay $0x1  }
0x8a: {  	s1 =	srdreg.scid  }
0x8b: {  	s0 =	sand.u32 $0x1, s1  }
0x8c: {  	s17 =	sshll.u32 s0, $0xA;
	s2 =	sadd.s32 s3, s2  }
0x8d: {  	s2 =	sadd.s32 s2, s17  }
0x8e: {  	[smem:$0x3FB3] =	sst s2  }
0x8f: {  	_ = 	snop  }
0x90: {  	s2 =	sld [smem:$0x3FD0];
	(tm) =	ssettm $0x1  }
0x91: {  	s18 =	sld [smem:$0x3FFB];
	_ =	sdelay $0x3  }
0x92: {  	_ =	strace s18  }
0x93: {  	s3 =	sld [smem:$0x3FFC];
	_ =	sdelay $0x3  }
0x94: {  	_ =	strace s3  }
0x95: {  	s3 =	sld [smem:$0x3FFD];
	_ =	sdelay $0x3  }
0x96: {  	_ =	strace s3  }
0x97: {  	_ =	strace $0x8FFFFFFF  }
0x98: {  	s19 =	sld [smem:$0x3FDB];
	_ =	sdelay $0x1  }
0x99: {  	s4 =	simm.s32 $_scs_section_size  }
0x9a: {  	s5 =	simm.s32 $_size__tile_overlayer_lowered;
	s6 =	simm.s32 $_tile_overlayer_lowered  }
0x9b: {  	s22 =	simm.s32 $0x1BFF;
	s21 =	sshll.u32 s6, $0x1;
	s3 =	sadd.s32 s4, s19  }
0x9c: {  	s7 =	simm.s32 $0x0;
	s20 =	sshll.u32 s5, $0x1;
	s5 =	sadd.s32 s21, s3  }
0x9d: {  	[timem:s7], [sflag:s22] =	dma.local [hbm:s5], s20  }
0x9e: {  	_ =	swait.ge [sflag:s22], s20  }
0x9f: {  	s4 =	ssub.s32 $0x0, s20;
	[sflag:s22] =	ssyncset.done $0x0  }
0xa0: {  	[sflag:s22] =	ssyncadd.s32 s4;
	_ =	sdelay $0x1  }
0xa1: {  	s23 =	simm.s32 $0x1B8B  }
0xa2: {  	_ =	swait.ge [sflag:s23], $0x1  }
0xa3: {  	[sflag:s23] =	ssyncset.done $0x0  }
0xa4: {  	s25 =	simm.s32 $0x1B8E;
	s24 =	sld [smem:$0x3FFE];
	[sflag:s23] =	ssyncadd.s32 $0xFFFFFFFF  }
0xa5: {  	s26 =	simm.s32 $execute0_lowered;
	[smem:$0x3FD2] =	sst s25  }
0xa6: {  	s5 =	sshll.u32 s26, $0x1;
	_ =	strace $0x80000049;
	[dreg:$0x1] =	wrdreg $0xFFFFFFFF  }
0xa7: {  	s28 =	simm.s32 $_size_execute0_lowered;
	s3 =	sadd.s32 s3, s5;
	[dreg:$0x0] =	wrdreg $0x0  }
0xa8: {  	s5 =	sshll.u32 s28, $0x1;
	[dreg:$0x2] =	wrdreg s3  }
0xa9: {  	[dreg:$0x3] =	wrdreg s5  }
0xaa: {  	[dreg:$0x4] =	wrdreg $0xC0  }
0xab: {  	_ =	task [dreg:s7], $0x5FFFF  }
0xac: {  	[dreg:$0x1] =	wrdreg $0xFFFFFFFF  }
0xad: {  	[dreg:$0x0] =	wrdreg $0x60  }
0xae: {  	[dreg:$0x2] =	wrdreg s24  }
0xaf: {  	[dreg:$0x3] =	wrdreg s2  }
0xb0: {  	[dreg:$0x4] =	wrdreg $0x9  }
0xb1: {  	_ =	task.clear_ibuf [dreg:s7], $0x5FFFF;
	_ =	strace $0x90000049  }
0xb2: {  	s29 =	simm.s32 $0x9;
	_ =	strace $0x8000004B  }
0xb3: {  	_ =	swait.ge [sflag:s29], $0x1  }
0xb4: {  	[sflag:s29] =	ssyncadd.s32 $0xFFFFFFFF  }
0xb5: {  	_ =	strace $0x9000004B  }
0xb6: {  	_ =	sfence  }
0xb7: {  	s30 =	sld [smem:$0x0];
	_ =	sdelay $0x2  }
0xb8: {  	s31 =	sshll.u32 s1, $0xD;
	s1 =	sshrl.u32 s1, $0x2  }
0xb9: {  	s3 =	sand.u32 $0x4000, s31;
	s1 =	sadd.s32 s1, s30  }
0xba: {  	s0 =	sor.u32 s3, s0;
	s1 =	sshll.u32 s1, $0x11  }
0xbb: {  	s0 =	sor.u32 s1, s0  }
0xbc: {  	s0 =	sadd.s32 $0x8F2B, s0  }
0xbd: {  	[sflag:s0] =	ssyncadd.remote.s32 $0x1  }
0xbe: {  	_ =	sfence.sel $0xFFFF  }
0xbf: {  	[dreg:$0x0] =	wrdreg $0xFFFFFFFF;
	(pc) =	sbr.abs _section_cstart, $3  }
0xc0: {  	[dreg:$0x1] =	wrdreg $0xFFFFFFFF  }
0xc1: {  	_ =	task.clear_ibuf [dreg:s7], $0x2FFFF;
	_ =	strace $0x9FFFFFFF  }
0xc2: {  	(tm) =	ssettm $0x7FFFFFFF  }
0xc3: {  	_ =	shalt  }
tec
execute0_lowered:
.L_overlay_start_1:
0x0: {  	(tag) =	ssettag $0x1  }
0x1: {  	s0 =	rddreg [dreg:$0x0]  }
0x2: {  	s1 =	rddreg [dreg:$0x1]  }
0x3: {  	s3 =	srdreg.scid;
	s4 =	stileid.u32;
	s2 =	simm.s32 $0x0  }
0x4: {  	s9 =	simm.s32 $0x2;
	s19 =	simm.s32 $0x1;
	s21 =	simm.s32 $0x900  }
0x5: {  	s22 =	simm.s32 $0x1100;
	s23 =	simm.s32 $0x1900;
	s24 =	simm.s32 $0x2100  }
0x6: {  	s28 =	simm.s32 $0x3900;
	s29 =	simm.s32 $0x4100;
	s30 =	simm.s32 $0x4900  }
0x7: {  	s31 =	simm.s32 $0x5100;
	s11 =	simm.s32 $0x6900;
	s12 =	simm.s32 $0x7100  }
0x8: {  	s13 =	simm.s32 $0x7900;
	s14 =	simm.s32 $0x8900;
	s15 =	simm.s32 $0x9100  }
0x9: {  	s16 =	simm.s32 $0x9900;
	s17 =	simm.s32 $0xA100;
	s18 =	simm.s32 $0xA900  }
0xa: {  	s3 =	sand.u32 $0x1, s3;
	s4 =	sshll.u32 s4, $0x1;
	[smem:$0x7FF] =	sst s2  }
0xb: {  	s10 =	simm.s32 $0xB100;
	s4 =	sor.u32 s3, s4;
	_ =	strace $0x8000004A  }
0xc: {  	s6 =	ssub.s32 $0x2, s3;
	s3 =	sadd.s32 $0x3200, s0;
	s5 =	sshll.u32 s4, $0x5  }
0xd: {  	s7 =	sshrl.u32 s6, $0x1;
	s25 =	sshll.u32 s4, $0xE;
	s4 =	sadd.s32 $0x3300, s0  }
0xe: {  	s5 =	sadd.s32 s5, s0;
	s8 =	ssub.s32 s6, s7;
	s1 =	sadd.s32 s1, s25  }
0xf: {  	s6 =	sadd.s32 $0x3400, s0;
	s7 =	sadd.s32 $0x3500, s0;
	s0 =	simm.s32 $0x100  }
0x10: {  	v2 =	vlaneseq.u32;
	s25 =	simm.s32 $0x2900;
	s5 =	sadd.s32 $0x103200, s5;
	[dreg:$0x5] =	wrdreg s1  }
0x11: {  	vm0 =	vmmov $0xffff;
	v1 =	vshrl.u32 v2, $0x3;
	s26 =	sadd.s32 $0x2000, s1;
	s8 =	smax.u32 s8, $0x1;
	[dreg:$0x3] =	wrdreg s5  }
0x12: {  	v0 =	vand.u32 $0x7, v2;
	v2 =	vor.u32 $0x8, v2;
	v1 =	vmul.u32 $0x8, v1;
	[dreg:$0x4] =	wrdreg s26;
	s26 =	simm.s32 $0x3100;
	s5 =	simm.s32 $0x8100  }
.LBB2_1:
0x13: {  	s20 =	rddreg [dreg:$0x3]  }
0x14: {  	[tilespmem:s2], [sflag:$0x2] =	stream.linear.gather [hbm4b:s20+s2], $0x100, $0x38;
	[tilespmem:$0x10100] =	vst v63  }
0x15: {  	_ =	swait.ge [sflag:s9], $0x100  }
0x16: {  	[sflag:s9] =	ssyncset.done $0x0  }
0x17: {  	[sflag:s9] =	ssyncadd.s32 $0xFFFFFF00  }
0x18: {  	v3 =	vld [tilespmem:$0x0];
	_ =	sdelay $0x4  }
0x19: {  	v4 =	vshll.u32 v3, $0x3  }
0x1a: {  	v3 =	vand.u32 $0x7, v3;
	v4 =	vand.u32 $0xFFFFFFC0, v4  }
0x1b: {  	v3 =	vor.u32 v3, v4  }
0x1c: {  	v4 =	vperm.xlane v3, v0;
	_ =	sdelay $0x1  }
0x1d: {  	v4 =	vadd.s32 v1, v4;
	_ =	sdelay $0x4  }
0x1e: {  	[tilespmem:s0], [sflag:$0x1] =	stream.indirect_vreg.gather [hbm4b:s3+s2], $0x80, v4, vm0, $0xb8;
	[tilespmem:$0x10100] =	vst v63  }
0x1f: {  	v3 =	vperm.xlane v3, v2  }
0x20: {  	[tilespmem:s21], [sflag:$0x1] =	stream.indirect_vreg.gather [hbm4b:s4+s2], $0x80, v4, vm0, $0xb8;
	[tilespmem:$0x10100] =	vst v63  }
0x21: {  	v3 =	vadd.s32 v1, v3  }
0x22: {  	[tilespmem:s22], [sflag:$0x1] =	stream.indirect_vreg.gather [hbm4b:s6+s2], $0x80, v4, vm0, $0xb8;
	[tilespmem:$0x10100] =	vst v63  }
0x23: {  	_ = 	snop  }
0x24: {  	[tilespmem:s23], [sflag:$0x1] =	stream.indirect_vreg.gather [hbm4b:s7+s2], $0x80, v4, vm0, $0xb8;
	[tilespmem:$0x10100] =	vst v63  }
0x25: {  	_ = 	snop  }
0x26: {  	[tilespmem:s24], [sflag:$0x1] =	stream.indirect_vreg.gather [hbm4b:s3+s2], $0x80, v3, vm0, $0xb8;
	[tilespmem:$0x10100] =	vst v63  }
0x27: {  	_ = 	snop  }
0x28: {  	[tilespmem:s25], [sflag:$0x1] =	stream.indirect_vreg.gather [hbm4b:s4+s2], $0x80, v3, vm0, $0xb8;
	[tilespmem:$0x10100] =	vst v63  }
0x29: {  	_ = 	snop  }
0x2a: {  	[tilespmem:s26], [sflag:$0x1] =	stream.indirect_vreg.gather [hbm4b:s6+s2], $0x80, v3, vm0, $0xb8;
	[tilespmem:$0x10100] =	vst v63  }
0x2b: {  	_ = 	snop  }
0x2c: {  	[tilespmem:s28], [sflag:$0x1] =	stream.indirect_vreg.gather [hbm4b:s7+s2], $0x80, v3, vm0, $0xb8;
	[tilespmem:$0x10100] =	vst v63  }
0x2d: {  	v3 =	vld [tilespmem:$0x10];
	_ =	sdelay $0x4  }
0x2e: {  	v57 =	vshll.u32 v3, $0x3  }
0x2f: {  	v3 =	vand.u32 $0x7, v3;
	v4 =	vand.u32 $0xFFFFFFC0, v57  }
0x30: {  	v3 =	vor.u32 v3, v4  }
0x31: {  	v4 =	vperm.xlane v3, v0;
	_ =	sdelay $0x1  }
0x32: {  	v4 =	vadd.s32 v1, v4;
	_ =	sdelay $0x4  }
0x33: {  	[tilespmem:s29], [sflag:$0x1] =	stream.indirect_vreg.gather [hbm4b:s3+s2], $0x80, v4, vm0, $0xb8;
	[tilespmem:$0x10100] =	vst v63  }
0x34: {  	v3 =	vperm.xlane v3, v2  }
0x35: {  	[tilespmem:s30], [sflag:$0x1] =	stream.indirect_vreg.gather [hbm4b:s4+s2], $0x80, v4, vm0, $0xb8;
	[tilespmem:$0x10100] =	vst v63  }
0x36: {  	v3 =	vadd.s32 v1, v3  }
0x37: {  	[tilespmem:s31], [sflag:$0x1] =	stream.indirect_vreg.gather [hbm4b:s6+s2], $0x80, v4, vm0, $0xb8;
	[tilespmem:$0x10100] =	vst v63  }
0x38: {  	s1 =	simm.s32 $0x5900  }
0x39: {  	[tilespmem:s1], [sflag:$0x1] =	stream.indirect_vreg.gather [hbm4b:s7+s2], $0x80, v4, vm0, $0xb8;
	[tilespmem:$0x10100] =	vst v63  }
0x3a: {  	s1 =	simm.s32 $0x6100  }
0x3b: {  	[tilespmem:s1], [sflag:$0x1] =	stream.indirect_vreg.gather [hbm4b:s3+s2], $0x80, v3, vm0, $0xb8;
	[tilespmem:$0x10100] =	vst v63  }
0x3c: {  	_ = 	snop  }
0x3d: {  	[tilespmem:s11], [sflag:$0x1] =	stream.indirect_vreg.gather [hbm4b:s4+s2], $0x80, v3, vm0, $0xb8;
	[tilespmem:$0x10100] =	vst v63  }
0x3e: {  	_ = 	snop  }
0x3f: {  	[tilespmem:s12], [sflag:$0x1] =	stream.indirect_vreg.gather [hbm4b:s6+s2], $0x80, v3, vm0, $0xb8;
	[tilespmem:$0x10100] =	vst v63  }
0x40: {  	_ = 	snop  }
0x41: {  	[tilespmem:s13], [sflag:$0x1] =	stream.indirect_vreg.gather [hbm4b:s7+s2], $0x80, v3, vm0, $0xb8;
	[tilespmem:$0x10100] =	vst v63  }
0x42: {  	v3 =	vld [tilespmem:$0x20];
	_ =	sdelay $0x4  }
0x43: {  	v58 =	vshll.u32 v3, $0x3  }
0x44: {  	v3 =	vand.u32 $0x7, v3;
	v4 =	vand.u32 $0xFFFFFFC0, v58  }
0x45: {  	v3 =	vor.u32 v3, v4  }
0x46: {  	v4 =	vperm.xlane v3, v0;
	_ =	sdelay $0x1  }
0x47: {  	v4 =	vadd.s32 v1, v4;
	_ =	sdelay $0x4  }
0x48: {  	[tilespmem:s5], [sflag:$0x1] =	stream.indirect_vreg.gather [hbm4b:s3+s2], $0x80, v4, vm0, $0xb8;
	[tilespmem:$0x10100] =	vst v63  }
0x49: {  	v3 =	vperm.xlane v3, v2  }
0x4a: {  	[tilespmem:s14], [sflag:$0x1] =	stream.indirect_vreg.gather [hbm4b:s4+s2], $0x80, v4, vm0, $0xb8;
	[tilespmem:$0x10100] =	vst v63  }
0x4b: {  	v3 =	vadd.s32 v1, v3  }
0x4c: {  	[tilespmem:s15], [sflag:$0x1] =	stream.indirect_vreg.gather [hbm4b:s6+s2], $0x80, v4, vm0, $0xb8;
	[tilespmem:$0x10100] =	vst v63  }
0x4d: {  	_ = 	snop  }
0x4e: {  	[tilespmem:s16], [sflag:$0x1] =	stream.indirect_vreg.gather [hbm4b:s7+s2], $0x80, v4, vm0, $0xb8;
	[tilespmem:$0x10100] =	vst v63  }
0x4f: {  	_ = 	snop  }
0x50: {  	[tilespmem:s17], [sflag:$0x1] =	stream.indirect_vreg.gather [hbm4b:s3+s2], $0x80, v3, vm0, $0xb8;
	[tilespmem:$0x10100] =	vst v63  }
0x51: {  	_ = 	snop  }
0x52: {  	[tilespmem:s18], [sflag:$0x1] =	stream.indirect_vreg.gather [hbm4b:s4+s2], $0x80, v3, vm0, $0xb8;
	[tilespmem:$0x10100] =	vst v63  }
0x53: {  	_ = 	snop  }
0x54: {  	[tilespmem:s10], [sflag:$0x1] =	stream.indirect_vreg.gather [hbm4b:s6+s2], $0x80, v3, vm0, $0xb8;
	[tilespmem:$0x10100] =	vst v63  }
0x55: {  	s20 =	simm.s32 $0xB900  }
0x56: {  	[tilespmem:s20], [sflag:$0x1] =	stream.indirect_vreg.gather [hbm4b:s7+s2], $0x80, v3, vm0, $0xb8;
	[tilespmem:$0x10100] =	vst v63  }
0x57: {  	v3 =	vld [tilespmem:$0x30];
	_ =	sdelay $0x4  }
0x58: {  	v59 =	vshll.u32 v3, $0x3  }
0x59: {  	v3 =	vand.u32 $0x7, v3;
	v4 =	vand.u32 $0xFFFFFFC0, v59  }
0x5a: {  	v3 =	vor.u32 v3, v4  }
0x5b: {  	v4 =	vperm.xlane v3, v0;
	_ =	sdelay $0x1  }
0x5c: {  	v4 =	vadd.s32 v1, v4;
	_ =	sdelay $0x3  }
0x5d: {  	s20 =	simm.s32 $0xC100  }
0x5e: {  	[tilespmem:s20], [sflag:$0x1] =	stream.indirect_vreg.gather [hbm4b:s3+s2], $0x80, v4, vm0, $0xb8;
	[tilespmem:$0x10100] =	vst v63  }
0x5f: {  	v3 =	vperm.xlane v3, v2;
	s20 =	simm.s32 $0xC900  }
0x60: {  	[tilespmem:s20], [sflag:$0x1] =	stream.indirect_vreg.gather [hbm4b:s4+s2], $0x80, v4, vm0, $0xb8;
	[tilespmem:$0x10100] =	vst v63  }
0x61: {  	v3 =	vadd.s32 v1, v3;
	s20 =	simm.s32 $0xD100  }
0x62: {  	[tilespmem:s20], [sflag:$0x1] =	stream.indirect_vreg.gather [hbm4b:s6+s2], $0x80, v4, vm0, $0xb8;
	[tilespmem:$0x10100] =	vst v63  }
0x63: {  	s20 =	simm.s32 $0xD900  }
0x64: {  	[tilespmem:s20], [sflag:$0x1] =	stream.indirect_vreg.gather [hbm4b:s7+s2], $0x80, v4, vm0, $0xb8;
	[tilespmem:$0x10100] =	vst v63  }
0x65: {  	s20 =	simm.s32 $0xE100  }
0x66: {  	[tilespmem:s20], [sflag:$0x1] =	stream.indirect_vreg.gather [hbm4b:s3+s2], $0x80, v3, vm0, $0xb8;
	[tilespmem:$0x10100] =	vst v63  }
0x67: {  	s20 =	simm.s32 $0xE900  }
0x68: {  	[tilespmem:s20], [sflag:$0x1] =	stream.indirect_vreg.gather [hbm4b:s4+s2], $0x80, v3, vm0, $0xb8;
	[tilespmem:$0x10100] =	vst v63  }
0x69: {  	s20 =	simm.s32 $0xF100  }
0x6a: {  	[tilespmem:s20], [sflag:$0x1] =	stream.indirect_vreg.gather [hbm4b:s6+s2], $0x80, v3, vm0, $0xb8;
	[tilespmem:$0x10100] =	vst v63  }
0x6b: {  	s20 =	simm.s32 $0xF900  }
0x6c: {  	[tilespmem:s20], [sflag:$0x1] =	stream.indirect_vreg.gather [hbm4b:s7+s2], $0x80, v3, vm0, $0xb8;
	[tilespmem:$0x10100] =	vst v63  }
0x6d: {  	_ =	swait.ge [sflag:s19], $0x10000  }
0x6e: {  	[sflag:s19] =	ssyncset.done $0x0  }
0x6f: {  	s20 =	rddreg [dreg:$0x5];
	[sflag:s19] =	ssyncadd.s32 $0xFFFF0000  }
0x70: {  	[hbm4b:s20+s2] =	stream.linear.scatter [tilespmem:s0], [sflag:$0x2], $0x10000, $0x38;
	[tilespmem:$0x10100] =	vst v63  }
0x71: {  	_ =	swait.ge [sflag:s9], $0x10000  }
0x72: {  	[sflag:s9] =	ssyncset.done $0x0  }
0x73: {  	[sflag:s9] =	ssyncadd.s32 $0xFFFF0000  }
0x74: {  	v3 =	vld [tilespmem:$0x80];
	_ =	sdelay $0x4  }
0x75: {  	v60 =	vshll.u32 v3, $0x3  }
0x76: {  	v3 =	vand.u32 $0x7, v3;
	v4 =	vand.u32 $0xFFFFFFC0, v60  }
0x77: {  	v3 =	vor.u32 v3, v4  }
0x78: {  	v4 =	vperm.xlane v3, v0;
	_ =	sdelay $0x1  }
0x79: {  	v4 =	vadd.s32 v1, v4;
	_ =	sdelay $0x4  }
0x7a: {  	[tilespmem:s0], [sflag:$0x1] =	stream.indirect_vreg.gather [hbm4b:s3+s2], $0x80, v4, vm0, $0xb8;
	[tilespmem:$0x10100] =	vst v63  }
0x7b: {  	v3 =	vperm.xlane v3, v2  }
0x7c: {  	[tilespmem:s21], [sflag:$0x1] =	stream.indirect_vreg.gather [hbm4b:s4+s2], $0x80, v4, vm0, $0xb8;
	[tilespmem:$0x10100] =	vst v63  }
0x7d: {  	v3 =	vadd.s32 v1, v3  }
0x7e: {  	[tilespmem:s22], [sflag:$0x1] =	stream.indirect_vreg.gather [hbm4b:s6+s2], $0x80, v4, vm0, $0xb8;
	[tilespmem:$0x10100] =	vst v63  }
0x7f: {  	_ = 	snop  }
0x80: {  	[tilespmem:s23], [sflag:$0x1] =	stream.indirect_vreg.gather [hbm4b:s7+s2], $0x80, v4, vm0, $0xb8;
	[tilespmem:$0x10100] =	vst v63  }
0x81: {  	_ = 	snop  }
0x82: {  	[tilespmem:s24], [sflag:$0x1] =	stream.indirect_vreg.gather [hbm4b:s3+s2], $0x80, v3, vm0, $0xb8;
	[tilespmem:$0x10100] =	vst v63  }
0x83: {  	_ = 	snop  }
0x84: {  	[tilespmem:s25], [sflag:$0x1] =	stream.indirect_vreg.gather [hbm4b:s4+s2], $0x80, v3, vm0, $0xb8;
	[tilespmem:$0x10100] =	vst v63  }
0x85: {  	_ = 	snop  }
0x86: {  	[tilespmem:s26], [sflag:$0x1] =	stream.indirect_vreg.gather [hbm4b:s6+s2], $0x80, v3, vm0, $0xb8;
	[tilespmem:$0x10100] =	vst v63  }
0x87: {  	_ = 	snop  }
0x88: {  	[tilespmem:s28], [sflag:$0x1] =	stream.indirect_vreg.gather [hbm4b:s7+s2], $0x80, v3, vm0, $0xb8;
	[tilespmem:$0x10100] =	vst v63  }
0x89: {  	v3 =	vld [tilespmem:$0x90];
	_ =	sdelay $0x4  }
0x8a: {  	v61 =	vshll.u32 v3, $0x3  }
0x8b: {  	v3 =	vand.u32 $0x7, v3;
	v4 =	vand.u32 $0xFFFFFFC0, v61  }
0x8c: {  	v3 =	vor.u32 v3, v4  }
0x8d: {  	v4 =	vperm.xlane v3, v0;
	_ =	sdelay $0x1  }
0x8e: {  	v4 =	vadd.s32 v1, v4;
	_ =	sdelay $0x4  }
0x8f: {  	[tilespmem:s29], [sflag:$0x1] =	stream.indirect_vreg.gather [hbm4b:s3+s2], $0x80, v4, vm0, $0xb8;
	[tilespmem:$0x10100] =	vst v63  }
0x90: {  	v3 =	vperm.xlane v3, v2  }
0x91: {  	[tilespmem:s30], [sflag:$0x1] =	stream.indirect_vreg.gather [hbm4b:s4+s2], $0x80, v4, vm0, $0xb8;
	[tilespmem:$0x10100] =	vst v63  }
0x92: {  	v3 =	vadd.s32 v1, v3  }
0x93: {  	[tilespmem:s31], [sflag:$0x1] =	stream.indirect_vreg.gather [hbm4b:s6+s2], $0x80, v4, vm0, $0xb8;
	[tilespmem:$0x10100] =	vst v63  }
0x94: {  	s20 =	simm.s32 $0x5900  }
0x95: {  	[tilespmem:s20], [sflag:$0x1] =	stream.indirect_vreg.gather [hbm4b:s7+s2], $0x80, v4, vm0, $0xb8;
	[tilespmem:$0x10100] =	vst v63  }
0x96: {  	_ = 	snop  }
0x97: {  	[tilespmem:s1], [sflag:$0x1] =	stream.indirect_vreg.gather [hbm4b:s3+s2], $0x80, v3, vm0, $0xb8;
	[tilespmem:$0x10100] =	vst v63  }
0x98: {  	_ = 	snop  }
0x99: {  	[tilespmem:s11], [sflag:$0x1] =	stream.indirect_vreg.gather [hbm4b:s4+s2], $0x80, v3, vm0, $0xb8;
	[tilespmem:$0x10100] =	vst v63  }
0x9a: {  	_ = 	snop  }
0x9b: {  	[tilespmem:s12], [sflag:$0x1] =	stream.indirect_vreg.gather [hbm4b:s6+s2], $0x80, v3, vm0, $0xb8;
	[tilespmem:$0x10100] =	vst v63  }
0x9c: {  	_ = 	snop  }
0x9d: {  	[tilespmem:s13], [sflag:$0x1] =	stream.indirect_vreg.gather [hbm4b:s7+s2], $0x80, v3, vm0, $0xb8;
	[tilespmem:$0x10100] =	vst v63  }
0x9e: {  	v3 =	vld [tilespmem:$0xA0];
	_ =	sdelay $0x4  }
0x9f: {  	v62 =	vshll.u32 v3, $0x3  }
0xa0: {  	v3 =	vand.u32 $0x7, v3;
	v4 =	vand.u32 $0xFFFFFFC0, v62  }
0xa1: {  	v3 =	vor.u32 v3, v4  }
0xa2: {  	v4 =	vperm.xlane v3, v0;
	_ =	sdelay $0x1  }
0xa3: {  	v4 =	vadd.s32 v1, v4;
	_ =	sdelay $0x4  }
0xa4: {  	[tilespmem:s5], [sflag:$0x1] =	stream.indirect_vreg.gather [hbm4b:s3+s2], $0x80, v4, vm0, $0xb8;
	[tilespmem:$0x10100] =	vst v63  }
0xa5: {  	v3 =	vperm.xlane v3, v2  }
0xa6: {  	[tilespmem:s14], [sflag:$0x1] =	stream.indirect_vreg.gather [hbm4b:s4+s2], $0x80, v4, vm0, $0xb8;
	[tilespmem:$0x10100] =	vst v63  }
0xa7: {  	v3 =	vadd.s32 v1, v3  }
0xa8: {  	[tilespmem:s15], [sflag:$0x1] =	stream.indirect_vreg.gather [hbm4b:s6+s2], $0x80, v4, vm0, $0xb8;
	[tilespmem:$0x10100] =	vst v63  }
0xa9: {  	_ = 	snop  }
0xaa: {  	[tilespmem:s16], [sflag:$0x1] =	stream.indirect_vreg.gather [hbm4b:s7+s2], $0x80, v4, vm0, $0xb8;
	[tilespmem:$0x10100] =	vst v63  }
0xab: {  	_ = 	snop  }
0xac: {  	[tilespmem:s17], [sflag:$0x1] =	stream.indirect_vreg.gather [hbm4b:s3+s2], $0x80, v3, vm0, $0xb8;
	[tilespmem:$0x10100] =	vst v63  }
0xad: {  	_ = 	snop  }
0xae: {  	[tilespmem:s18], [sflag:$0x1] =	stream.indirect_vreg.gather [hbm4b:s4+s2], $0x80, v3, vm0, $0xb8;
	[tilespmem:$0x10100] =	vst v63  }
0xaf: {  	_ = 	snop  }
0xb0: {  	[tilespmem:s10], [sflag:$0x1] =	stream.indirect_vreg.gather [hbm4b:s6+s2], $0x80, v3, vm0, $0xb8;
	[tilespmem:$0x10100] =	vst v63  }
0xb1: {  	s20 =	simm.s32 $0xB900  }
0xb2: {  	[tilespmem:s20], [sflag:$0x1] =	stream.indirect_vreg.gather [hbm4b:s7+s2], $0x80, v3, vm0, $0xb8;
	[tilespmem:$0x10100] =	vst v63  }
0xb3: {  	v3 =	vld [tilespmem:$0xB0];
	_ =	sdelay $0x4  }
0xb4: {  	v63 =	vshll.u32 v3, $0x3  }
0xb5: {  	v3 =	vand.u32 $0x7, v3;
	v4 =	vand.u32 $0xFFFFFFC0, v63  }
0xb6: {  	v3 =	vor.u32 v3, v4  }
0xb7: {  	v4 =	vperm.xlane v3, v0;
	_ =	sdelay $0x1  }
0xb8: {  	v4 =	vadd.s32 v1, v4;
	_ =	sdelay $0x3  }
0xb9: {  	s20 =	simm.s32 $0xC100  }
0xba: {  	[tilespmem:s20], [sflag:$0x1] =	stream.indirect_vreg.gather [hbm4b:s3+s2], $0x80, v4, vm0, $0xb8;
	[tilespmem:$0x10100] =	vst v63  }
0xbb: {  	v3 =	vperm.xlane v3, v2;
	s20 =	simm.s32 $0xC900  }
0xbc: {  	[tilespmem:s20], [sflag:$0x1] =	stream.indirect_vreg.gather [hbm4b:s4+s2], $0x80, v4, vm0, $0xb8;
	[tilespmem:$0x10100] =	vst v63  }
0xbd: {  	v3 =	vadd.s32 v1, v3;
	s20 =	simm.s32 $0xD100  }
0xbe: {  	[tilespmem:s20], [sflag:$0x1] =	stream.indirect_vreg.gather [hbm4b:s6+s2], $0x80, v4, vm0, $0xb8;
	[tilespmem:$0x10100] =	vst v63  }
0xbf: {  	s20 =	simm.s32 $0xD900  }
0xc0: {  	[tilespmem:s20], [sflag:$0x1] =	stream.indirect_vreg.gather [hbm4b:s7+s2], $0x80, v4, vm0, $0xb8;
	[tilespmem:$0x10100] =	vst v63  }
0xc1: {  	s20 =	simm.s32 $0xE100  }
0xc2: {  	[tilespmem:s20], [sflag:$0x1] =	stream.indirect_vreg.gather [hbm4b:s3+s2], $0x80, v3, vm0, $0xb8;
	[tilespmem:$0x10100] =	vst v63  }
0xc3: {  	s20 =	simm.s32 $0xE900  }
0xc4: {  	[tilespmem:s20], [sflag:$0x1] =	stream.indirect_vreg.gather [hbm4b:s4+s2], $0x80, v3, vm0, $0xb8;
	[tilespmem:$0x10100] =	vst v63  }
0xc5: {  	s20 =	simm.s32 $0xF100  }
0xc6: {  	[tilespmem:s20], [sflag:$0x1] =	stream.indirect_vreg.gather [hbm4b:s6+s2], $0x80, v3, vm0, $0xb8;
	[tilespmem:$0x10100] =	vst v63  }
0xc7: {  	s20 =	simm.s32 $0xF900  }
0xc8: {  	[tilespmem:s20], [sflag:$0x1] =	stream.indirect_vreg.gather [hbm4b:s7+s2], $0x80, v3, vm0, $0xb8;
	[tilespmem:$0x10100] =	vst v63  }
0xc9: {  	_ =	swait.ge [sflag:s19], $0x10000  }
0xca: {  	p0 =	sne.s32 s8, $0x1;
	[sflag:s19] =	ssyncset.done $0x0  }
.Ltmp0:
0xcb: {  	s1 =	rddreg [dreg:$0x4];
	[sflag:s19] =	ssyncadd.s32 $0xFFFF0000;
	(pc) =	sbr.rel @p0 .LBB2_1-.Ltmp0, $4  }
0xcc: {  	[hbm4b:s1+s2] =	stream.linear.scatter [tilespmem:s0], [sflag:$0x2], $0x10000, $0x38;
	[tilespmem:$0x10100] =	vst v63  }
0xcd: {  	_ =	swait.ge [sflag:s9], $0x10000  }
0xce: {  	[sflag:s9] =	ssyncset.done $0x0  }
0xcf: {  	s8 =	sadd.s32 $0xFFFFFFFF, s8;
	[sflag:s9] =	ssyncadd.s32 $0xFFFF0000  }
0xd0: {  	_ =	sfence.sel $0x180000  }
0xd1: {  	[bflag:$0x0] =	sbarrier.arrive $0xFFFF  }
0xd2: {  	_ =	strace $0x9000004A  }
0xd3: {  	s0 =	stileid.u32;
	[bflag:$0x2] =	sbarrier.arrive $0xFFFF  }
0xd4: {  	p0 =	sne.s32 s0, $0x0;
	s0 =	rddreg [dreg:$0x2]  }
0xd5: {  	s0 =	sadd.s32 @!p0 $0x100000, s0  }
0xd6: {  	[sflag:s0] =	ssyncadd.tile.s32 @!p0 $0x1;
	_ =	shalt  }
.Lfunc_end2:
_tile_overlayer_lowered:
.L_overlay_start_2:
0xd7: {  	(tag) =	ssettag $0x2  }
0xd8: {  	s0 =	rddreg [dreg:$0x0];
	s2 =	stileid.u32  }
0xd9: {  	s1 =	rddreg [dreg:$0x1];
	p0 =	sne.s32 s2, $0x0  }
0xda: {  	s3 =	rddreg [dreg:$0x2];
	[bflag:$0x3] =	sbarrier.arrive $0xFFFF;
	s2 =	simm.s32 @!p0 $0x1C02  }
0xdb: {  	[timem:s3], [sflag:s2] =	dma.local @!p0 [hbm:s0], s1  }
0xdc: {  	s0 =	simm.s32 @!p0 $0x2  }
0xdd: {  	_ =	swait.ge @!p0 [sflag:s0], s1  }
0xde: {  	s1 =	ssub.s32 @!p0 $0x0, s1;
	[sflag:s0] =	ssyncset.done @!p0 $0x0  }
0xdf: {  	[sflag:s0] =	ssyncadd.s32 @!p0 s1  }
0xe0: {  	[bflag:$0x3] =	sbarrier.arrive $0xFFFF  }
0xe1: {  	_ =	shalt  }

// kernel: kernel.8.cloned.1.call-start
scs
__scs_entry_jumppad:
0x0: {  	(pc) =	sbr.rel $0x88, $3  }
0x1: {  	(tag) =	ssettag $0x0;
	lr =	simm.s32 $0x1  }
0x2: {  	[smem:$0x3F8C] =	sst lr;
	_ =	strace $0xD0000000  }
0x3: {  	_ = 	snop  }
0x4: {  	_ = 	snop  }
0x5: {  	_ = 	snop  }
0x6: {  	_ = 	snop  }
0x7: {  	_ = 	snop  }
__scs_overlays_trampoline_lowered:
0x8: {  	[smem:$0x3F9B] =	sst s0  }
0x9: {  	[smem:$0x3F9C] =	sst s1  }
0xa: {  	[smem:$0x3F9D] =	sst s2  }
0xb: {  	[smem:$0x3F9E] =	sst s3  }
0xc: {  	[smem:$0x3F9F] =	sst s4  }
0xd: {  	[smem:$0x3FA0] =	sst s5  }
0xe: {  	[smem:$0x3FA1] =	sst s6  }
0xf: {  	[smem:$0x3FA2] =	sst s7  }
0x10: {  	[smem:$0x3FA3] =	sst s8  }
0x11: {  	[smem:$0x3FA4] =	sst s9;
	s0 =	simm.s32 @!p0 $0x0  }
0x12: {  	s1 =	sld [smem:$0x3F8A];
	s0 =	simm.s32 @p0 $0x1  }
0x13: {  	[smem:$0x3FA5] =	sst s0;
	s0 =	simm.s32 @!p1 $0x0  }
0x14: {  	s2 =	sld [smem:$0x3F89];
	s0 =	simm.s32 @p1 $0x1  }
0x15: {  	[smem:$0x3FA6] =	sst s0;
	s0 =	simm.s32 @!p2 $0x0  }
0x16: {  	s3 =	sld [smem:$0x3FDB];
	s0 =	simm.s32 @p2 $0x1  }
0x17: {  	s4 =	simm.s32 $0x1BF5;
	[smem:$0x3FA8] =	sst s0  }
0x18: {  	s0 =	sld [smem:$0x3F8B];
	_ =	swait.ge [sflag:s4], $0x0  }
0x19: {  	s7 =	sld [smem:$0x3F8C]  }
0x1a: {  	s8 =	sadd.s32 $0xFFFFE003, lr  }
0x1b: {  	s9 =	sadd.s32 $0xFFFFFEF7, lr;
	s5 =	simm.s32 $0xFFFFFFFF;
	p2 =	slt.u32 s8, $0xFFFFF086  }
0x1c: {  	p1 =	slt.u32 s9, $0xF7A;
	s5 =	simm.s32 @!p2 $0x0  }
0x1d: {  	s5 =	simm.s32 @p1 $0x1;
	p0 =	seq.s32 s7, s2  }
0x1e: {  	s7 =	smul.u32 @!p0 $0xF7A, s2;
	p2 =	seq.s32 @!p0 s5, $0x0  }
0x1f: {  	s9 =	smul.u32 $0xF7A, s1;
	s8 =	simm.s32 @!p0 $0x1BF5;
	p2 =	por !p2, p0  }
0x20: {  	[sflag:s8] =	ssyncset.s32 @!p0 $0xFFFFF086;
	s6 =	sadd.s32 @!p0 s3, s7;
	s7 =	simm.s32 @!p0 $0x108  }
0x21: {  	s3 =	sadd.s32 s3, s9;
	s6 =	sadd.s32 @!p0 $0x88, s6;
	s7 =	simm.s32 @p2 $0x1082  }
0x22: {  	[simem:s7], [sflag:s8] =	dma.local @!p0 [hbm:s6], $0xF7A  }
0x23: {  	s9 =	sor.u32 $0xD0000000, s2;
	s6 =	simm.s32 $0x108;
	_ =	swait.ge @!p0 [sflag:s8], $0x0  }
0x24: {  	s3 =	sadd.s32 $0x88, s3;
	s6 =	simm.s32 @!p1 $0x1082;
	[sflag:s4] =	ssyncset.s32 $0xFFFFF086  }
0x25: {  	[simem:s6], [sflag:s4] =	dma.local [hbm:s3], $0xF7A  }
0x26: {  	[smem:$0x3F8C] =	sst s1;
	(tag) =	ssettag s2;
	_ =	strace s9  }
0x27: {  	s1 =	sld [smem:$0x3F9C]  }
0x28: {  	s2 =	sld [smem:$0x3F9D]  }
0x29: {  	s4 =	sld [smem:$0x3F9F]  }
0x2a: {  	p0 =	seq.s32 s5, $0x0;
	s5 =	sld [smem:$0x3FA0]  }
0x2b: {  	s6 =	sld [smem:$0x3FA1]  }
0x2c: {  	s7 =	sld [smem:$0x3FA2]  }
0x2d: {  	s3 =	simm.s32 $0x108;
	s8 =	sld [smem:$0x3FA3]  }
0x2e: {  	s3 =	simm.s32 @!p0 $0x1082;
	s9 =	sld [smem:$0x3FA4]  }
0x2f: {  	lr =	sadd.s32 s0, s3;
	s0 =	sld [smem:$0x3F9B]  }
0x30: {  	s3 =	sld [smem:$0x3F9E]  }
0x31: {  	[smem:$0x3FA7] =	sst s10  }
0x32: {  	s10 =	sld [smem:$0x3FA5];
	_ =	sdelay $0x3  }
0x33: {  	p0 =	seq.s32 s10, $0x1;
	s10 =	sld [smem:$0x3FA7];
	_ =	sdelay $0x3  }
0x34: {  	[smem:$0x3FA7] =	sst s10  }
0x35: {  	s10 =	sld [smem:$0x3FA6];
	_ =	sdelay $0x3  }
0x36: {  	p1 =	seq.s32 s10, $0x1;
	s10 =	sld [smem:$0x3FA7];
	_ =	sdelay $0x3  }
0x37: {  	[smem:$0x3FA7] =	sst s10  }
0x38: {  	s10 =	sld [smem:$0x3FA8]  }
0x39: {  	_ = 	snop;
	(pc) =	sbr.ind lr, $3  }
0x3a: {  	_ = 	snop  }
0x3b: {  	_ = 	snop  }
0x3c: {  	p2 =	seq.s32 s10, $0x1;
	s10 =	sld [smem:$0x3FA7]  }
0x3d: {  	_ =	shalt  }
0x3e: {  	_ =	shalt  }
0x3f: {  	_ =	shalt  }
0x40: {  	_ =	shalt  }
0x41: {  	_ =	shalt  }
0x42: {  	_ =	shalt  }
0x43: {  	_ =	shalt  }
0x44: {  	_ =	shalt  }
0x45: {  	_ =	shalt  }
0x46: {  	_ =	shalt  }
0x47: {  	_ =	shalt  }
0x48: {  	_ =	shalt  }
0x49: {  	_ =	shalt  }
0x4a: {  	_ =	shalt  }
0x4b: {  	_ =	shalt  }
0x4c: {  	_ =	shalt  }
0x4d: {  	_ =	shalt  }
0x4e: {  	_ =	shalt  }
0x4f: {  	_ =	shalt  }
0x50: {  	_ =	shalt  }
0x51: {  	_ =	shalt  }
0x52: {  	_ =	shalt  }
0x53: {  	_ =	shalt  }
0x54: {  	_ =	shalt  }
0x55: {  	_ =	shalt  }
0x56: {  	_ =	shalt  }
0x57: {  	_ =	shalt  }
0x58: {  	_ =	shalt  }
0x59: {  	_ =	shalt  }
0x5a: {  	_ =	shalt  }
0x5b: {  	_ =	shalt  }
0x5c: {  	_ =	shalt  }
0x5d: {  	_ =	shalt  }
0x5e: {  	_ =	shalt  }
0x5f: {  	_ =	shalt  }
0x60: {  	_ =	shalt  }
0x61: {  	_ =	shalt  }
0x62: {  	_ =	shalt  }
0x63: {  	_ =	shalt  }
0x64: {  	_ =	shalt  }
0x65: {  	_ =	shalt  }
0x66: {  	_ =	shalt  }
0x67: {  	_ =	shalt  }
0x68: {  	_ =	shalt  }
0x69: {  	_ =	shalt  }
0x6a: {  	_ =	shalt  }
0x6b: {  	_ =	shalt  }
0x6c: {  	_ =	shalt  }
0x6d: {  	_ =	shalt  }
0x6e: {  	_ =	shalt  }
0x6f: {  	_ =	shalt  }
0x70: {  	_ =	shalt  }
0x71: {  	_ =	shalt  }
0x72: {  	_ =	shalt  }
0x73: {  	_ =	shalt  }
0x74: {  	_ =	shalt  }
0x75: {  	_ =	shalt  }
0x76: {  	_ =	shalt  }
0x77: {  	_ =	shalt  }
0x78: {  	_ =	shalt  }
0x79: {  	_ =	shalt  }
0x7a: {  	_ =	shalt  }
0x7b: {  	_ =	shalt  }
0x7c: {  	_ =	shalt  }
0x7d: {  	_ =	shalt  }
0x7e: {  	_ =	shalt  }
0x7f: {  	_ =	shalt  }
0x80: {  	_ =	shalt  }
0x81: {  	_ =	shalt  }
0x82: {  	_ =	shalt  }
0x83: {  	_ =	shalt  }
0x84: {  	_ =	shalt  }
0x85: {  	_ =	shalt  }
0x86: {  	_ =	shalt  }
0x87: {  	_ =	shalt  }
.Lfunc_end0:
.L_simem_size_0:
called_computation_lowered:
.L_overlay_start_0:
0x88: {  	s2 =	sld [smem:$0x3FD9]  }
0x89: {  	s3 =	sld [smem:$0x3FFE];
	_ =	sdelay $0x1  }
0x8a: {  	s1 =	srdreg.scid  }
0x8b: {  	s0 =	sand.u32 $0x1, s1  }
0x8c: {  	s17 =	sshll.u32 s0, $0xA;
	s2 =	sadd.s32 s3, s2  }
0x8d: {  	s2 =	sadd.s32 s2, s17  }
0x8e: {  	[smem:$0x3FB3] =	sst s2  }
0x8f: {  	_ = 	snop  }
0x90: {  	s2 =	sld [smem:$0x3FC9]  }
0x91: {  	s18 =	sld [smem:$0x3FD0];
	(tm) =	ssettm $0x1  }
0x92: {  	s4 =	sld [smem:$0x3FFB];
	_ =	sdelay $0x3  }
0x93: {  	_ =	strace s4  }
0x94: {  	s4 =	sld [smem:$0x3FFC];
	_ =	sdelay $0x3  }
0x95: {  	_ =	strace s4  }
0x96: {  	s4 =	sld [smem:$0x3FFD];
	_ =	sdelay $0x3  }
0x97: {  	_ =	strace s4  }
0x98: {  	_ =	strace $0x8FFFFFFF  }
0x99: {  	s19 =	sld [smem:$0x3FDB];
	_ =	sdelay $0x1  }
0x9a: {  	s5 =	simm.s32 $_scs_section_size  }
0x9b: {  	s6 =	simm.s32 $_size__tile_overlayer_lowered;
	s7 =	simm.s32 $_tile_overlayer_lowered  }
0x9c: {  	s22 =	simm.s32 $0x1BFF;
	s21 =	sshll.u32 s7, $0x1;
	s4 =	sadd.s32 s5, s19  }
0x9d: {  	s8 =	simm.s32 $0x0;
	s20 =	sshll.u32 s6, $0x1;
	s6 =	sadd.s32 s21, s4  }
0x9e: {  	[timem:s8], [sflag:s22] =	dma.local [hbm:s6], s20  }
0x9f: {  	_ =	swait.ge [sflag:s22], s20  }
0xa0: {  	s5 =	ssub.s32 $0x0, s20;
	[sflag:s22] =	ssyncset.done $0x0  }
0xa1: {  	[sflag:s22] =	ssyncadd.s32 s5;
	_ =	sdelay $0x1  }
0xa2: {  	s23 =	simm.s32 $0x1B8B  }
0xa3: {  	_ =	swait.ge [sflag:s23], $0x1  }
0xa4: {  	[sflag:s23] =	ssyncset.done $0x0  }
0xa5: {  	s25 =	simm.s32 $0x1B8E;
	s24 =	sld [smem:$0x3FFE];
	[sflag:s23] =	ssyncadd.s32 $0xFFFFFFFF  }
0xa6: {  	s26 =	simm.s32 $execute0_lowered;
	[smem:$0x3FD2] =	sst s25  }
0xa7: {  	s6 =	sshll.u32 s26, $0x1;
	_ =	strace $0x80000046;
	[dreg:$0x1] =	wrdreg $0xFFFFFFFF  }
0xa8: {  	s28 =	simm.s32 $_size_execute0_lowered;
	s4 =	sadd.s32 s4, s6;
	[dreg:$0x0] =	wrdreg $0x0  }
0xa9: {  	s6 =	sshll.u32 s28, $0x1;
	[dreg:$0x2] =	wrdreg s4  }
0xaa: {  	[dreg:$0x3] =	wrdreg s6  }
0xab: {  	[dreg:$0x4] =	wrdreg $0xC0  }
0xac: {  	_ =	task [dreg:s8], $0x5FFFF  }
0xad: {  	[dreg:$0x1] =	wrdreg $0xFFFFFFFF  }
0xae: {  	[dreg:$0x0] =	wrdreg $0x60  }
0xaf: {  	[dreg:$0x2] =	wrdreg s18  }
0xb0: {  	[dreg:$0x3] =	wrdreg s2  }
0xb1: {  	[dreg:$0x4] =	wrdreg s24  }
0xb2: {  	[dreg:$0x5] =	wrdreg $0x9  }
0xb3: {  	_ =	task.clear_ibuf [dreg:s8], $0x6FFFF;
	_ =	strace $0x90000046  }
0xb4: {  	s29 =	simm.s32 $0x9;
	_ =	strace $0x80000048  }
0xb5: {  	_ =	swait.ge [sflag:s29], $0x1  }
0xb6: {  	[sflag:s29] =	ssyncadd.s32 $0xFFFFFFFF  }
0xb7: {  	_ =	strace $0x90000048  }
0xb8: {  	_ =	sfence  }
0xb9: {  	s30 =	sld [smem:$0x0];
	_ =	sdelay $0x2  }
0xba: {  	s31 =	sshll.u32 s1, $0xD;
	s1 =	sshrl.u32 s1, $0x2  }
0xbb: {  	s3 =	sand.u32 $0x4000, s31;
	s1 =	sadd.s32 s1, s30  }
0xbc: {  	s0 =	sor.u32 s3, s0;
	s1 =	sshll.u32 s1, $0x11  }
0xbd: {  	s0 =	sor.u32 s1, s0  }
0xbe: {  	s0 =	sadd.s32 $0x8F2B, s0  }
0xbf: {  	[sflag:s0] =	ssyncadd.remote.s32 $0x1  }
0xc0: {  	_ =	sfence.sel $0xFFFF  }
0xc1: {  	[dreg:$0x0] =	wrdreg $0xFFFFFFFF;
	(pc) =	sbr.abs _section_cstart, $3  }
0xc2: {  	[dreg:$0x1] =	wrdreg $0xFFFFFFFF  }
0xc3: {  	_ =	task.clear_ibuf [dreg:s8], $0x2FFFF;
	_ =	strace $0x9FFFFFFF  }
0xc4: {  	(tm) =	ssettm $0x7FFFFFFF  }
0xc5: {  	_ =	shalt  }
tec
execute0_lowered:
.L_overlay_start_1:
0x0: {  	(tag) =	ssettag $0x1  }
0x1: {  	s0 =	rddreg [dreg:$0x0]  }
0x2: {  	s1 =	rddreg [dreg:$0x1]  }
0x3: {  	s2 =	rddreg [dreg:$0x2];
	s3 =	simm.s32 $0x0  }
0x4: {  	s4 =	srdreg.scid;
	s5 =	stileid.u32;
	s8 =	simm.s32 $0x2  }
0x5: {  	s23 =	simm.s32 $0x200;
	s4 =	sand.u32 $0x1, s4;
	s5 =	sshll.u32 s5, $0x1  }
0x6: {  	s18 =	simm.s32 $0x1;
	[smem:$0x7FF] =	sst s3;
	s5 =	sor.u32 s4, s5  }
0x7: {  	_ =	strace $0x80000047;
	s6 =	sshll.u32 s5, $0xF;
	s5 =	sshll.u32 s5, $0x6  }
0x8: {  	s4 =	ssub.s32 $0x2, s4;
	s2 =	sadd.s32 s6, s2;
	s0 =	sadd.s32 s0, s5  }
0x9: {  	s26 =	sshrl.u32 s4, $0x1;
	[dreg:$0x4] =	wrdreg s0;
	s28 =	sadd.s32 $0x3200, s2  }
0xa: {  	s7 =	ssub.s32 s4, s26;
	s29 =	sadd.s32 $0x5200, s2;
	[dreg:$0x5] =	wrdreg s28  }
0xb: {  	v2 =	vlaneseq.u32;
	s4 =	sadd.s32 $0x100, s1;
	s30 =	sadd.s32 $0x7200, s2;
	[dreg:$0x6] =	wrdreg s29  }
0xc: {  	vm0 =	vmmov $0xffff;
	v1 =	vshrl.u32 v2, $0x3;
	s5 =	sadd.s32 $0x200, s1;
	s31 =	sadd.s32 $0x9200, s2;
	[dreg:$0x7] =	wrdreg s30  }
0xd: {  	v0 =	vand.u32 $0x7, v2;
	v2 =	vor.u32 $0x8, v2;
	v1 =	vmul.u32 $0x8, v1;
	s6 =	sadd.s32 $0x300, s1;
	s7 =	smax.u32 s7, $0x1;
	[dreg:$0x8] =	wrdreg s31  }
.LBB2_1:
0xe: {  	s19 =	rddreg [dreg:$0x4]  }
0xf: {  	[tilespmem:s3], [sflag:$0x2] =	stream.linear.gather [hbm4b:s19+s3], $0x200, $0x38;
	[tilespmem:$0x10200] =	vst v63  }
0x10: {  	_ =	swait.ge [sflag:s8], $0x200  }
0x11: {  	[sflag:s8] =	ssyncset.done $0x0  }
0x12: {  	[sflag:s8] =	ssyncadd.s32 $0xFFFFFE00  }
0x13: {  	v3 =	vld [tilespmem:$0x0];
	_ =	sdelay $0x4  }
0x14: {  	v4 =	vshll.u32 v3, $0x3  }
0x15: {  	v3 =	vand.u32 $0x7, v3;
	v4 =	vand.u32 $0xFFFFFFC0, v4  }
0x16: {  	v3 =	vor.u32 v3, v4  }
0x17: {  	v4 =	vperm.xlane v3, v0;
	_ =	sdelay $0x1  }
0x18: {  	v4 =	vadd.s32 v1, v4;
	_ =	sdelay $0x4  }
0x19: {  	[tilespmem:s23], [sflag:$0x1] =	stream.indirect_vreg.gather [hbm4b:s1+s3], $0x80, v4, vm0, $0xb8;
	[tilespmem:$0x10200] =	vst v63  }
0x1a: {  	s0 =	simm.s32 $0xA00;
	v3 =	vperm.xlane v3, v2  }
0x1b: {  	[tilespmem:s0], [sflag:$0x1] =	stream.indirect_vreg.gather [hbm4b:s4+s3], $0x80, v4, vm0, $0xb8;
	[tilespmem:$0x10200] =	vst v63  }
0x1c: {  	s13 =	simm.s32 $0x1200;
	v3 =	vadd.s32 v1, v3  }
0x1d: {  	[tilespmem:s13], [sflag:$0x1] =	stream.indirect_vreg.gather [hbm4b:s5+s3], $0x80, v4, vm0, $0xb8;
	[tilespmem:$0x10200] =	vst v63  }
0x1e: {  	s15 =	simm.s32 $0x1A00  }
0x1f: {  	[tilespmem:s15], [sflag:$0x1] =	stream.indirect_vreg.gather [hbm4b:s6+s3], $0x80, v4, vm0, $0xb8;
	[tilespmem:$0x10200] =	vst v63  }
0x20: {  	s16 =	simm.s32 $0x2200  }
0x21: {  	[tilespmem:s16], [sflag:$0x1] =	stream.indirect_vreg.gather [hbm4b:s1+s3], $0x80, v3, vm0, $0xb8;
	[tilespmem:$0x10200] =	vst v63  }
0x22: {  	s17 =	simm.s32 $0x2A00  }
0x23: {  	[tilespmem:s17], [sflag:$0x1] =	stream.indirect_vreg.gather [hbm4b:s4+s3], $0x80, v3, vm0, $0xb8;
	[tilespmem:$0x10200] =	vst v63  }
0x24: {  	s19 =	simm.s32 $0x3200  }
0x25: {  	[tilespmem:s19], [sflag:$0x1] =	stream.indirect_vreg.gather [hbm4b:s5+s3], $0x80, v3, vm0, $0xb8;
	[tilespmem:$0x10200] =	vst v63  }
0x26: {  	s20 =	simm.s32 $0x3A00  }
0x27: {  	[tilespmem:s20], [sflag:$0x1] =	stream.indirect_vreg.gather [hbm4b:s6+s3], $0x80, v3, vm0, $0xb8;
	[tilespmem:$0x10200] =	vst v63  }
0x28: {  	v3 =	vld [tilespmem:$0x10];
	_ =	sdelay $0x4  }
0x29: {  	v49 =	vshll.u32 v3, $0x3  }
0x2a: {  	v3 =	vand.u32 $0x7, v3;
	v4 =	vand.u32 $0xFFFFFFC0, v49  }
0x2b: {  	v3 =	vor.u32 v3, v4  }
0x2c: {  	v4 =	vperm.xlane v3, v0;
	_ =	sdelay $0x1  }
0x2d: {  	v4 =	vadd.s32 v1, v4;
	_ =	sdelay $0x3  }
0x2e: {  	s21 =	simm.s32 $0x4200  }
0x2f: {  	[tilespmem:s21], [sflag:$0x1] =	stream.indirect_vreg.gather [hbm4b:s1+s3], $0x80, v4, vm0, $0xb8;
	[tilespmem:$0x10200] =	vst v63  }
0x30: {  	s22 =	simm.s32 $0x4A00;
	v3 =	vperm.xlane v3, v2  }
0x31: {  	[tilespmem:s22], [sflag:$0x1] =	stream.indirect_vreg.gather [hbm4b:s4+s3], $0x80, v4, vm0, $0xb8;
	[tilespmem:$0x10200] =	vst v63  }
0x32: {  	s24 =	simm.s32 $0x5200;
	v3 =	vadd.s32 v1, v3  }
0x33: {  	[tilespmem:s24], [sflag:$0x1] =	stream.indirect_vreg.gather [hbm4b:s5+s3], $0x80, v4, vm0, $0xb8;
	[tilespmem:$0x10200] =	vst v63  }
0x34: {  	s25 =	simm.s32 $0x5A00  }
0x35: {  	[tilespmem:s25], [sflag:$0x1] =	stream.indirect_vreg.gather [hbm4b:s6+s3], $0x80, v4, vm0, $0xb8;
	[tilespmem:$0x10200] =	vst v63  }
0x36: {  	s26 =	simm.s32 $0x6200  }
0x37: {  	[tilespmem:s26], [sflag:$0x1] =	stream.indirect_vreg.gather [hbm4b:s1+s3], $0x80, v3, vm0, $0xb8;
	[tilespmem:$0x10200] =	vst v63  }
0x38: {  	s28 =	simm.s32 $0x6A00  }
0x39: {  	[tilespmem:s28], [sflag:$0x1] =	stream.indirect_vreg.gather [hbm4b:s4+s3], $0x80, v3, vm0, $0xb8;
	[tilespmem:$0x10200] =	vst v63  }
0x3a: {  	s29 =	simm.s32 $0x7200  }
0x3b: {  	[tilespmem:s29], [sflag:$0x1] =	stream.indirect_vreg.gather [hbm4b:s5+s3], $0x80, v3, vm0, $0xb8;
	[tilespmem:$0x10200] =	vst v63  }
0x3c: {  	s30 =	simm.s32 $0x7A00  }
0x3d: {  	[tilespmem:s30], [sflag:$0x1] =	stream.indirect_vreg.gather [hbm4b:s6+s3], $0x80, v3, vm0, $0xb8;
	[tilespmem:$0x10200] =	vst v63  }
0x3e: {  	v3 =	vld [tilespmem:$0x20];
	_ =	sdelay $0x4  }
0x3f: {  	v50 =	vshll.u32 v3, $0x3  }
0x40: {  	v3 =	vand.u32 $0x7, v3;
	v4 =	vand.u32 $0xFFFFFFC0, v50  }
0x41: {  	v3 =	vor.u32 v3, v4  }
0x42: {  	v4 =	vperm.xlane v3, v0;
	_ =	sdelay $0x1  }
0x43: {  	v4 =	vadd.s32 v1, v4;
	_ =	sdelay $0x3  }
0x44: {  	s16 =	simm.s32 $0x8200  }
0x45: {  	[tilespmem:s16], [sflag:$0x1] =	stream.indirect_vreg.gather [hbm4b:s1+s3], $0x80, v4, vm0, $0xb8;
	[tilespmem:$0x10200] =	vst v63  }
0x46: {  	s17 =	simm.s32 $0x8A00;
	v3 =	vperm.xlane v3, v2  }
0x47: {  	[tilespmem:s17], [sflag:$0x1] =	stream.indirect_vreg.gather [hbm4b:s4+s3], $0x80, v4, vm0, $0xb8;
	[tilespmem:$0x10200] =	vst v63  }
0x48: {  	s19 =	simm.s32 $0x9200;
	v3 =	vadd.s32 v1, v3  }
0x49: {  	[tilespmem:s19], [sflag:$0x1] =	stream.indirect_vreg.gather [hbm4b:s5+s3], $0x80, v4, vm0, $0xb8;
	[tilespmem:$0x10200] =	vst v63  }
0x4a: {  	s20 =	simm.s32 $0x9A00  }
0x4b: {  	[tilespmem:s20], [sflag:$0x1] =	stream.indirect_vreg.gather [hbm4b:s6+s3], $0x80, v4, vm0, $0xb8;
	[tilespmem:$0x10200] =	vst v63  }
0x4c: {  	s21 =	simm.s32 $0xA200  }
0x4d: {  	[tilespmem:s21], [sflag:$0x1] =	stream.indirect_vreg.gather [hbm4b:s1+s3], $0x80, v3, vm0, $0xb8;
	[tilespmem:$0x10200] =	vst v63  }
0x4e: {  	s22 =	simm.s32 $0xAA00  }
0x4f: {  	[tilespmem:s22], [sflag:$0x1] =	stream.indirect_vreg.gather [hbm4b:s4+s3], $0x80, v3, vm0, $0xb8;
	[tilespmem:$0x10200] =	vst v63  }
0x50: {  	s24 =	simm.s32 $0xB200  }
0x51: {  	[tilespmem:s24], [sflag:$0x1] =	stream.indirect_vreg.gather [hbm4b:s5+s3], $0x80, v3, vm0, $0xb8;
	[tilespmem:$0x10200] =	vst v63  }
0x52: {  	s25 =	simm.s32 $0xBA00  }
0x53: {  	[tilespmem:s25], [sflag:$0x1] =	stream.indirect_vreg.gather [hbm4b:s6+s3], $0x80, v3, vm0, $0xb8;
	[tilespmem:$0x10200] =	vst v63  }
0x54: {  	v3 =	vld [tilespmem:$0x30];
	_ =	sdelay $0x4  }
0x55: {  	v51 =	vshll.u32 v3, $0x3  }
0x56: {  	v3 =	vand.u32 $0x7, v3;
	v4 =	vand.u32 $0xFFFFFFC0, v51  }
0x57: {  	v3 =	vor.u32 v3, v4  }
0x58: {  	v4 =	vperm.xlane v3, v0;
	_ =	sdelay $0x1  }
0x59: {  	v4 =	vadd.s32 v1, v4;
	_ =	sdelay $0x3  }
0x5a: {  	s26 =	simm.s32 $0xC200  }
0x5b: {  	[tilespmem:s26], [sflag:$0x1] =	stream.indirect_vreg.gather [hbm4b:s1+s3], $0x80, v4, vm0, $0xb8;
	[tilespmem:$0x10200] =	vst v63  }
0x5c: {  	s29 =	simm.s32 $0xCA00;
	v3 =	vperm.xlane v3, v2  }
0x5d: {  	[tilespmem:s29], [sflag:$0x1] =	stream.indirect_vreg.gather [hbm4b:s4+s3], $0x80, v4, vm0, $0xb8;
	[tilespmem:$0x10200] =	vst v63  }
0x5e: {  	s0 =	simm.s32 $0xD200;
	v3 =	vadd.s32 v1, v3  }
0x5f: {  	[tilespmem:s0], [sflag:$0x1] =	stream.indirect_vreg.gather [hbm4b:s5+s3], $0x80, v4, vm0, $0xb8;
	[tilespmem:$0x10200] =	vst v63  }
0x60: {  	s16 =	simm.s32 $0xDA00  }
0x61: {  	[tilespmem:s16], [sflag:$0x1] =	stream.indirect_vreg.gather [hbm4b:s6+s3], $0x80, v4, vm0, $0xb8;
	[tilespmem:$0x10200] =	vst v63  }
0x62: {  	s17 =	simm.s32 $0xE200  }
0x63: {  	[tilespmem:s17], [sflag:$0x1] =	stream.indirect_vreg.gather [hbm4b:s1+s3], $0x80, v3, vm0, $0xb8;
	[tilespmem:$0x10200] =	vst v63  }
0x64: {  	s24 =	simm.s32 $0xEA00  }
0x65: {  	[tilespmem:s24], [sflag:$0x1] =	stream.indirect_vreg.gather [hbm4b:s4+s3], $0x80, v3, vm0, $0xb8;
	[tilespmem:$0x10200] =	vst v63  }
0x66: {  	s25 =	simm.s32 $0xF200  }
0x67: {  	[tilespmem:s25], [sflag:$0x1] =	stream.indirect_vreg.gather [hbm4b:s5+s3], $0x80, v3, vm0, $0xb8;
	[tilespmem:$0x10200] =	vst v63  }
0x68: {  	s0 =	simm.s32 $0xFA00  }
0x69: {  	[tilespmem:s0], [sflag:$0x1] =	stream.indirect_vreg.gather [hbm4b:s6+s3], $0x80, v3, vm0, $0xb8;
	[tilespmem:$0x10200] =	vst v63  }
0x6a: {  	_ =	swait.ge [sflag:s18], $0x10000  }
0x6b: {  	[sflag:s18] =	ssyncset.done $0x0  }
0x6c: {  	s16 =	rddreg [dreg:$0x5];
	[sflag:s18] =	ssyncadd.s32 $0xFFFF0000  }
0x6d: {  	[hbm4b:s16+s3] =	stream.linear.scatter [tilespmem:s23], [sflag:$0x2], $0x10000, $0x38;
	[tilespmem:$0x10200] =	vst v63  }
0x6e: {  	_ =	swait.ge [sflag:s8], $0x10000  }
0x6f: {  	[sflag:s8] =	ssyncset.done $0x0  }
0x70: {  	[sflag:s8] =	ssyncadd.s32 $0xFFFF0000  }
0x71: {  	v3 =	vld [tilespmem:$0x80];
	_ =	sdelay $0x4  }
0x72: {  	v52 =	vshll.u32 v3, $0x3  }
0x73: {  	v3 =	vand.u32 $0x7, v3;
	v4 =	vand.u32 $0xFFFFFFC0, v52  }
0x74: {  	v3 =	vor.u32 v3, v4  }
0x75: {  	v4 =	vperm.xlane v3, v0;
	_ =	sdelay $0x1  }
0x76: {  	v4 =	vadd.s32 v1, v4;
	_ =	sdelay $0x4  }
0x77: {  	[tilespmem:s23], [sflag:$0x1] =	stream.indirect_vreg.gather [hbm4b:s1+s3], $0x80, v4, vm0, $0xb8;
	[tilespmem:$0x10200] =	vst v63  }
0x78: {  	s14 =	simm.s32 $0xA00;
	v3 =	vperm.xlane v3, v2  }
0x79: {  	[tilespmem:s14], [sflag:$0x1] =	stream.indirect_vreg.gather [hbm4b:s4+s3], $0x80, v4, vm0, $0xb8;
	[tilespmem:$0x10200] =	vst v63  }
0x7a: {  	s2 =	simm.s32 $0x1200;
	v3 =	vadd.s32 v1, v3  }
0x7b: {  	[tilespmem:s2], [sflag:$0x1] =	stream.indirect_vreg.gather [hbm4b:s5+s3], $0x80, v4, vm0, $0xb8;
	[tilespmem:$0x10200] =	vst v63  }
0x7c: {  	s9 =	simm.s32 $0x1A00  }
0x7d: {  	[tilespmem:s9], [sflag:$0x1] =	stream.indirect_vreg.gather [hbm4b:s6+s3], $0x80, v4, vm0, $0xb8;
	[tilespmem:$0x10200] =	vst v63  }
0x7e: {  	s10 =	simm.s32 $0x2200  }
0x7f: {  	[tilespmem:s10], [sflag:$0x1] =	stream.indirect_vreg.gather [hbm4b:s1+s3], $0x80, v3, vm0, $0xb8;
	[tilespmem:$0x10200] =	vst v63  }
0x80: {  	s11 =	simm.s32 $0x2A00  }
0x81: {  	[tilespmem:s11], [sflag:$0x1] =	stream.indirect_vreg.gather [hbm4b:s4+s3], $0x80, v3, vm0, $0xb8;
	[tilespmem:$0x10200] =	vst v63  }
0x82: {  	s12 =	simm.s32 $0x3200  }
0x83: {  	[tilespmem:s12], [sflag:$0x1] =	stream.indirect_vreg.gather [hbm4b:s5+s3], $0x80, v3, vm0, $0xb8;
	[tilespmem:$0x10200] =	vst v63  }
0x84: {  	s15 =	simm.s32 $0x3A00  }
0x85: {  	[tilespmem:s15], [sflag:$0x1] =	stream.indirect_vreg.gather [hbm4b:s6+s3], $0x80, v3, vm0, $0xb8;
	[tilespmem:$0x10200] =	vst v63  }
0x86: {  	v3 =	vld [tilespmem:$0x90];
	_ =	sdelay $0x4  }
0x87: {  	v53 =	vshll.u32 v3, $0x3  }
0x88: {  	v3 =	vand.u32 $0x7, v3;
	v4 =	vand.u32 $0xFFFFFFC0, v53  }
0x89: {  	v3 =	vor.u32 v3, v4  }
0x8a: {  	v4 =	vperm.xlane v3, v0;
	_ =	sdelay $0x1  }
0x8b: {  	v4 =	vadd.s32 v1, v4;
	_ =	sdelay $0x3  }
0x8c: {  	s16 =	simm.s32 $0x4200  }
0x8d: {  	[tilespmem:s16], [sflag:$0x1] =	stream.indirect_vreg.gather [hbm4b:s1+s3], $0x80, v4, vm0, $0xb8;
	[tilespmem:$0x10200] =	vst v63  }
0x8e: {  	s31 =	simm.s32 $0x4A00;
	v3 =	vperm.xlane v3, v2  }
0x8f: {  	[tilespmem:s31], [sflag:$0x1] =	stream.indirect_vreg.gather [hbm4b:s4+s3], $0x80, v4, vm0, $0xb8;
	[tilespmem:$0x10200] =	vst v63  }
0x90: {  	s13 =	simm.s32 $0x5200;
	v3 =	vadd.s32 v1, v3  }
0x91: {  	[tilespmem:s13], [sflag:$0x1] =	stream.indirect_vreg.gather [hbm4b:s5+s3], $0x80, v4, vm0, $0xb8;
	[tilespmem:$0x10200] =	vst v63  }
0x92: {  	s31 =	simm.s32 $0x5A00  }
0x93: {  	[tilespmem:s31], [sflag:$0x1] =	stream.indirect_vreg.gather [hbm4b:s6+s3], $0x80, v4, vm0, $0xb8;
	[tilespmem:$0x10200] =	vst v63  }
0x94: {  	s0 =	simm.s32 $0x6200  }
0x95: {  	[tilespmem:s0], [sflag:$0x1] =	stream.indirect_vreg.gather [hbm4b:s1+s3], $0x80, v3, vm0, $0xb8;
	[tilespmem:$0x10200] =	vst v63  }
0x96: {  	s2 =	simm.s32 $0x6A00  }
0x97: {  	[tilespmem:s2], [sflag:$0x1] =	stream.indirect_vreg.gather [hbm4b:s4+s3], $0x80, v3, vm0, $0xb8;
	[tilespmem:$0x10200] =	vst v63  }
0x98: {  	s9 =	simm.s32 $0x7200  }
0x99: {  	[tilespmem:s9], [sflag:$0x1] =	stream.indirect_vreg.gather [hbm4b:s5+s3], $0x80, v3, vm0, $0xb8;
	[tilespmem:$0x10200] =	vst v63  }
0x9a: {  	s13 =	simm.s32 $0x7A00  }
0x9b: {  	[tilespmem:s13], [sflag:$0x1] =	stream.indirect_vreg.gather [hbm4b:s6+s3], $0x80, v3, vm0, $0xb8;
	[tilespmem:$0x10200] =	vst v63  }
0x9c: {  	v3 =	vld [tilespmem:$0xA0];
	_ =	sdelay $0x4  }
0x9d: {  	v54 =	vshll.u32 v3, $0x3  }
0x9e: {  	v3 =	vand.u32 $0x7, v3;
	v4 =	vand.u32 $0xFFFFFFC0, v54  }
0x9f: {  	v3 =	vor.u32 v3, v4  }
0xa0: {  	v4 =	vperm.xlane v3, v0;
	_ =	sdelay $0x1  }
0xa1: {  	v4 =	vadd.s32 v1, v4;
	_ =	sdelay $0x3  }
0xa2: {  	s14 =	simm.s32 $0x8200  }
0xa3: {  	[tilespmem:s14], [sflag:$0x1] =	stream.indirect_vreg.gather [hbm4b:s1+s3], $0x80, v4, vm0, $0xb8;
	[tilespmem:$0x10200] =	vst v63  }
0xa4: {  	s15 =	simm.s32 $0x8A00;
	v3 =	vperm.xlane v3, v2  }
0xa5: {  	[tilespmem:s15], [sflag:$0x1] =	stream.indirect_vreg.gather [hbm4b:s4+s3], $0x80, v4, vm0, $0xb8;
	[tilespmem:$0x10200] =	vst v63  }
0xa6: {  	s10 =	simm.s32 $0x9200;
	v3 =	vadd.s32 v1, v3  }
0xa7: {  	[tilespmem:s10], [sflag:$0x1] =	stream.indirect_vreg.gather [hbm4b:s5+s3], $0x80, v4, vm0, $0xb8;
	[tilespmem:$0x10200] =	vst v63  }
0xa8: {  	s11 =	simm.s32 $0x9A00  }
0xa9: {  	[tilespmem:s11], [sflag:$0x1] =	stream.indirect_vreg.gather [hbm4b:s6+s3], $0x80, v4, vm0, $0xb8;
	[tilespmem:$0x10200] =	vst v63  }
0xaa: {  	s12 =	simm.s32 $0xA200  }
0xab: {  	[tilespmem:s12], [sflag:$0x1] =	stream.indirect_vreg.gather [hbm4b:s1+s3], $0x80, v3, vm0, $0xb8;
	[tilespmem:$0x10200] =	vst v63  }
0xac: {  	s30 =	simm.s32 $0xAA00  }
0xad: {  	[tilespmem:s30], [sflag:$0x1] =	stream.indirect_vreg.gather [hbm4b:s4+s3], $0x80, v3, vm0, $0xb8;
	[tilespmem:$0x10200] =	vst v63  }
0xae: {  	s28 =	simm.s32 $0xB200  }
0xaf: {  	[tilespmem:s28], [sflag:$0x1] =	stream.indirect_vreg.gather [hbm4b:s5+s3], $0x80, v3, vm0, $0xb8;
	[tilespmem:$0x10200] =	vst v63  }
0xb0: {  	s20 =	simm.s32 $0xBA00  }
0xb1: {  	[tilespmem:s20], [sflag:$0x1] =	stream.indirect_vreg.gather [hbm4b:s6+s3], $0x80, v3, vm0, $0xb8;
	[tilespmem:$0x10200] =	vst v63  }
0xb2: {  	v3 =	vld [tilespmem:$0xB0];
	_ =	sdelay $0x4  }
0xb3: {  	v55 =	vshll.u32 v3, $0x3  }
0xb4: {  	v3 =	vand.u32 $0x7, v3;
	v4 =	vand.u32 $0xFFFFFFC0, v55  }
0xb5: {  	v3 =	vor.u32 v3, v4  }
0xb6: {  	v4 =	vperm.xlane v3, v0;
	_ =	sdelay $0x1  }
0xb7: {  	v4 =	vadd.s32 v1, v4;
	_ =	sdelay $0x3  }
0xb8: {  	s21 =	simm.s32 $0xC200  }
0xb9: {  	[tilespmem:s21], [sflag:$0x1] =	stream.indirect_vreg.gather [hbm4b:s1+s3], $0x80, v4, vm0, $0xb8;
	[tilespmem:$0x10200] =	vst v63  }
0xba: {  	s22 =	simm.s32 $0xCA00;
	v3 =	vperm.xlane v3, v2  }
0xbb: {  	[tilespmem:s22], [sflag:$0x1] =	stream.indirect_vreg.gather [hbm4b:s4+s3], $0x80, v4, vm0, $0xb8;
	[tilespmem:$0x10200] =	vst v63  }
0xbc: {  	v3 =	vadd.s32 v1, v3;
	s22 =	simm.s32 $0xD200  }
0xbd: {  	[tilespmem:s22], [sflag:$0x1] =	stream.indirect_vreg.gather [hbm4b:s5+s3], $0x80, v4, vm0, $0xb8;
	[tilespmem:$0x10200] =	vst v63  }
0xbe: {  	s26 =	simm.s32 $0xDA00  }
0xbf: {  	[tilespmem:s26], [sflag:$0x1] =	stream.indirect_vreg.gather [hbm4b:s6+s3], $0x80, v4, vm0, $0xb8;
	[tilespmem:$0x10200] =	vst v63  }
0xc0: {  	s29 =	simm.s32 $0xE200  }
0xc1: {  	[tilespmem:s29], [sflag:$0x1] =	stream.indirect_vreg.gather [hbm4b:s1+s3], $0x80, v3, vm0, $0xb8;
	[tilespmem:$0x10200] =	vst v63  }
0xc2: {  	s26 =	simm.s32 $0xEA00  }
0xc3: {  	[tilespmem:s26], [sflag:$0x1] =	stream.indirect_vreg.gather [hbm4b:s4+s3], $0x80, v3, vm0, $0xb8;
	[tilespmem:$0x10200] =	vst v63  }
0xc4: {  	s30 =	simm.s32 $0xF200  }
0xc5: {  	[tilespmem:s30], [sflag:$0x1] =	stream.indirect_vreg.gather [hbm4b:s5+s3], $0x80, v3, vm0, $0xb8;
	[tilespmem:$0x10200] =	vst v63  }
0xc6: {  	s17 =	simm.s32 $0xFA00  }
0xc7: {  	[tilespmem:s17], [sflag:$0x1] =	stream.indirect_vreg.gather [hbm4b:s6+s3], $0x80, v3, vm0, $0xb8;
	[tilespmem:$0x10200] =	vst v63  }
0xc8: {  	_ =	swait.ge [sflag:s18], $0x10000  }
0xc9: {  	[sflag:s18] =	ssyncset.done $0x0  }
0xca: {  	s17 =	rddreg [dreg:$0x6];
	[sflag:s18] =	ssyncadd.s32 $0xFFFF0000  }
0xcb: {  	[hbm4b:s17+s3] =	stream.linear.scatter [tilespmem:s23], [sflag:$0x2], $0x10000, $0x38;
	[tilespmem:$0x10200] =	vst v63  }
0xcc: {  	_ =	swait.ge [sflag:s8], $0x10000  }
0xcd: {  	[sflag:s8] =	ssyncset.done $0x0  }
0xce: {  	[sflag:s8] =	ssyncadd.s32 $0xFFFF0000  }
0xcf: {  	v3 =	vld [tilespmem:$0x100];
	_ =	sdelay $0x4  }
0xd0: {  	v56 =	vshll.u32 v3, $0x3  }
0xd1: {  	v3 =	vand.u32 $0x7, v3;
	v4 =	vand.u32 $0xFFFFFFC0, v56  }
0xd2: {  	v3 =	vor.u32 v3, v4  }
0xd3: {  	v4 =	vperm.xlane v3, v0;
	_ =	sdelay $0x1  }
0xd4: {  	v4 =	vadd.s32 v1, v4;
	_ =	sdelay $0x4  }
0xd5: {  	[tilespmem:s23], [sflag:$0x1] =	stream.indirect_vreg.gather [hbm4b:s1+s3], $0x80, v4, vm0, $0xb8;
	[tilespmem:$0x10200] =	vst v63  }
0xd6: {  	s21 =	simm.s32 $0xA00;
	v3 =	vperm.xlane v3, v2  }
0xd7: {  	[tilespmem:s21], [sflag:$0x1] =	stream.indirect_vreg.gather [hbm4b:s4+s3], $0x80, v4, vm0, $0xb8;
	[tilespmem:$0x10200] =	vst v63  }
0xd8: {  	s25 =	simm.s32 $0x1200;
	v3 =	vadd.s32 v1, v3  }
0xd9: {  	[tilespmem:s25], [sflag:$0x1] =	stream.indirect_vreg.gather [hbm4b:s5+s3], $0x80, v4, vm0, $0xb8;
	[tilespmem:$0x10200] =	vst v63  }
0xda: {  	s19 =	simm.s32 $0x1A00  }
0xdb: {  	[tilespmem:s19], [sflag:$0x1] =	stream.indirect_vreg.gather [hbm4b:s6+s3], $0x80, v4, vm0, $0xb8;
	[tilespmem:$0x10200] =	vst v63  }
0xdc: {  	s25 =	simm.s32 $0x2200  }
0xdd: {  	[tilespmem:s25], [sflag:$0x1] =	stream.indirect_vreg.gather [hbm4b:s1+s3], $0x80, v3, vm0, $0xb8;
	[tilespmem:$0x10200] =	vst v63  }
0xde: {  	s19 =	simm.s32 $0x2A00  }
0xdf: {  	[tilespmem:s19], [sflag:$0x1] =	stream.indirect_vreg.gather [hbm4b:s4+s3], $0x80, v3, vm0, $0xb8;
	[tilespmem:$0x10200] =	vst v63  }
0xe0: {  	s25 =	simm.s32 $0x3200  }
0xe1: {  	[tilespmem:s25], [sflag:$0x1] =	stream.indirect_vreg.gather [hbm4b:s5+s3], $0x80, v3, vm0, $0xb8;
	[tilespmem:$0x10200] =	vst v63  }
0xe2: {  	s19 =	simm.s32 $0x3A00  }
0xe3: {  	[tilespmem:s19], [sflag:$0x1] =	stream.indirect_vreg.gather [hbm4b:s6+s3], $0x80, v3, vm0, $0xb8;
	[tilespmem:$0x10200] =	vst v63  }
0xe4: {  	v3 =	vld [tilespmem:$0x110];
	_ =	sdelay $0x4  }
0xe5: {  	v57 =	vshll.u32 v3, $0x3  }
0xe6: {  	v3 =	vand.u32 $0x7, v3;
	v4 =	vand.u32 $0xFFFFFFC0, v57  }
0xe7: {  	v3 =	vor.u32 v3, v4  }
0xe8: {  	v4 =	vperm.xlane v3, v0;
	_ =	sdelay $0x1  }
0xe9: {  	v4 =	vadd.s32 v1, v4;
	_ =	sdelay $0x4  }
0xea: {  	[tilespmem:s16], [sflag:$0x1] =	stream.indirect_vreg.gather [hbm4b:s1+s3], $0x80, v4, vm0, $0xb8;
	[tilespmem:$0x10200] =	vst v63  }
0xeb: {  	s25 =	simm.s32 $0x4A00;
	v3 =	vperm.xlane v3, v2  }
0xec: {  	[tilespmem:s25], [sflag:$0x1] =	stream.indirect_vreg.gather [hbm4b:s4+s3], $0x80, v4, vm0, $0xb8;
	[tilespmem:$0x10200] =	vst v63  }
0xed: {  	s19 =	simm.s32 $0x5200;
	v3 =	vadd.s32 v1, v3  }
0xee: {  	[tilespmem:s19], [sflag:$0x1] =	stream.indirect_vreg.gather [hbm4b:s5+s3], $0x80, v4, vm0, $0xb8;
	[tilespmem:$0x10200] =	vst v63  }
0xef: {  	_ = 	snop  }
0xf0: {  	[tilespmem:s31], [sflag:$0x1] =	stream.indirect_vreg.gather [hbm4b:s6+s3], $0x80, v4, vm0, $0xb8;
	[tilespmem:$0x10200] =	vst v63  }
0xf1: {  	_ = 	snop  }
0xf2: {  	[tilespmem:s0], [sflag:$0x1] =	stream.indirect_vreg.gather [hbm4b:s1+s3], $0x80, v3, vm0, $0xb8;
	[tilespmem:$0x10200] =	vst v63  }
0xf3: {  	_ = 	snop  }
0xf4: {  	[tilespmem:s2], [sflag:$0x1] =	stream.indirect_vreg.gather [hbm4b:s4+s3], $0x80, v3, vm0, $0xb8;
	[tilespmem:$0x10200] =	vst v63  }
0xf5: {  	_ = 	snop  }
0xf6: {  	[tilespmem:s9], [sflag:$0x1] =	stream.indirect_vreg.gather [hbm4b:s5+s3], $0x80, v3, vm0, $0xb8;
	[tilespmem:$0x10200] =	vst v63  }
0xf7: {  	_ = 	snop  }
0xf8: {  	[tilespmem:s13], [sflag:$0x1] =	stream.indirect_vreg.gather [hbm4b:s6+s3], $0x80, v3, vm0, $0xb8;
	[tilespmem:$0x10200] =	vst v63  }
0xf9: {  	v3 =	vld [tilespmem:$0x120];
	_ =	sdelay $0x4  }
0xfa: {  	v58 =	vshll.u32 v3, $0x3  }
0xfb: {  	v3 =	vand.u32 $0x7, v3;
	v4 =	vand.u32 $0xFFFFFFC0, v58  }
0xfc: {  	v3 =	vor.u32 v3, v4  }
0xfd: {  	v4 =	vperm.xlane v3, v0;
	_ =	sdelay $0x1  }
0xfe: {  	v4 =	vadd.s32 v1, v4;
	_ =	sdelay $0x4  }
0xff: {  	[tilespmem:s14], [sflag:$0x1] =	stream.indirect_vreg.gather [hbm4b:s1+s3], $0x80, v4, vm0, $0xb8;
	[tilespmem:$0x10200] =	vst v63  }
0x100: {  	v3 =	vperm.xlane v3, v2  }
0x101: {  	[tilespmem:s15], [sflag:$0x1] =	stream.indirect_vreg.gather [hbm4b:s4+s3], $0x80, v4, vm0, $0xb8;
	[tilespmem:$0x10200] =	vst v63  }
0x102: {  	v3 =	vadd.s32 v1, v3  }
0x103: {  	[tilespmem:s10], [sflag:$0x1] =	stream.indirect_vreg.gather [hbm4b:s5+s3], $0x80, v4, vm0, $0xb8;
	[tilespmem:$0x10200] =	vst v63  }
0x104: {  	_ = 	snop  }
0x105: {  	[tilespmem:s11], [sflag:$0x1] =	stream.indirect_vreg.gather [hbm4b:s6+s3], $0x80, v4, vm0, $0xb8;
	[tilespmem:$0x10200] =	vst v63  }
0x106: {  	_ = 	snop  }
0x107: {  	[tilespmem:s12], [sflag:$0x1] =	stream.indirect_vreg.gather [hbm4b:s1+s3], $0x80, v3, vm0, $0xb8;
	[tilespmem:$0x10200] =	vst v63  }
0x108: {  	s24 =	simm.s32 $0xAA00  }
0x109: {  	[tilespmem:s24], [sflag:$0x1] =	stream.indirect_vreg.gather [hbm4b:s4+s3], $0x80, v3, vm0, $0xb8;
	[tilespmem:$0x10200] =	vst v63  }
0x10a: {  	s28 =	simm.s32 $0xB200  }
0x10b: {  	[tilespmem:s28], [sflag:$0x1] =	stream.indirect_vreg.gather [hbm4b:s5+s3], $0x80, v3, vm0, $0xb8;
	[tilespmem:$0x10200] =	vst v63  }
0x10c: {  	s24 =	simm.s32 $0xBA00  }
0x10d: {  	[tilespmem:s24], [sflag:$0x1] =	stream.indirect_vreg.gather [hbm4b:s6+s3], $0x80, v3, vm0, $0xb8;
	[tilespmem:$0x10200] =	vst v63  }
0x10e: {  	v3 =	vld [tilespmem:$0x130];
	_ =	sdelay $0x4  }
0x10f: {  	v59 =	vshll.u32 v3, $0x3  }
0x110: {  	v3 =	vand.u32 $0x7, v3;
	v4 =	vand.u32 $0xFFFFFFC0, v59  }
0x111: {  	v3 =	vor.u32 v3, v4  }
0x112: {  	v4 =	vperm.xlane v3, v0;
	_ =	sdelay $0x1  }
0x113: {  	v4 =	vadd.s32 v1, v4;
	_ =	sdelay $0x3  }
0x114: {  	s25 =	simm.s32 $0xC200  }
0x115: {  	[tilespmem:s25], [sflag:$0x1] =	stream.indirect_vreg.gather [hbm4b:s1+s3], $0x80, v4, vm0, $0xb8;
	[tilespmem:$0x10200] =	vst v63  }
0x116: {  	s28 =	simm.s32 $0xCA00;
	v3 =	vperm.xlane v3, v2  }
0x117: {  	[tilespmem:s28], [sflag:$0x1] =	stream.indirect_vreg.gather [hbm4b:s4+s3], $0x80, v4, vm0, $0xb8;
	[tilespmem:$0x10200] =	vst v63  }
0x118: {  	s20 =	simm.s32 $0xD200;
	v3 =	vadd.s32 v1, v3  }
0x119: {  	[tilespmem:s20], [sflag:$0x1] =	stream.indirect_vreg.gather [hbm4b:s5+s3], $0x80, v4, vm0, $0xb8;
	[tilespmem:$0x10200] =	vst v63  }
0x11a: {  	s22 =	simm.s32 $0xDA00  }
0x11b: {  	[tilespmem:s22], [sflag:$0x1] =	stream.indirect_vreg.gather [hbm4b:s6+s3], $0x80, v4, vm0, $0xb8;
	[tilespmem:$0x10200] =	vst v63  }
0x11c: {  	s29 =	simm.s32 $0xE200  }
0x11d: {  	[tilespmem:s29], [sflag:$0x1] =	stream.indirect_vreg.gather [hbm4b:s1+s3], $0x80, v3, vm0, $0xb8;
	[tilespmem:$0x10200] =	vst v63  }
0x11e: {  	s26 =	simm.s32 $0xEA00  }
0x11f: {  	[tilespmem:s26], [sflag:$0x1] =	stream.indirect_vreg.gather [hbm4b:s4+s3], $0x80, v3, vm0, $0xb8;
	[tilespmem:$0x10200] =	vst v63  }
0x120: {  	s30 =	simm.s32 $0xF200  }
0x121: {  	[tilespmem:s30], [sflag:$0x1] =	stream.indirect_vreg.gather [hbm4b:s5+s3], $0x80, v3, vm0, $0xb8;
	[tilespmem:$0x10200] =	vst v63  }
0x122: {  	s29 =	simm.s32 $0xFA00  }
0x123: {  	[tilespmem:s29], [sflag:$0x1] =	stream.indirect_vreg.gather [hbm4b:s6+s3], $0x80, v3, vm0, $0xb8;
	[tilespmem:$0x10200] =	vst v63  }
0x124: {  	_ =	swait.ge [sflag:s18], $0x10000  }
0x125: {  	[sflag:s18] =	ssyncset.done $0x0  }
0x126: {  	s30 =	rddreg [dreg:$0x7];
	[sflag:s18] =	ssyncadd.s32 $0xFFFF0000  }
0x127: {  	[hbm4b:s30+s3] =	stream.linear.scatter [tilespmem:s23], [sflag:$0x2], $0x10000, $0x38;
	[tilespmem:$0x10200] =	vst v63  }
0x128: {  	_ =	swait.ge [sflag:s8], $0x10000  }
0x129: {  	[sflag:s8] =	ssyncset.done $0x0  }
0x12a: {  	[sflag:s8] =	ssyncadd.s32 $0xFFFF0000  }
0x12b: {  	v3 =	vld [tilespmem:$0x180];
	_ =	sdelay $0x4  }
0x12c: {  	v60 =	vshll.u32 v3, $0x3  }
0x12d: {  	v3 =	vand.u32 $0x7, v3;
	v4 =	vand.u32 $0xFFFFFFC0, v60  }
0x12e: {  	v3 =	vor.u32 v3, v4  }
0x12f: {  	v4 =	vperm.xlane v3, v0;
	_ =	sdelay $0x1  }
0x130: {  	v4 =	vadd.s32 v1, v4;
	_ =	sdelay $0x4  }
0x131: {  	[tilespmem:s23], [sflag:$0x1] =	stream.indirect_vreg.gather [hbm4b:s1+s3], $0x80, v4, vm0, $0xb8;
	[tilespmem:$0x10200] =	vst v63  }
0x132: {  	s29 =	simm.s32 $0xA00;
	v3 =	vperm.xlane v3, v2  }
0x133: {  	[tilespmem:s29], [sflag:$0x1] =	stream.indirect_vreg.gather [hbm4b:s4+s3], $0x80, v4, vm0, $0xb8;
	[tilespmem:$0x10200] =	vst v63  }
0x134: {  	s21 =	simm.s32 $0x1200;
	v3 =	vadd.s32 v1, v3  }
0x135: {  	[tilespmem:s21], [sflag:$0x1] =	stream.indirect_vreg.gather [hbm4b:s5+s3], $0x80, v4, vm0, $0xb8;
	[tilespmem:$0x10200] =	vst v63  }
0x136: {  	s30 =	simm.s32 $0x1A00  }
0x137: {  	[tilespmem:s30], [sflag:$0x1] =	stream.indirect_vreg.gather [hbm4b:s6+s3], $0x80, v4, vm0, $0xb8;
	[tilespmem:$0x10200] =	vst v63  }
0x138: {  	s21 =	simm.s32 $0x2200  }
0x139: {  	[tilespmem:s21], [sflag:$0x1] =	stream.indirect_vreg.gather [hbm4b:s1+s3], $0x80, v3, vm0, $0xb8;
	[tilespmem:$0x10200] =	vst v63  }
0x13a: {  	s29 =	simm.s32 $0x2A00  }
0x13b: {  	[tilespmem:s29], [sflag:$0x1] =	stream.indirect_vreg.gather [hbm4b:s4+s3], $0x80, v3, vm0, $0xb8;
	[tilespmem:$0x10200] =	vst v63  }
0x13c: {  	s30 =	simm.s32 $0x3200  }
0x13d: {  	[tilespmem:s30], [sflag:$0x1] =	stream.indirect_vreg.gather [hbm4b:s5+s3], $0x80, v3, vm0, $0xb8;
	[tilespmem:$0x10200] =	vst v63  }
0x13e: {  	s21 =	simm.s32 $0x3A00  }
0x13f: {  	[tilespmem:s21], [sflag:$0x1] =	stream.indirect_vreg.gather [hbm4b:s6+s3], $0x80, v3, vm0, $0xb8;
	[tilespmem:$0x10200] =	vst v63  }
0x140: {  	v3 =	vld [tilespmem:$0x190];
	_ =	sdelay $0x4  }
0x141: {  	v61 =	vshll.u32 v3, $0x3  }
0x142: {  	v3 =	vand.u32 $0x7, v3;
	v4 =	vand.u32 $0xFFFFFFC0, v61  }
0x143: {  	v3 =	vor.u32 v3, v4  }
0x144: {  	v4 =	vperm.xlane v3, v0;
	_ =	sdelay $0x1  }
0x145: {  	v4 =	vadd.s32 v1, v4;
	_ =	sdelay $0x3  }
0x146: {  	s16 =	simm.s32 $0x4200  }
0x147: {  	[tilespmem:s16], [sflag:$0x1] =	stream.indirect_vreg.gather [hbm4b:s1+s3], $0x80, v4, vm0, $0xb8;
	[tilespmem:$0x10200] =	vst v63  }
0x148: {  	s29 =	simm.s32 $0x4A00;
	v3 =	vperm.xlane v3, v2  }
0x149: {  	[tilespmem:s29], [sflag:$0x1] =	stream.indirect_vreg.gather [hbm4b:s4+s3], $0x80, v4, vm0, $0xb8;
	[tilespmem:$0x10200] =	vst v63  }
0x14a: {  	s30 =	simm.s32 $0x5200;
	v3 =	vadd.s32 v1, v3  }
0x14b: {  	[tilespmem:s30], [sflag:$0x1] =	stream.indirect_vreg.gather [hbm4b:s5+s3], $0x80, v4, vm0, $0xb8;
	[tilespmem:$0x10200] =	vst v63  }
0x14c: {  	s17 =	simm.s32 $0x5A00  }
0x14d: {  	[tilespmem:s17], [sflag:$0x1] =	stream.indirect_vreg.gather [hbm4b:s6+s3], $0x80, v4, vm0, $0xb8;
	[tilespmem:$0x10200] =	vst v63  }
0x14e: {  	s0 =	simm.s32 $0x6200  }
0x14f: {  	[tilespmem:s0], [sflag:$0x1] =	stream.indirect_vreg.gather [hbm4b:s1+s3], $0x80, v3, vm0, $0xb8;
	[tilespmem:$0x10200] =	vst v63  }
0x150: {  	s2 =	simm.s32 $0x6A00  }
0x151: {  	[tilespmem:s2], [sflag:$0x1] =	stream.indirect_vreg.gather [hbm4b:s4+s3], $0x80, v3, vm0, $0xb8;
	[tilespmem:$0x10200] =	vst v63  }
0x152: {  	s9 =	simm.s32 $0x7200  }
0x153: {  	[tilespmem:s9], [sflag:$0x1] =	stream.indirect_vreg.gather [hbm4b:s5+s3], $0x80, v3, vm0, $0xb8;
	[tilespmem:$0x10200] =	vst v63  }
0x154: {  	s13 =	simm.s32 $0x7A00  }
0x155: {  	[tilespmem:s13], [sflag:$0x1] =	stream.indirect_vreg.gather [hbm4b:s6+s3], $0x80, v3, vm0, $0xb8;
	[tilespmem:$0x10200] =	vst v63  }
0x156: {  	v3 =	vld [tilespmem:$0x1A0];
	_ =	sdelay $0x4  }
0x157: {  	v62 =	vshll.u32 v3, $0x3  }
0x158: {  	v3 =	vand.u32 $0x7, v3;
	v4 =	vand.u32 $0xFFFFFFC0, v62  }
0x159: {  	v3 =	vor.u32 v3, v4  }
0x15a: {  	v4 =	vperm.xlane v3, v0;
	_ =	sdelay $0x1  }
0x15b: {  	v4 =	vadd.s32 v1, v4;
	_ =	sdelay $0x3  }
0x15c: {  	s14 =	simm.s32 $0x8200  }
0x15d: {  	[tilespmem:s14], [sflag:$0x1] =	stream.indirect_vreg.gather [hbm4b:s1+s3], $0x80, v4, vm0, $0xb8;
	[tilespmem:$0x10200] =	vst v63  }
0x15e: {  	s15 =	simm.s32 $0x8A00;
	v3 =	vperm.xlane v3, v2  }
0x15f: {  	[tilespmem:s15], [sflag:$0x1] =	stream.indirect_vreg.gather [hbm4b:s4+s3], $0x80, v4, vm0, $0xb8;
	[tilespmem:$0x10200] =	vst v63  }
0x160: {  	s10 =	simm.s32 $0x9200;
	v3 =	vadd.s32 v1, v3  }
0x161: {  	[tilespmem:s10], [sflag:$0x1] =	stream.indirect_vreg.gather [hbm4b:s5+s3], $0x80, v4, vm0, $0xb8;
	[tilespmem:$0x10200] =	vst v63  }
0x162: {  	s11 =	simm.s32 $0x9A00  }
0x163: {  	[tilespmem:s11], [sflag:$0x1] =	stream.indirect_vreg.gather [hbm4b:s6+s3], $0x80, v4, vm0, $0xb8;
	[tilespmem:$0x10200] =	vst v63  }
0x164: {  	s12 =	simm.s32 $0xA200  }
0x165: {  	[tilespmem:s12], [sflag:$0x1] =	stream.indirect_vreg.gather [hbm4b:s1+s3], $0x80, v3, vm0, $0xb8;
	[tilespmem:$0x10200] =	vst v63  }
0x166: {  	s31 =	simm.s32 $0xAA00  }
0x167: {  	[tilespmem:s31], [sflag:$0x1] =	stream.indirect_vreg.gather [hbm4b:s4+s3], $0x80, v3, vm0, $0xb8;
	[tilespmem:$0x10200] =	vst v63  }
0x168: {  	s19 =	simm.s32 $0xB200  }
0x169: {  	[tilespmem:s19], [sflag:$0x1] =	stream.indirect_vreg.gather [hbm4b:s5+s3], $0x80, v3, vm0, $0xb8;
	[tilespmem:$0x10200] =	vst v63  }
0x16a: {  	s21 =	simm.s32 $0xBA00  }
0x16b: {  	[tilespmem:s21], [sflag:$0x1] =	stream.indirect_vreg.gather [hbm4b:s6+s3], $0x80, v3, vm0, $0xb8;
	[tilespmem:$0x10200] =	vst v63  }
0x16c: {  	v3 =	vld [tilespmem:$0x1B0];
	_ =	sdelay $0x4  }
0x16d: {  	v63 =	vshll.u32 v3, $0x3  }
0x16e: {  	v3 =	vand.u32 $0x7, v3;
	v4 =	vand.u32 $0xFFFFFFC0, v63  }
0x16f: {  	v3 =	vor.u32 v3, v4  }
0x170: {  	v4 =	vperm.xlane v3, v0;
	_ =	sdelay $0x1  }
0x171: {  	v4 =	vadd.s32 v1, v4;
	_ =	sdelay $0x3  }
0x172: {  	s29 =	simm.s32 $0xC200  }
0x173: {  	[tilespmem:s29], [sflag:$0x1] =	stream.indirect_vreg.gather [hbm4b:s1+s3], $0x80, v4, vm0, $0xb8;
	[tilespmem:$0x10200] =	vst v63  }
0x174: {  	s30 =	simm.s32 $0xCA00;
	v3 =	vperm.xlane v3, v2  }
0x175: {  	[tilespmem:s30], [sflag:$0x1] =	stream.indirect_vreg.gather [hbm4b:s4+s3], $0x80, v4, vm0, $0xb8;
	[tilespmem:$0x10200] =	vst v63  }
0x176: {  	s28 =	simm.s32 $0xD200;
	v3 =	vadd.s32 v1, v3  }
0x177: {  	[tilespmem:s28], [sflag:$0x1] =	stream.indirect_vreg.gather [hbm4b:s5+s3], $0x80, v4, vm0, $0xb8;
	[tilespmem:$0x10200] =	vst v63  }
0x178: {  	s20 =	simm.s32 $0xDA00  }
0x179: {  	[tilespmem:s20], [sflag:$0x1] =	stream.indirect_vreg.gather [hbm4b:s6+s3], $0x80, v4, vm0, $0xb8;
	[tilespmem:$0x10200] =	vst v63  }
0x17a: {  	s24 =	simm.s32 $0xE200  }
0x17b: {  	[tilespmem:s24], [sflag:$0x1] =	stream.indirect_vreg.gather [hbm4b:s1+s3], $0x80, v3, vm0, $0xb8;
	[tilespmem:$0x10200] =	vst v63  }
0x17c: {  	s22 =	simm.s32 $0xEA00  }
0x17d: {  	[tilespmem:s22], [sflag:$0x1] =	stream.indirect_vreg.gather [hbm4b:s4+s3], $0x80, v3, vm0, $0xb8;
	[tilespmem:$0x10200] =	vst v63  }
0x17e: {  	s25 =	simm.s32 $0xF200  }
0x17f: {  	[tilespmem:s25], [sflag:$0x1] =	stream.indirect_vreg.gather [hbm4b:s5+s3], $0x80, v3, vm0, $0xb8;
	[tilespmem:$0x10200] =	vst v63  }
0x180: {  	s26 =	simm.s32 $0xFA00  }
0x181: {  	[tilespmem:s26], [sflag:$0x1] =	stream.indirect_vreg.gather [hbm4b:s6+s3], $0x80, v3, vm0, $0xb8;
	[tilespmem:$0x10200] =	vst v63  }
0x182: {  	_ =	swait.ge [sflag:s18], $0x10000  }
0x183: {  	p0 =	sne.s32 s7, $0x1;
	[sflag:s18] =	ssyncset.done $0x0  }
.Ltmp0:
0x184: {  	s31 =	rddreg [dreg:$0x8];
	[sflag:s18] =	ssyncadd.s32 $0xFFFF0000;
	(pc) =	sbr.rel @p0 .LBB2_1-.Ltmp0, $4  }
0x185: {  	[hbm4b:s31+s3] =	stream.linear.scatter [tilespmem:s23], [sflag:$0x2], $0x10000, $0x38;
	[tilespmem:$0x10200] =	vst v63  }
0x186: {  	_ =	swait.ge [sflag:s8], $0x10000  }
0x187: {  	[sflag:s8] =	ssyncset.done $0x0  }
0x188: {  	s7 =	sadd.s32 $0xFFFFFFFF, s7;
	[sflag:s8] =	ssyncadd.s32 $0xFFFF0000  }
0x189: {  	_ =	sfence.sel $0x180000  }
0x18a: {  	[bflag:$0x0] =	sbarrier.arrive $0xFFFF  }
0x18b: {  	_ =	strace $0x90000047  }
0x18c: {  	s0 =	stileid.u32;
	[bflag:$0x2] =	sbarrier.arrive $0xFFFF  }
0x18d: {  	p0 =	sne.s32 s0, $0x0;
	s0 =	rddreg [dreg:$0x3]  }
0x18e: {  	s0 =	sadd.s32 @!p0 $0x100000, s0  }
0x18f: {  	[sflag:s0] =	ssyncadd.tile.s32 @!p0 $0x1;
	_ =	shalt  }
.Lfunc_end2:
_tile_overlayer_lowered:
.L_overlay_start_2:
0x190: {  	(tag) =	ssettag $0x2  }
0x191: {  	s0 =	rddreg [dreg:$0x0];
	s2 =	stileid.u32  }
0x192: {  	s1 =	rddreg [dreg:$0x1];
	p0 =	sne.s32 s2, $0x0  }
0x193: {  	s3 =	rddreg [dreg:$0x2];
	[bflag:$0x3] =	sbarrier.arrive $0xFFFF;
	s2 =	simm.s32 @!p0 $0x1C02  }
0x194: {  	[timem:s3], [sflag:s2] =	dma.local @!p0 [hbm:s0], s1  }
0x195: {  	s0 =	simm.s32 @!p0 $0x2  }
0x196: {  	_ =	swait.ge @!p0 [sflag:s0], s1  }
0x197: {  	s1 =	ssub.s32 @!p0 $0x0, s1;
	[sflag:s0] =	ssyncset.done @!p0 $0x0  }
0x198: {  	[sflag:s0] =	ssyncadd.s32 @!p0 s1  }
0x199: {  	[bflag:$0x3] =	sbarrier.arrive $0xFFFF  }
0x19a: {  	_ =	shalt  }

</sc_bundles>
